<compile_context>
chip_gen: v7x
topology: tpu7x:2x2x1
jax: 0.10.2.dev20260603
libtpu: 0.0.44.dev20260713+nightly
codegen_flags: <defaults>
</compile_context>

<pallas_src>
import functools

import numpy as np
import jax
import jax.numpy as jnp
from jax import lax
from jax.experimental import pallas as pl
from jax.experimental.pallas import tpu as pltpu
from jax.experimental.pallas import tpu_sc as plsc

DIM_F = 1024
N_STAGES = 10
LANES = 16
NC, NS = 2, 16
NW = NC * NS
ROWS = 4 * 4096
ROWS_PER_W = ROWS // NW
CH = 8
N_CHUNKS = ROWS_PER_W // CH
N_PAIR_VREGS = DIM_F // (2 * LANES)
N_VREGS = DIM_F // LANES


def _build_tables():
    aidx = np.zeros((N_STAGES, DIM_F), np.int32)
    sgn = np.zeros((N_STAGES, DIM_F), np.float32)
    p = np.arange(DIM_F)
    for s in range(N_STAGES):
        stride = 1 << s
        aidx[s] = (((p >> (s + 1)) << s) | (p & (stride - 1))).astype(np.int32)
        sgn[s] = np.where((p & stride) != 0, 1.0, -1.0).astype(np.float32)
    return aidx, sgn


_AIDX, _SGN = _build_tables()


def _coef_body(a_ref, g_ref, c_ref, s_ref):
    a = a_ref[...]
    c_ref[...] = jnp.cos(a)
    s_ref[...] = jnp.sin(a) * g_ref[...]


def _make_coefs(angles):
    a_feat = jnp.take_along_axis(angles, jnp.asarray(_AIDX), axis=1)
    g_feat = jnp.asarray(_SGN)
    pad = ((0, 16 - N_STAGES), (0, 0))
    a16 = jnp.pad(a_feat, pad)
    g16 = jnp.pad(g_feat, pad)
    c16, s16 = pl.pallas_call(
        _coef_body,
        out_shape=(
            jax.ShapeDtypeStruct((16, DIM_F), jnp.float32),
            jax.ShapeDtypeStruct((16, DIM_F), jnp.float32),
        ),
    )(a16, g16)
    return c16[:N_STAGES], s16[:N_STAGES]


_MESH = plsc.VectorSubcoreMesh(
    core_axis_name="c", subcore_axis_name="s", num_cores=NC, num_subcores=NS
)


@functools.partial(
    pl.kernel,
    out_type=jax.ShapeDtypeStruct((ROWS, DIM_F), jnp.float32),
    mesh=_MESH,
    scratch_types=[
        pltpu.VMEM((CH, DIM_F), jnp.float32),
        pltpu.VMEM((N_STAGES, DIM_F), jnp.float32),
        pltpu.VMEM((N_STAGES, DIM_F), jnp.float32),
    ],
    compiler_params=pltpu.CompilerParams(needs_layout_passes=False),
)
def _butterfly_sc(x_hbm, c_hbm, s_hbm, out_hbm, buf, cc, ss):
    wid = lax.axis_index("s") * NC + lax.axis_index("c")
    base = wid * ROWS_PER_W
    pltpu.sync_copy(c_hbm, cc)
    pltpu.sync_copy(s_hbm, ss)

    def chunk_body(g, carry):
        row0 = base + g * CH
        pltpu.sync_copy(x_hbm.at[pl.ds(row0, CH)], buf)

        for st in range(N_STAGES):
            stride = 1 << st
            if stride >= LANES:
                svr = stride // LANES
                b = st - 4

                def pair_body(k, c2, svr=svr, b=b, st=st):
                    va = ((k >> b) << (b + 1)) | (k & (svr - 1))
                    oa = va * LANES
                    ob = oa + svr * LANES
                    cv = cc[st, pl.ds(ob, LANES)]
                    sn = ss[st, pl.ds(ob, LANES)]
                    for r in range(CH):
                        av = buf[r, pl.ds(oa, LANES)]
                        bv = buf[r, pl.ds(ob, LANES)]
                        buf[r, pl.ds(oa, LANES)] = cv * av - sn * bv
                        buf[r, pl.ds(ob, LANES)] = cv * bv + sn * av
                    return c2

                lax.fori_loop(0, N_PAIR_VREGS, pair_body, 0)
            else:
                perm = lax.iota(jnp.int32, LANES) ^ stride

                zeros = lax.iota(jnp.int32, LANES) * 0

                def vreg_body(v, c2, perm=perm, zeros=zeros, st=st):
                    off = v * LANES
                    cv = cc[st, pl.ds(off, LANES)]
                    sn = ss[st, pl.ds(off, LANES)]
                    pidx = perm + off
                    for r in range(CH):
                        xv = buf[r, pl.ds(off, LANES)]
                        xp = plsc.load_gather(buf, [zeros + r, pidx])
                        buf[r, pl.ds(off, LANES)] = cv * xv + sn * xp
                    return c2

                lax.fori_loop(0, N_VREGS, vreg_body, 0)

        pltpu.sync_copy(buf, out_hbm.at[pl.ds(row0, CH)])
        return carry

    lax.fori_loop(0, N_CHUNKS, chunk_body, 0)


def kernel(x, angles):
    orig_shape = x.shape
    x2 = x.reshape(ROWS, DIM_F)
    cc, ss = _make_coefs(angles)
    out = _butterfly_sc(x2, cc, ss)
    return out.reshape(orig_shape)

# --- scband reference (transcript-rebuilt; emitter-appended) ---
"""Pipeline reference for scband-butterfly-rotation-68994354643571 (READ-ONLY COPY).

The authoritative reference and input builder live on the scoring server;
editing this copy changes nothing except your own understanding.
"""

import jax, jax.numpy as jnp
import numpy as np

DIM = 1024
STAGES = 10

def _stage_indices(dim, stage):
    stride = 2 ** stage
    block = stride * 2
    ii, jj = [], []
    for start in range(0, dim, block):
        for off in range(stride):
            i = start + off
            j = i + stride
            if j < dim:
                ii.append(i)
                jj.append(j)
    return np.asarray(ii, dtype=np.int32), np.asarray(jj, dtype=np.int32)

_IDX = [_stage_indices(DIM, s) for s in range(STAGES)]

def setup_inputs(seed: int = 0) -> dict:
    key = jax.random.key(seed)
    k1, k2 = jax.random.split(key)
    x = jax.random.normal(k1, (4, 4096, DIM), dtype=jnp.float32)
    angles = jax.random.normal(k2, (STAGES, DIM // 2), dtype=jnp.float32) * 0.1
    return {"x": x, "angles": angles}

def reference(x, angles):
    orig_shape = x.shape
    out = x.reshape(-1, DIM)
    for stage in range(STAGES):
        idx_i = jnp.asarray(_IDX[stage][0])
        idx_j = jnp.asarray(_IDX[stage][1])
        vi = out[:, idx_i]
        vj = out[:, idx_j]
        c = jnp.cos(angles[stage])[None, :]
        s = jnp.sin(angles[stage])[None, :]
        rotated_i = c * vi - s * vj
        rotated_j = s * vi + c * vj
        out = out.at[:, idx_i].set(rotated_i)
        out = out.at[:, idx_j].set(rotated_j)
    return out.reshape(orig_shape)

if __name__ == "__main__":
    import jax
    _d = setup_inputs()
    print(jax.jit(kernel)(*tuple(_d.values())))

</pallas_src>

<mosaic_0001>
#map = affine_map<(d0, d1) -> (0, 0)>
module attributes {stable_mosaic.version = 14 : i64} {
  func.func @_butterfly_sc(%arg0: i32, %arg1: i32, %arg2: memref<16384x1024xf32, #tpu.memory_space<hbm>>, %arg3: memref<10x1024xf32, #tpu.memory_space<hbm>>, %arg4: memref<10x1024xf32, #tpu.memory_space<hbm>>, %arg5: memref<16384x1024xf32, #tpu.memory_space<hbm>>, %arg6: memref<8x1024xf32, #tpu.memory_space<vmem>>, %arg7: memref<10x1024xf32, #tpu.memory_space<vmem>>, %arg8: memref<10x1024xf32, #tpu.memory_space<vmem>>) attributes {dimension_semantics = [#tpu.dimension_semantics<core_parallel>, #tpu.dimension_semantics<subcore_parallel>], iteration_bounds = array<i64: 2, 16>, scalar_prefetch = 0 : i64, scratch_operands = 3 : i64, tpu.core_type = #tpu.core_type<sc_vector_subcore>, window_params = [{transform_indices = #map}, {transform_indices = #map}, {transform_indices = #map}, {transform_indices = #map}]} {
    %mul3A = arith.constant 2 : i32
    %mul3A_0 = arith.muli %arg1, %mul3A : i32
    %add3A = arith.addi %mul3A_0, %arg0 : i32
    %mul3A_1 = arith.constant 512 : i32
    %mul3A_2 = arith.muli %add3A, %mul3A_1 : i32
    "tpu.region"() ({
      %run_scoped3A = tpu.sem_alloc : memref<!tpu.dma_semaphore, #tpu.memory_space<semaphore_mem>>
      tpu.enqueue_dma source(%arg3 : memref<10x1024xf32, #tpu.memory_space<hbm>>) target(%arg7 : memref<10x1024xf32, #tpu.memory_space<vmem>>) target_semaphore(%run_scoped3A : memref<!tpu.dma_semaphore, #tpu.memory_space<semaphore_mem>>)
      tpu.wait_dma2 semaphore(%run_scoped3A : memref<!tpu.dma_semaphore, #tpu.memory_space<semaphore_mem>>) src(%arg3 : memref<10x1024xf32, #tpu.memory_space<hbm>>) dst(%arg7 : memref<10x1024xf32, #tpu.memory_space<vmem>>)
      tpu.yield
    }) : () -> ()
    "tpu.region"() ({
      %run_scoped3A = tpu.sem_alloc : memref<!tpu.dma_semaphore, #tpu.memory_space<semaphore_mem>>
      tpu.enqueue_dma source(%arg4 : memref<10x1024xf32, #tpu.memory_space<hbm>>) target(%arg8 : memref<10x1024xf32, #tpu.memory_space<vmem>>) target_semaphore(%run_scoped3A : memref<!tpu.dma_semaphore, #tpu.memory_space<semaphore_mem>>)
      tpu.wait_dma2 semaphore(%run_scoped3A : memref<!tpu.dma_semaphore, #tpu.memory_space<semaphore_mem>>) src(%arg4 : memref<10x1024xf32, #tpu.memory_space<hbm>>) dst(%arg8 : memref<10x1024xf32, #tpu.memory_space<vmem>>)
      tpu.yield
    }) : () -> ()
    %scan3A = arith.constant 0 : i32
    %scan3A_3 = arith.constant 0 : i32
    %scan3A_4 = arith.constant 64 : i32
    %scan3A_5 = arith.addi %scan3A_3, %scan3A_4 : i32
    %scan3A_6 = arith.constant 1 : i32
    scf.for %scan3A_8 = %scan3A_3 to %scan3A_5 step %scan3A_6  : i32 {
      %mul3A_9 = arith.constant 8 : i32
      %mul3A_10 = arith.muli %scan3A_8, %mul3A_9 : i32
      %add3A_11 = arith.addi %mul3A_2, %mul3A_10 : i32
      "tpu.region"() ({
        %run_scoped3A = tpu.sem_alloc : memref<!tpu.dma_semaphore, #tpu.memory_space<semaphore_mem>>
        %dma_start3A = arith.constant 0 : i32
        %dma_start3A_102 = tpu.memref_slice %arg2[%add3A_11, %dma_start3A] : memref<16384x1024xf32, #tpu.memory_space<hbm>> -> memref<8x1024xf32, #tpu.memory_space<hbm>>
        %dma_start3A_103 = arith.constant 0 : i32
        %dma_start3A_104 = tpu.memref_slice %arg2[%add3A_11, %dma_start3A_103] : memref<16384x1024xf32, #tpu.memory_space<hbm>> -> memref<8x1024xf32, #tpu.memory_space<hbm>>
        tpu.enqueue_dma source(%dma_start3A_104 : memref<8x1024xf32, #tpu.memory_space<hbm>>) target(%arg6 : memref<8x1024xf32, #tpu.memory_space<vmem>>) target_semaphore(%run_scoped3A : memref<!tpu.dma_semaphore, #tpu.memory_space<semaphore_mem>>)
        %dma_wait3A = arith.constant 0 : i32
        %dma_wait3A_105 = tpu.memref_slice %arg2[%add3A_11, %dma_wait3A] : memref<16384x1024xf32, #tpu.memory_space<hbm>> -> memref<8x1024xf32, #tpu.memory_space<hbm>>
        %dma_wait3A_106 = arith.constant 0 : i32
        %dma_wait3A_107 = tpu.memref_slice %arg2[%add3A_11, %dma_wait3A_106] : memref<16384x1024xf32, #tpu.memory_space<hbm>> -> memref<8x1024xf32, #tpu.memory_space<hbm>>
        tpu.wait_dma2 semaphore(%run_scoped3A : memref<!tpu.dma_semaphore, #tpu.memory_space<semaphore_mem>>) src(%dma_wait3A_107 : memref<8x1024xf32, #tpu.memory_space<hbm>>) dst(%arg6 : memref<8x1024xf32, #tpu.memory_space<vmem>>)
        tpu.yield
      }) : () -> ()
      %iota3A = tpu.iota {dimensions = array<i32: 0>} : vector<16xi32>
      %xor3A = arith.constant 1 : i32
      %xor3A_12 = vector.broadcast %xor3A : i32 to vector<16xi32>
      %xor3A_13 = arith.xori %iota3A, %xor3A_12 : vector<16xi32>
      %iota3A_14 = tpu.iota {dimensions = array<i32: 0>} : vector<16xi32>
      %mul3A_15 = arith.constant 0 : i32
      %mul3A_16 = vector.broadcast %mul3A_15 : i32 to vector<16xi32>
      %mul3A_17 = arith.muli %iota3A_14, %mul3A_16 : vector<16xi32>
      %scan3A_18 = arith.constant 0 : i32
      %scan3A_19 = arith.constant 0 : i32
      %scan3A_20 = arith.constant 64 : i32
      %scan3A_21 = arith.addi %scan3A_19, %scan3A_20 : i32
      %scan3A_22 = arith.constant 1 : i32
      scf.for %scan3A_102 = %scan3A_19 to %scan3A_21 step %scan3A_22  : i32 {
        %mul3A_103 = arith.constant 16 : i32
        %mul3A_104 = arith.muli %scan3A_102, %mul3A_103 : i32
        %get3A = arith.constant 0 : i32
        %get3A_105 = arith.index_cast %get3A : i32 to index
        %get3A_106 = arith.index_cast %mul3A_104 : i32 to index
        %get3A_107 = tpu.vector_load %arg7[%get3A_105, %get3A_106] {strides = array<i32>} : memref<10x1024xf32, #tpu.memory_space<vmem>>, vector<16xf32>,
        %get3A_108 = arith.constant 0 : i32
        %get3A_109 = arith.index_cast %get3A_108 : i32 to index
        %get3A_110 = arith.index_cast %mul3A_104 : i32 to index
        %get3A_111 = tpu.vector_load %arg8[%get3A_109, %get3A_110] {strides = array<i32>} : memref<10x1024xf32, #tpu.memory_space<vmem>>, vector<16xf32>,
        %add3A_112 = vector.broadcast %mul3A_104 : i32 to vector<16xi32>
        %add3A_113 = arith.addi %xor3A_13, %add3A_112 : vector<16xi32>
        %get3A_114 = arith.constant 0 : i32
        %get3A_115 = arith.index_cast %get3A_114 : i32 to index
        %get3A_116 = arith.index_cast %mul3A_104 : i32 to index
        %get3A_117 = tpu.vector_load %arg6[%get3A_115, %get3A_116] {strides = array<i32>} : memref<8x1024xf32, #tpu.memory_space<vmem>>, vector<16xf32>,
        %add3A_118 = arith.constant 0 : i32
        %add3A_119 = vector.broadcast %add3A_118 : i32 to vector<16xi32>
        %add3A_120 = arith.addi %mul3A_17, %add3A_119 : vector<16xi32>
        %gather3A = tpu.vector_load_idx %arg6[%add3A_120, %add3A_113] : memref<8x1024xf32, #tpu.memory_space<vmem>>[vector<16xi32>, vector<16xi32>], vector<16xf32>,
        %mul3A_121 = arith.mulf %get3A_107, %get3A_117 : vector<16xf32>
        %mul3A_122 = arith.mulf %get3A_111, %gather3A : vector<16xf32>
        %add3A_123 = arith.addf %mul3A_121, %mul3A_122 : vector<16xf32>
        %swap3A = arith.constant 0 : i32
        %swap3A_124 = arith.index_cast %swap3A : i32 to index
        %swap3A_125 = arith.index_cast %mul3A_104 : i32 to index
        %swap3A_126 = tpu.vector_load %arg6[%swap3A_124, %swap3A_125] {strides = array<i32>} : memref<8x1024xf32, #tpu.memory_space<vmem>>, vector<16xf32>,
        tpu.vector_store %arg6[%swap3A_124, %swap3A_125], %add3A_123 {strides = array<i32>} : memref<8x1024xf32, #tpu.memory_space<vmem>>, vector<16xf32>,
        %get3A_127 = arith.constant 1 : i32
        %get3A_128 = arith.index_cast %get3A_127 : i32 to index
        %get3A_129 = arith.index_cast %mul3A_104 : i32 to index
        %get3A_130 = tpu.vector_load %arg6[%get3A_128, %get3A_129] {strides = array<i32>} : memref<8x1024xf32, #tpu.memory_space<vmem>>, vector<16xf32>,
        %add3A_131 = arith.constant 1 : i32
        %add3A_132 = vector.broadcast %add3A_131 : i32 to vector<16xi32>
        %add3A_133 = arith.addi %mul3A_17, %add3A_132 : vector<16xi32>
        %gather3A_134 = tpu.vector_load_idx %arg6[%add3A_133, %add3A_113] : memref<8x1024xf32, #tpu.memory_space<vmem>>[vector<16xi32>, vector<16xi32>], vector<16xf32>,
        %mul3A_135 = arith.mulf %get3A_107, %get3A_130 : vector<16xf32>
        %mul3A_136 = arith.mulf %get3A_111, %gather3A_134 : vector<16xf32>
        %add3A_137 = arith.addf %mul3A_135, %mul3A_136 : vector<16xf32>
        %swap3A_138 = arith.constant 1 : i32
        %swap3A_139 = arith.index_cast %swap3A_138 : i32 to index
        %swap3A_140 = arith.index_cast %mul3A_104 : i32 to index
        %swap3A_141 = tpu.vector_load %arg6[%swap3A_139, %swap3A_140] {strides = array<i32>} : memref<8x1024xf32, #tpu.memory_space<vmem>>, vector<16xf32>,
        tpu.vector_store %arg6[%swap3A_139, %swap3A_140], %add3A_137 {strides = array<i32>} : memref<8x1024xf32, #tpu.memory_space<vmem>>, vector<16xf32>,
        %get3A_142 = arith.constant 2 : i32
        %get3A_143 = arith.index_cast %get3A_142 : i32 to index
        %get3A_144 = arith.index_cast %mul3A_104 : i32 to index
        %get3A_145 = tpu.vector_load %arg6[%get3A_143, %get3A_144] {strides = array<i32>} : memref<8x1024xf32, #tpu.memory_space<vmem>>, vector<16xf32>,
        %add3A_146 = arith.constant 2 : i32
        %add3A_147 = vector.broadcast %add3A_146 : i32 to vector<16xi32>
        %add3A_148 = arith.addi %mul3A_17, %add3A_147 : vector<16xi32>
        %gather3A_149 = tpu.vector_load_idx %arg6[%add3A_148, %add3A_113] : memref<8x1024xf32, #tpu.memory_space<vmem>>[vector<16xi32>, vector<16xi32>], vector<16xf32>,
        %mul3A_150 = arith.mulf %get3A_107, %get3A_145 : vector<16xf32>
        %mul3A_151 = arith.mulf %get3A_111, %gather3A_149 : vector<16xf32>
        %add3A_152 = arith.addf %mul3A_150, %mul3A_151 : vector<16xf32>
        %swap3A_153 = arith.constant 2 : i32
        %swap3A_154 = arith.index_cast %swap3A_153 : i32 to index
        %swap3A_155 = arith.index_cast %mul3A_104 : i32 to index
        %swap3A_156 = tpu.vector_load %arg6[%swap3A_154, %swap3A_155] {strides = array<i32>} : memref<8x1024xf32, #tpu.memory_space<vmem>>, vector<16xf32>,
        tpu.vector_store %arg6[%swap3A_154, %swap3A_155], %add3A_152 {strides = array<i32>} : memref<8x1024xf32, #tpu.memory_space<vmem>>, vector<16xf32>,
        %get3A_157 = arith.constant 3 : i32
        %get3A_158 = arith.index_cast %get3A_157 : i32 to index
        %get3A_159 = arith.index_cast %mul3A_104 : i32 to index
        %get3A_160 = tpu.vector_load %arg6[%get3A_158, %get3A_159] {strides = array<i32>} : memref<8x1024xf32, #tpu.memory_space<vmem>>, vector<16xf32>,
        %add3A_161 = arith.constant 3 : i32
        %add3A_162 = vector.broadcast %add3A_161 : i32 to vector<16xi32>
        %add3A_163 = arith.addi %mul3A_17, %add3A_162 : vector<16xi32>
        %gather3A_164 = tpu.vector_load_idx %arg6[%add3A_163, %add3A_113] : memref<8x1024xf32, #tpu.memory_space<vmem>>[vector<16xi32>, vector<16xi32>], vector<16xf32>,
        %mul3A_165 = arith.mulf %get3A_107, %get3A_160 : vector<16xf32>
        %mul3A_166 = arith.mulf %get3A_111, %gather3A_164 : vector<16xf32>
        %add3A_167 = arith.addf %mul3A_165, %mul3A_166 : vector<16xf32>
        %swap3A_168 = arith.constant 3 : i32
        %swap3A_169 = arith.index_cast %swap3A_168 : i32 to index
        %swap3A_170 = arith.index_cast %mul3A_104 : i32 to index
        %swap3A_171 = tpu.vector_load %arg6[%swap3A_169, %swap3A_170] {strides = array<i32>} : memref<8x1024xf32, #tpu.memory_space<vmem>>, vector<16xf32>,
        tpu.vector_store %arg6[%swap3A_169, %swap3A_170], %add3A_167 {strides = array<i32>} : memref<8x1024xf32, #tpu.memory_space<vmem>>, vector<16xf32>,
        %get3A_172 = arith.constant 4 : i32
        %get3A_173 = arith.index_cast %get3A_172 : i32 to index
        %get3A_174 = arith.index_cast %mul3A_104 : i32 to index
        %get3A_175 = tpu.vector_load %arg6[%get3A_173, %get3A_174] {strides = array<i32>} : memref<8x1024xf32, #tpu.memory_space<vmem>>, vector<16xf32>,
        %add3A_176 = arith.constant 4 : i32
        %add3A_177 = vector.broadcast %add3A_176 : i32 to vector<16xi32>
        %add3A_178 = arith.addi %mul3A_17, %add3A_177 : vector<16xi32>
        %gather3A_179 = tpu.vector_load_idx %arg6[%add3A_178, %add3A_113] : memref<8x1024xf32, #tpu.memory_space<vmem>>[vector<16xi32>, vector<16xi32>], vector<16xf32>,
        %mul3A_180 = arith.mulf %get3A_107, %get3A_175 : vector<16xf32>
        %mul3A_181 = arith.mulf %get3A_111, %gather3A_179 : vector<16xf32>
        %add3A_182 = arith.addf %mul3A_180, %mul3A_181 : vector<16xf32>
        %swap3A_183 = arith.constant 4 : i32
        %swap3A_184 = arith.index_cast %swap3A_183 : i32 to index
        %swap3A_185 = arith.index_cast %mul3A_104 : i32 to index
        %swap3A_186 = tpu.vector_load %arg6[%swap3A_184, %swap3A_185] {strides = array<i32>} : memref<8x1024xf32, #tpu.memory_space<vmem>>, vector<16xf32>,
        tpu.vector_store %arg6[%swap3A_184, %swap3A_185], %add3A_182 {strides = array<i32>} : memref<8x1024xf32, #tpu.memory_space<vmem>>, vector<16xf32>,
        %get3A_187 = arith.constant 5 : i32
        %get3A_188 = arith.index_cast %get3A_187 : i32 to index
        %get3A_189 = arith.index_cast %mul3A_104 : i32 to index
        %get3A_190 = tpu.vector_load %arg6[%get3A_188, %get3A_189] {strides = array<i32>} : memref<8x1024xf32, #tpu.memory_space<vmem>>, vector<16xf32>,
        %add3A_191 = arith.constant 5 : i32
        %add3A_192 = vector.broadcast %add3A_191 : i32 to vector<16xi32>
        %add3A_193 = arith.addi %mul3A_17, %add3A_192 : vector<16xi32>
        %gather3A_194 = tpu.vector_load_idx %arg6[%add3A_193, %add3A_113] : memref<8x1024xf32, #tpu.memory_space<vmem>>[vector<16xi32>, vector<16xi32>], vector<16xf32>,
        %mul3A_195 = arith.mulf %get3A_107, %get3A_190 : vector<16xf32>
        %mul3A_196 = arith.mulf %get3A_111, %gather3A_194 : vector<16xf32>
        %add3A_197 = arith.addf %mul3A_195, %mul3A_196 : vector<16xf32>
        %swap3A_198 = arith.constant 5 : i32
        %swap3A_199 = arith.index_cast %swap3A_198 : i32 to index
        %swap3A_200 = arith.index_cast %mul3A_104 : i32 to index
        %swap3A_201 = tpu.vector_load %arg6[%swap3A_199, %swap3A_200] {strides = array<i32>} : memref<8x1024xf32, #tpu.memory_space<vmem>>, vector<16xf32>,
        tpu.vector_store %arg6[%swap3A_199, %swap3A_200], %add3A_197 {strides = array<i32>} : memref<8x1024xf32, #tpu.memory_space<vmem>>, vector<16xf32>,
        %get3A_202 = arith.constant 6 : i32
        %get3A_203 = arith.index_cast %get3A_202 : i32 to index
        %get3A_204 = arith.index_cast %mul3A_104 : i32 to index
        %get3A_205 = tpu.vector_load %arg6[%get3A_203, %get3A_204] {strides = array<i32>} : memref<8x1024xf32, #tpu.memory_space<vmem>>, vector<16xf32>,
        %add3A_206 = arith.constant 6 : i32
        %add3A_207 = vector.broadcast %add3A_206 : i32 to vector<16xi32>
        %add3A_208 = arith.addi %mul3A_17, %add3A_207 : vector<16xi32>
        %gather3A_209 = tpu.vector_load_idx %arg6[%add3A_208, %add3A_113] : memref<8x1024xf32, #tpu.memory_space<vmem>>[vector<16xi32>, vector<16xi32>], vector<16xf32>,
        %mul3A_210 = arith.mulf %get3A_107, %get3A_205 : vector<16xf32>
        %mul3A_211 = arith.mulf %get3A_111, %gather3A_209 : vector<16xf32>
        %add3A_212 = arith.addf %mul3A_210, %mul3A_211 : vector<16xf32>
        %swap3A_213 = arith.constant 6 : i32
        %swap3A_214 = arith.index_cast %swap3A_213 : i32 to index
        %swap3A_215 = arith.index_cast %mul3A_104 : i32 to index
        %swap3A_216 = tpu.vector_load %arg6[%swap3A_214, %swap3A_215] {strides = array<i32>} : memref<8x1024xf32, #tpu.memory_space<vmem>>, vector<16xf32>,
        tpu.vector_store %arg6[%swap3A_214, %swap3A_215], %add3A_212 {strides = array<i32>} : memref<8x1024xf32, #tpu.memory_space<vmem>>, vector<16xf32>,
        %get3A_217 = arith.constant 7 : i32
        %get3A_218 = arith.index_cast %get3A_217 : i32 to index
        %get3A_219 = arith.index_cast %mul3A_104 : i32 to index
        %get3A_220 = tpu.vector_load %arg6[%get3A_218, %get3A_219] {strides = array<i32>} : memref<8x1024xf32, #tpu.memory_space<vmem>>, vector<16xf32>,
        %add3A_221 = arith.constant 7 : i32
        %add3A_222 = vector.broadcast %add3A_221 : i32 to vector<16xi32>
        %add3A_223 = arith.addi %mul3A_17, %add3A_222 : vector<16xi32>
        %gather3A_224 = tpu.vector_load_idx %arg6[%add3A_223, %add3A_113] : memref<8x1024xf32, #tpu.memory_space<vmem>>[vector<16xi32>, vector<16xi32>], vector<16xf32>,
        %mul3A_225 = arith.mulf %get3A_107, %get3A_220 : vector<16xf32>
        %mul3A_226 = arith.mulf %get3A_111, %gather3A_224 : vector<16xf32>
        %add3A_227 = arith.addf %mul3A_225, %mul3A_226 : vector<16xf32>
        %swap3A_228 = arith.constant 7 : i32
        %swap3A_229 = arith.index_cast %swap3A_228 : i32 to index
        %swap3A_230 = arith.index_cast %mul3A_104 : i32 to index
        %swap3A_231 = tpu.vector_load %arg6[%swap3A_229, %swap3A_230] {strides = array<i32>} : memref<8x1024xf32, #tpu.memory_space<vmem>>, vector<16xf32>,
        tpu.vector_store %arg6[%swap3A_229, %swap3A_230], %add3A_227 {strides = array<i32>} : memref<8x1024xf32, #tpu.memory_space<vmem>>, vector<16xf32>,
      }
      %scan3A_23 = arith.constant 64 : i32
      %iota3A_24 = tpu.iota {dimensions = array<i32: 0>} : vector<16xi32>
      %xor3A_25 = arith.constant 2 : i32
      %xor3A_26 = vector.broadcast %xor3A_25 : i32 to vector<16xi32>
      %xor3A_27 = arith.xori %iota3A_24, %xor3A_26 : vector<16xi32>
      %iota3A_28 = tpu.iota {dimensions = array<i32: 0>} : vector<16xi32>
      %mul3A_29 = arith.constant 0 : i32
      %mul3A_30 = vector.broadcast %mul3A_29 : i32 to vector<16xi32>
      %mul3A_31 = arith.muli %iota3A_28, %mul3A_30 : vector<16xi32>
      %scan3A_32 = arith.constant 0 : i32
      %scan3A_33 = arith.constant 0 : i32
      %scan3A_34 = arith.constant 64 : i32
      %scan3A_35 = arith.addi %scan3A_33, %scan3A_34 : i32
      %scan3A_36 = arith.constant 1 : i32
      scf.for %scan3A_102 = %scan3A_33 to %scan3A_35 step %scan3A_36  : i32 {
        %mul3A_103 = arith.constant 16 : i32
        %mul3A_104 = arith.muli %scan3A_102, %mul3A_103 : i32
        %get3A = arith.constant 1 : i32
        %get3A_105 = arith.index_cast %get3A : i32 to index
        %get3A_106 = arith.index_cast %mul3A_104 : i32 to index
        %get3A_107 = tpu.vector_load %arg7[%get3A_105, %get3A_106] {strides = array<i32>} : memref<10x1024xf32, #tpu.memory_space<vmem>>, vector<16xf32>,
        %get3A_108 = arith.constant 1 : i32
        %get3A_109 = arith.index_cast %get3A_108 : i32 to index
        %get3A_110 = arith.index_cast %mul3A_104 : i32 to index
        %get3A_111 = tpu.vector_load %arg8[%get3A_109, %get3A_110] {strides = array<i32>} : memref<10x1024xf32, #tpu.memory_space<vmem>>, vector<16xf32>,
        %add3A_112 = vector.broadcast %mul3A_104 : i32 to vector<16xi32>
        %add3A_113 = arith.addi %xor3A_27, %add3A_112 : vector<16xi32>
        %get3A_114 = arith.constant 0 : i32
        %get3A_115 = arith.index_cast %get3A_114 : i32 to index
        %get3A_116 = arith.index_cast %mul3A_104 : i32 to index
        %get3A_117 = tpu.vector_load %arg6[%get3A_115, %get3A_116] {strides = array<i32>} : memref<8x1024xf32, #tpu.memory_space<vmem>>, vector<16xf32>,
        %add3A_118 = arith.constant 0 : i32
        %add3A_119 = vector.broadcast %add3A_118 : i32 to vector<16xi32>
        %add3A_120 = arith.addi %mul3A_31, %add3A_119 : vector<16xi32>
        %gather3A = tpu.vector_load_idx %arg6[%add3A_120, %add3A_113] : memref<8x1024xf32, #tpu.memory_space<vmem>>[vector<16xi32>, vector<16xi32>], vector<16xf32>,
        %mul3A_121 = arith.mulf %get3A_107, %get3A_117 : vector<16xf32>
        %mul3A_122 = arith.mulf %get3A_111, %gather3A : vector<16xf32>
        %add3A_123 = arith.addf %mul3A_121, %mul3A_122 : vector<16xf32>
        %swap3A = arith.constant 0 : i32
        %swap3A_124 = arith.index_cast %swap3A : i32 to index
        %swap3A_125 = arith.index_cast %mul3A_104 : i32 to index
        %swap3A_126 = tpu.vector_load %arg6[%swap3A_124, %swap3A_125] {strides = array<i32>} : memref<8x1024xf32, #tpu.memory_space<vmem>>, vector<16xf32>,
        tpu.vector_store %arg6[%swap3A_124, %swap3A_125], %add3A_123 {strides = array<i32>} : memref<8x1024xf32, #tpu.memory_space<vmem>>, vector<16xf32>,
        %get3A_127 = arith.constant 1 : i32
        %get3A_128 = arith.index_cast %get3A_127 : i32 to index
        %get3A_129 = arith.index_cast %mul3A_104 : i32 to index
        %get3A_130 = tpu.vector_load %arg6[%get3A_128, %get3A_129] {strides = array<i32>} : memref<8x1024xf32, #tpu.memory_space<vmem>>, vector<16xf32>,
        %add3A_131 = arith.constant 1 : i32
        %add3A_132 = vector.broadcast %add3A_131 : i32 to vector<16xi32>
        %add3A_133 = arith.addi %mul3A_31, %add3A_132 : vector<16xi32>
        %gather3A_134 = tpu.vector_load_idx %arg6[%add3A_133, %add3A_113] : memref<8x1024xf32, #tpu.memory_space<vmem>>[vector<16xi32>, vector<16xi32>], vector<16xf32>,
        %mul3A_135 = arith.mulf %get3A_107, %get3A_130 : vector<16xf32>
        %mul3A_136 = arith.mulf %get3A_111, %gather3A_134 : vector<16xf32>
        %add3A_137 = arith.addf %mul3A_135, %mul3A_136 : vector<16xf32>
        %swap3A_138 = arith.constant 1 : i32
        %swap3A_139 = arith.index_cast %swap3A_138 : i32 to index
        %swap3A_140 = arith.index_cast %mul3A_104 : i32 to index
        %swap3A_141 = tpu.vector_load %arg6[%swap3A_139, %swap3A_140] {strides = array<i32>} : memref<8x1024xf32, #tpu.memory_space<vmem>>, vector<16xf32>,
        tpu.vector_store %arg6[%swap3A_139, %swap3A_140], %add3A_137 {strides = array<i32>} : memref<8x1024xf32, #tpu.memory_space<vmem>>, vector<16xf32>,
        %get3A_142 = arith.constant 2 : i32
        %get3A_143 = arith.index_cast %get3A_142 : i32 to index
        %get3A_144 = arith.index_cast %mul3A_104 : i32 to index
        %get3A_145 = tpu.vector_load %arg6[%get3A_143, %get3A_144] {strides = array<i32>} : memref<8x1024xf32, #tpu.memory_space<vmem>>, vector<16xf32>,
        %add3A_146 = arith.constant 2 : i32
        %add3A_147 = vector.broadcast %add3A_146 : i32 to vector<16xi32>
        %add3A_148 = arith.addi %mul3A_31, %add3A_147 : vector<16xi32>
        %gather3A_149 = tpu.vector_load_idx %arg6[%add3A_148, %add3A_113] : memref<8x1024xf32, #tpu.memory_space<vmem>>[vector<16xi32>, vector<16xi32>], vector<16xf32>,
        %mul3A_150 = arith.mulf %get3A_107, %get3A_145 : vector<16xf32>
        %mul3A_151 = arith.mulf %get3A_111, %gather3A_149 : vector<16xf32>
        %add3A_152 = arith.addf %mul3A_150, %mul3A_151 : vector<16xf32>
        %swap3A_153 = arith.constant 2 : i32
        %swap3A_154 = arith.index_cast %swap3A_153 : i32 to index
        %swap3A_155 = arith.index_cast %mul3A_104 : i32 to index
        %swap3A_156 = tpu.vector_load %arg6[%swap3A_154, %swap3A_155] {strides = array<i32>} : memref<8x1024xf32, #tpu.memory_space<vmem>>, vector<16xf32>,
        tpu.vector_store %arg6[%swap3A_154, %swap3A_155], %add3A_152 {strides = array<i32>} : memref<8x1024xf32, #tpu.memory_space<vmem>>, vector<16xf32>,
        %get3A_157 = arith.constant 3 : i32
        %get3A_158 = arith.index_cast %get3A_157 : i32 to index
        %get3A_159 = arith.index_cast %mul3A_104 : i32 to index
        %get3A_160 = tpu.vector_load %arg6[%get3A_158, %get3A_159] {strides = array<i32>} : memref<8x1024xf32, #tpu.memory_space<vmem>>, vector<16xf32>,
        %add3A_161 = arith.constant 3 : i32
        %add3A_162 = vector.broadcast %add3A_161 : i32 to vector<16xi32>
        %add3A_163 = arith.addi %mul3A_31, %add3A_162 : vector<16xi32>
        %gather3A_164 = tpu.vector_load_idx %arg6[%add3A_163, %add3A_113] : memref<8x1024xf32, #tpu.memory_space<vmem>>[vector<16xi32>, vector<16xi32>], vector<16xf32>,
        %mul3A_165 = arith.mulf %get3A_107, %get3A_160 : vector<16xf32>
        %mul3A_166 = arith.mulf %get3A_111, %gather3A_164 : vector<16xf32>
        %add3A_167 = arith.addf %mul3A_165, %mul3A_166 : vector<16xf32>
        %swap3A_168 = arith.constant 3 : i32
        %swap3A_169 = arith.index_cast %swap3A_168 : i32 to index
        %swap3A_170 = arith.index_cast %mul3A_104 : i32 to index
        %swap3A_171 = tpu.vector_load %arg6[%swap3A_169, %swap3A_170] {strides = array<i32>} : memref<8x1024xf32, #tpu.memory_space<vmem>>, vector<16xf32>,
        tpu.vector_store %arg6[%swap3A_169, %swap3A_170], %add3A_167 {strides = array<i32>} : memref<8x1024xf32, #tpu.memory_space<vmem>>, vector<16xf32>,
        %get3A_172 = arith.constant 4 : i32
        %get3A_173 = arith.index_cast %get3A_172 : i32 to index
        %get3A_174 = arith.index_cast %mul3A_104 : i32 to index
        %get3A_175 = tpu.vector_load %arg6[%get3A_173, %get3A_174] {strides = array<i32>} : memref<8x1024xf32, #tpu.memory_space<vmem>>, vector<16xf32>,
        %add3A_176 = arith.constant 4 : i32
        %add3A_177 = vector.broadcast %add3A_176 : i32 to vector<16xi32>
        %add3A_178 = arith.addi %mul3A_31, %add3A_177 : vector<16xi32>
        %gather3A_179 = tpu.vector_load_idx %arg6[%add3A_178, %add3A_113] : memref<8x1024xf32, #tpu.memory_space<vmem>>[vector<16xi32>, vector<16xi32>], vector<16xf32>,
        %mul3A_180 = arith.mulf %get3A_107, %get3A_175 : vector<16xf32>
        %mul3A_181 = arith.mulf %get3A_111, %gather3A_179 : vector<16xf32>
        %add3A_182 = arith.addf %mul3A_180, %mul3A_181 : vector<16xf32>
        %swap3A_183 = arith.constant 4 : i32
        %swap3A_184 = arith.index_cast %swap3A_183 : i32 to index
        %swap3A_185 = arith.index_cast %mul3A_104 : i32 to index
        %swap3A_186 = tpu.vector_load %arg6[%swap3A_184, %swap3A_185] {strides = array<i32>} : memref<8x1024xf32, #tpu.memory_space<vmem>>, vector<16xf32>,
        tpu.vector_store %arg6[%swap3A_184, %swap3A_185], %add3A_182 {strides = array<i32>} : memref<8x1024xf32, #tpu.memory_space<vmem>>, vector<16xf32>,
        %get3A_187 = arith.constant 5 : i32
        %get3A_188 = arith.index_cast %get3A_187 : i32 to index
        %get3A_189 = arith.index_cast %mul3A_104 : i32 to index
        %get3A_190 = tpu.vector_load %arg6[%get3A_188, %get3A_189] {strides = array<i32>} : memref<8x1024xf32, #tpu.memory_space<vmem>>, vector<16xf32>,
        %add3A_191 = arith.constant 5 : i32
        %add3A_192 = vector.broadcast %add3A_191 : i32 to vector<16xi32>
        %add3A_193 = arith.addi %mul3A_31, %add3A_192 : vector<16xi32>
        %gather3A_194 = tpu.vector_load_idx %arg6[%add3A_193, %add3A_113] : memref<8x1024xf32, #tpu.memory_space<vmem>>[vector<16xi32>, vector<16xi32>], vector<16xf32>,
        %mul3A_195 = arith.mulf %get3A_107, %get3A_190 : vector<16xf32>
        %mul3A_196 = arith.mulf %get3A_111, %gather3A_194 : vector<16xf32>
        %add3A_197 = arith.addf %mul3A_195, %mul3A_196 : vector<16xf32>
        %swap3A_198 = arith.constant 5 : i32
        %swap3A_199 = arith.index_cast %swap3A_198 : i32 to index
        %swap3A_200 = arith.index_cast %mul3A_104 : i32 to index
        %swap3A_201 = tpu.vector_load %arg6[%swap3A_199, %swap3A_200] {strides = array<i32>} : memref<8x1024xf32, #tpu.memory_space<vmem>>, vector<16xf32>,
        tpu.vector_store %arg6[%swap3A_199, %swap3A_200], %add3A_197 {strides = array<i32>} : memref<8x1024xf32, #tpu.memory_space<vmem>>, vector<16xf32>,
        %get3A_202 = arith.constant 6 : i32
        %get3A_203 = arith.index_cast %get3A_202 : i32 to index
        %get3A_204 = arith.index_cast %mul3A_104 : i32 to index
        %get3A_205 = tpu.vector_load %arg6[%get3A_203, %get3A_204] {strides = array<i32>} : memref<8x1024xf32, #tpu.memory_space<vmem>>, vector<16xf32>,
        %add3A_206 = arith.constant 6 : i32
        %add3A_207 = vector.broadcast %add3A_206 : i32 to vector<16xi32>
        %add3A_208 = arith.addi %mul3A_31, %add3A_207 : vector<16xi32>
        %gather3A_209 = tpu.vector_load_idx %arg6[%add3A_208, %add3A_113] : memref<8x1024xf32, #tpu.memory_space<vmem>>[vector<16xi32>, vector<16xi32>], vector<16xf32>,
        %mul3A_210 = arith.mulf %get3A_107, %get3A_205 : vector<16xf32>
        %mul3A_211 = arith.mulf %get3A_111, %gather3A_209 : vector<16xf32>
        %add3A_212 = arith.addf %mul3A_210, %mul3A_211 : vector<16xf32>
        %swap3A_213 = arith.constant 6 : i32
        %swap3A_214 = arith.index_cast %swap3A_213 : i32 to index
        %swap3A_215 = arith.index_cast %mul3A_104 : i32 to index
        %swap3A_216 = tpu.vector_load %arg6[%swap3A_214, %swap3A_215] {strides = array<i32>} : memref<8x1024xf32, #tpu.memory_space<vmem>>, vector<16xf32>,
        tpu.vector_store %arg6[%swap3A_214, %swap3A_215], %add3A_212 {strides = array<i32>} : memref<8x1024xf32, #tpu.memory_space<vmem>>, vector<16xf32>,
        %get3A_217 = arith.constant 7 : i32
        %get3A_218 = arith.index_cast %get3A_217 : i32 to index
        %get3A_219 = arith.index_cast %mul3A_104 : i32 to index
        %get3A_220 = tpu.vector_load %arg6[%get3A_218, %get3A_219] {strides = array<i32>} : memref<8x1024xf32, #tpu.memory_space<vmem>>, vector<16xf32>,
        %add3A_221 = arith.constant 7 : i32
        %add3A_222 = vector.broadcast %add3A_221 : i32 to vector<16xi32>
        %add3A_223 = arith.addi %mul3A_31, %add3A_222 : vector<16xi32>
        %gather3A_224 = tpu.vector_load_idx %arg6[%add3A_223, %add3A_113] : memref<8x1024xf32, #tpu.memory_space<vmem>>[vector<16xi32>, vector<16xi32>], vector<16xf32>,
        %mul3A_225 = arith.mulf %get3A_107, %get3A_220 : vector<16xf32>
        %mul3A_226 = arith.mulf %get3A_111, %gather3A_224 : vector<16xf32>
        %add3A_227 = arith.addf %mul3A_225, %mul3A_226 : vector<16xf32>
        %swap3A_228 = arith.constant 7 : i32
        %swap3A_229 = arith.index_cast %swap3A_228 : i32 to index
        %swap3A_230 = arith.index_cast %mul3A_104 : i32 to index
        %swap3A_231 = tpu.vector_load %arg6[%swap3A_229, %swap3A_230] {strides = array<i32>} : memref<8x1024xf32, #tpu.memory_space<vmem>>, vector<16xf32>,
        tpu.vector_store %arg6[%swap3A_229, %swap3A_230], %add3A_227 {strides = array<i32>} : memref<8x1024xf32, #tpu.memory_space<vmem>>, vector<16xf32>,
      }
      %scan3A_37 = arith.constant 64 : i32
      %iota3A_38 = tpu.iota {dimensions = array<i32: 0>} : vector<16xi32>
      %xor3A_39 = arith.constant 4 : i32
      %xor3A_40 = vector.broadcast %xor3A_39 : i32 to vector<16xi32>
      %xor3A_41 = arith.xori %iota3A_38, %xor3A_40 : vector<16xi32>
      %iota3A_42 = tpu.iota {dimensions = array<i32: 0>} : vector<16xi32>
      %mul3A_43 = arith.constant 0 : i32
      %mul3A_44 = vector.broadcast %mul3A_43 : i32 to vector<16xi32>
      %mul3A_45 = arith.muli %iota3A_42, %mul3A_44 : vector<16xi32>
      %scan3A_46 = arith.constant 0 : i32
      %scan3A_47 = arith.constant 0 : i32
      %scan3A_48 = arith.constant 64 : i32
      %scan3A_49 = arith.addi %scan3A_47, %scan3A_48 : i32
      %scan3A_50 = arith.constant 1 : i32
      scf.for %scan3A_102 = %scan3A_47 to %scan3A_49 step %scan3A_50  : i32 {
        %mul3A_103 = arith.constant 16 : i32
        %mul3A_104 = arith.muli %scan3A_102, %mul3A_103 : i32
        %get3A = arith.constant 2 : i32
        %get3A_105 = arith.index_cast %get3A : i32 to index
        %get3A_106 = arith.index_cast %mul3A_104 : i32 to index
        %get3A_107 = tpu.vector_load %arg7[%get3A_105, %get3A_106] {strides = array<i32>} : memref<10x1024xf32, #tpu.memory_space<vmem>>, vector<16xf32>,
        %get3A_108 = arith.constant 2 : i32
        %get3A_109 = arith.index_cast %get3A_108 : i32 to index
        %get3A_110 = arith.index_cast %mul3A_104 : i32 to index
        %get3A_111 = tpu.vector_load %arg8[%get3A_109, %get3A_110] {strides = array<i32>} : memref<10x1024xf32, #tpu.memory_space<vmem>>, vector<16xf32>,
        %add3A_112 = vector.broadcast %mul3A_104 : i32 to vector<16xi32>
        %add3A_113 = arith.addi %xor3A_41, %add3A_112 : vector<16xi32>
        %get3A_114 = arith.constant 0 : i32
        %get3A_115 = arith.index_cast %get3A_114 : i32 to index
        %get3A_116 = arith.index_cast %mul3A_104 : i32 to index
        %get3A_117 = tpu.vector_load %arg6[%get3A_115, %get3A_116] {strides = array<i32>} : memref<8x1024xf32, #tpu.memory_space<vmem>>, vector<16xf32>,
        %add3A_118 = arith.constant 0 : i32
        %add3A_119 = vector.broadcast %add3A_118 : i32 to vector<16xi32>
        %add3A_120 = arith.addi %mul3A_45, %add3A_119 : vector<16xi32>
        %gather3A = tpu.vector_load_idx %arg6[%add3A_120, %add3A_113] : memref<8x1024xf32, #tpu.memory_space<vmem>>[vector<16xi32>, vector<16xi32>], vector<16xf32>,
        %mul3A_121 = arith.mulf %get3A_107, %get3A_117 : vector<16xf32>
        %mul3A_122 = arith.mulf %get3A_111, %gather3A : vector<16xf32>
        %add3A_123 = arith.addf %mul3A_121, %mul3A_122 : vector<16xf32>
        %swap3A = arith.constant 0 : i32
        %swap3A_124 = arith.index_cast %swap3A : i32 to index
        %swap3A_125 = arith.index_cast %mul3A_104 : i32 to index
        %swap3A_126 = tpu.vector_load %arg6[%swap3A_124, %swap3A_125] {strides = array<i32>} : memref<8x1024xf32, #tpu.memory_space<vmem>>, vector<16xf32>,
        tpu.vector_store %arg6[%swap3A_124, %swap3A_125], %add3A_123 {strides = array<i32>} : memref<8x1024xf32, #tpu.memory_space<vmem>>, vector<16xf32>,
        %get3A_127 = arith.constant 1 : i32
        %get3A_128 = arith.index_cast %get3A_127 : i32 to index
        %get3A_129 = arith.index_cast %mul3A_104 : i32 to index
        %get3A_130 = tpu.vector_load %arg6[%get3A_128, %get3A_129] {strides = array<i32>} : memref<8x1024xf32, #tpu.memory_space<vmem>>, vector<16xf32>,
        %add3A_131 = arith.constant 1 : i32
        %add3A_132 = vector.broadcast %add3A_131 : i32 to vector<16xi32>
        %add3A_133 = arith.addi %mul3A_45, %add3A_132 : vector<16xi32>
        %gather3A_134 = tpu.vector_load_idx %arg6[%add3A_133, %add3A_113] : memref<8x1024xf32, #tpu.memory_space<vmem>>[vector<16xi32>, vector<16xi32>], vector<16xf32>,
        %mul3A_135 = arith.mulf %get3A_107, %get3A_130 : vector<16xf32>
        %mul3A_136 = arith.mulf %get3A_111, %gather3A_134 : vector<16xf32>
        %add3A_137 = arith.addf %mul3A_135, %mul3A_136 : vector<16xf32>
        %swap3A_138 = arith.constant 1 : i32
        %swap3A_139 = arith.index_cast %swap3A_138 : i32 to index
        %swap3A_140 = arith.index_cast %mul3A_104 : i32 to index
        %swap3A_141 = tpu.vector_load %arg6[%swap3A_139, %swap3A_140] {strides = array<i32>} : memref<8x1024xf32, #tpu.memory_space<vmem>>, vector<16xf32>,
        tpu.vector_store %arg6[%swap3A_139, %swap3A_140], %add3A_137 {strides = array<i32>} : memref<8x1024xf32, #tpu.memory_space<vmem>>, vector<16xf32>,
        %get3A_142 = arith.constant 2 : i32
        %get3A_143 = arith.index_cast %get3A_142 : i32 to index
        %get3A_144 = arith.index_cast %mul3A_104 : i32 to index
        %get3A_145 = tpu.vector_load %arg6[%get3A_143, %get3A_144] {strides = array<i32>} : memref<8x1024xf32, #tpu.memory_space<vmem>>, vector<16xf32>,
        %add3A_146 = arith.constant 2 : i32
        %add3A_147 = vector.broadcast %add3A_146 : i32 to vector<16xi32>
        %add3A_148 = arith.addi %mul3A_45, %add3A_147 : vector<16xi32>
        %gather3A_149 = tpu.vector_load_idx %arg6[%add3A_148, %add3A_113] : memref<8x1024xf32, #tpu.memory_space<vmem>>[vector<16xi32>, vector<16xi32>], vector<16xf32>,
        %mul3A_150 = arith.mulf %get3A_107, %get3A_145 : vector<16xf32>
        %mul3A_151 = arith.mulf %get3A_111, %gather3A_149 : vector<16xf32>
        %add3A_152 = arith.addf %mul3A_150, %mul3A_151 : vector<16xf32>
        %swap3A_153 = arith.constant 2 : i32
        %swap3A_154 = arith.index_cast %swap3A_153 : i32 to index
        %swap3A_155 = arith.index_cast %mul3A_104 : i32 to index
        %swap3A_156 = tpu.vector_load %arg6[%swap3A_154, %swap3A_155] {strides = array<i32>} : memref<8x1024xf32, #tpu.memory_space<vmem>>, vector<16xf32>,
        tpu.vector_store %arg6[%swap3A_154, %swap3A_155], %add3A_152 {strides = array<i32>} : memref<8x1024xf32, #tpu.memory_space<vmem>>, vector<16xf32>,
        %get3A_157 = arith.constant 3 : i32
        %get3A_158 = arith.index_cast %get3A_157 : i32 to index
        %get3A_159 = arith.index_cast %mul3A_104 : i32 to index
        %get3A_160 = tpu.vector_load %arg6[%get3A_158, %get3A_159] {strides = array<i32>} : memref<8x1024xf32, #tpu.memory_space<vmem>>, vector<16xf32>,
        %add3A_161 = arith.constant 3 : i32
        %add3A_162 = vector.broadcast %add3A_161 : i32 to vector<16xi32>
        %add3A_163 = arith.addi %mul3A_45, %add3A_162 : vector<16xi32>
        %gather3A_164 = tpu.vector_load_idx %arg6[%add3A_163, %add3A_113] : memref<8x1024xf32, #tpu.memory_space<vmem>>[vector<16xi32>, vector<16xi32>], vector<16xf32>,
        %mul3A_165 = arith.mulf %get3A_107, %get3A_160 : vector<16xf32>
        %mul3A_166 = arith.mulf %get3A_111, %gather3A_164 : vector<16xf32>
        %add3A_167 = arith.addf %mul3A_165, %mul3A_166 : vector<16xf32>
        %swap3A_168 = arith.constant 3 : i32
        %swap3A_169 = arith.index_cast %swap3A_168 : i32 to index
        %swap3A_170 = arith.index_cast %mul3A_104 : i32 to index
        %swap3A_171 = tpu.vector_load %arg6[%swap3A_169, %swap3A_170] {strides = array<i32>} : memref<8x1024xf32, #tpu.memory_space<vmem>>, vector<16xf32>,
        tpu.vector_store %arg6[%swap3A_169, %swap3A_170], %add3A_167 {strides = array<i32>} : memref<8x1024xf32, #tpu.memory_space<vmem>>, vector<16xf32>,
        %get3A_172 = arith.constant 4 : i32
        %get3A_173 = arith.index_cast %get3A_172 : i32 to index
        %get3A_174 = arith.index_cast %mul3A_104 : i32 to index
        %get3A_175 = tpu.vector_load %arg6[%get3A_173, %get3A_174] {strides = array<i32>} : memref<8x1024xf32, #tpu.memory_space<vmem>>, vector<16xf32>,
        %add3A_176 = arith.constant 4 : i32
        %add3A_177 = vector.broadcast %add3A_176 : i32 to vector<16xi32>
        %add3A_178 = arith.addi %mul3A_45, %add3A_177 : vector<16xi32>
        %gather3A_179 = tpu.vector_load_idx %arg6[%add3A_178, %add3A_113] : memref<8x1024xf32, #tpu.memory_space<vmem>>[vector<16xi32>, vector<16xi32>], vector<16xf32>,
        %mul3A_180 = arith.mulf %get3A_107, %get3A_175 : vector<16xf32>
        %mul3A_181 = arith.mulf %get3A_111, %gather3A_179 : vector<16xf32>
        %add3A_182 = arith.addf %mul3A_180, %mul3A_181 : vector<16xf32>
        %swap3A_183 = arith.constant 4 : i32
        %swap3A_184 = arith.index_cast %swap3A_183 : i32 to index
        %swap3A_185 = arith.index_cast %mul3A_104 : i32 to index
        %swap3A_186 = tpu.vector_load %arg6[%swap3A_184, %swap3A_185] {strides = array<i32>} : memref<8x1024xf32, #tpu.memory_space<vmem>>, vector<16xf32>,
        tpu.vector_store %arg6[%swap3A_184, %swap3A_185], %add3A_182 {strides = array<i32>} : memref<8x1024xf32, #tpu.memory_space<vmem>>, vector<16xf32>,
        %get3A_187 = arith.constant 5 : i32
        %get3A_188 = arith.index_cast %get3A_187 : i32 to index
        %get3A_189 = arith.index_cast %mul3A_104 : i32 to index
        %get3A_190 = tpu.vector_load %arg6[%get3A_188, %get3A_189] {strides = array<i32>} : memref<8x1024xf32, #tpu.memory_space<vmem>>, vector<16xf32>,
        %add3A_191 = arith.constant 5 : i32
        %add3A_192 = vector.broadcast %add3A_191 : i32 to vector<16xi32>
        %add3A_193 = arith.addi %mul3A_45, %add3A_192 : vector<16xi32>
        %gather3A_194 = tpu.vector_load_idx %arg6[%add3A_193, %add3A_113] : memref<8x1024xf32, #tpu.memory_space<vmem>>[vector<16xi32>, vector<16xi32>], vector<16xf32>,
        %mul3A_195 = arith.mulf %get3A_107, %get3A_190 : vector<16xf32>
        %mul3A_196 = arith.mulf %get3A_111, %gather3A_194 : vector<16xf32>
        %add3A_197 = arith.addf %mul3A_195, %mul3A_196 : vector<16xf32>
        %swap3A_198 = arith.constant 5 : i32
        %swap3A_199 = arith.index_cast %swap3A_198 : i32 to index
        %swap3A_200 = arith.index_cast %mul3A_104 : i32 to index
        %swap3A_201 = tpu.vector_load %arg6[%swap3A_199, %swap3A_200] {strides = array<i32>} : memref<8x1024xf32, #tpu.memory_space<vmem>>, vector<16xf32>,
        tpu.vector_store %arg6[%swap3A_199, %swap3A_200], %add3A_197 {strides = array<i32>} : memref<8x1024xf32, #tpu.memory_space<vmem>>, vector<16xf32>,
        %get3A_202 = arith.constant 6 : i32
        %get3A_203 = arith.index_cast %get3A_202 : i32 to index
        %get3A_204 = arith.index_cast %mul3A_104 : i32 to index
        %get3A_205 = tpu.vector_load %arg6[%get3A_203, %get3A_204] {strides = array<i32>} : memref<8x1024xf32, #tpu.memory_space<vmem>>, vector<16xf32>,
        %add3A_206 = arith.constant 6 : i32
        %add3A_207 = vector.broadcast %add3A_206 : i32 to vector<16xi32>
        %add3A_208 = arith.addi %mul3A_45, %add3A_207 : vector<16xi32>
        %gather3A_209 = tpu.vector_load_idx %arg6[%add3A_208, %add3A_113] : memref<8x1024xf32, #tpu.memory_space<vmem>>[vector<16xi32>, vector<16xi32>], vector<16xf32>,
        %mul3A_210 = arith.mulf %get3A_107, %get3A_205 : vector<16xf32>
        %mul3A_211 = arith.mulf %get3A_111, %gather3A_209 : vector<16xf32>
        %add3A_212 = arith.addf %mul3A_210, %mul3A_211 : vector<16xf32>
        %swap3A_213 = arith.constant 6 : i32
        %swap3A_214 = arith.index_cast %swap3A_213 : i32 to index
        %swap3A_215 = arith.index_cast %mul3A_104 : i32 to index
        %swap3A_216 = tpu.vector_load %arg6[%swap3A_214, %swap3A_215] {strides = array<i32>} : memref<8x1024xf32, #tpu.memory_space<vmem>>, vector<16xf32>,
        tpu.vector_store %arg6[%swap3A_214, %swap3A_215], %add3A_212 {strides = array<i32>} : memref<8x1024xf32, #tpu.memory_space<vmem>>, vector<16xf32>,
        %get3A_217 = arith.constant 7 : i32
        %get3A_218 = arith.index_cast %get3A_217 : i32 to index
        %get3A_219 = arith.index_cast %mul3A_104 : i32 to index
        %get3A_220 = tpu.vector_load %arg6[%get3A_218, %get3A_219] {strides = array<i32>} : memref<8x1024xf32, #tpu.memory_space<vmem>>, vector<16xf32>,
        %add3A_221 = arith.constant 7 : i32
        %add3A_222 = vector.broadcast %add3A_221 : i32 to vector<16xi32>
        %add3A_223 = arith.addi %mul3A_45, %add3A_222 : vector<16xi32>
        %gather3A_224 = tpu.vector_load_idx %arg6[%add3A_223, %add3A_113] : memref<8x1024xf32, #tpu.memory_space<vmem>>[vector<16xi32>, vector<16xi32>], vector<16xf32>,
        %mul3A_225 = arith.mulf %get3A_107, %get3A_220 : vector<16xf32>
        %mul3A_226 = arith.mulf %get3A_111, %gather3A_224 : vector<16xf32>
        %add3A_227 = arith.addf %mul3A_225, %mul3A_226 : vector<16xf32>
        %swap3A_228 = arith.constant 7 : i32
        %swap3A_229 = arith.index_cast %swap3A_228 : i32 to index
        %swap3A_230 = arith.index_cast %mul3A_104 : i32 to index
        %swap3A_231 = tpu.vector_load %arg6[%swap3A_229, %swap3A_230] {strides = array<i32>} : memref<8x1024xf32, #tpu.memory_space<vmem>>, vector<16xf32>,
        tpu.vector_store %arg6[%swap3A_229, %swap3A_230], %add3A_227 {strides = array<i32>} : memref<8x1024xf32, #tpu.memory_space<vmem>>, vector<16xf32>,
      }
      %scan3A_51 = arith.constant 64 : i32
      %iota3A_52 = tpu.iota {dimensions = array<i32: 0>} : vector<16xi32>
      %xor3A_53 = arith.constant 8 : i32
      %xor3A_54 = vector.broadcast %xor3A_53 : i32 to vector<16xi32>
      %xor3A_55 = arith.xori %iota3A_52, %xor3A_54 : vector<16xi32>
      %iota3A_56 = tpu.iota {dimensions = array<i32: 0>} : vector<16xi32>
      %mul3A_57 = arith.constant 0 : i32
      %mul3A_58 = vector.broadcast %mul3A_57 : i32 to vector<16xi32>
      %mul3A_59 = arith.muli %iota3A_56, %mul3A_58 : vector<16xi32>
      %scan3A_60 = arith.constant 0 : i32
      %scan3A_61 = arith.constant 0 : i32
      %scan3A_62 = arith.constant 64 : i32
      %scan3A_63 = arith.addi %scan3A_61, %scan3A_62 : i32
      %scan3A_64 = arith.constant 1 : i32
      scf.for %scan3A_102 = %scan3A_61 to %scan3A_63 step %scan3A_64  : i32 {
        %mul3A_103 = arith.constant 16 : i32
        %mul3A_104 = arith.muli %scan3A_102, %mul3A_103 : i32
        %get3A = arith.constant 3 : i32
        %get3A_105 = arith.index_cast %get3A : i32 to index
        %get3A_106 = arith.index_cast %mul3A_104 : i32 to index
        %get3A_107 = tpu.vector_load %arg7[%get3A_105, %get3A_106] {strides = array<i32>} : memref<10x1024xf32, #tpu.memory_space<vmem>>, vector<16xf32>,
        %get3A_108 = arith.constant 3 : i32
        %get3A_109 = arith.index_cast %get3A_108 : i32 to index
        %get3A_110 = arith.index_cast %mul3A_104 : i32 to index
        %get3A_111 = tpu.vector_load %arg8[%get3A_109, %get3A_110] {strides = array<i32>} : memref<10x1024xf32, #tpu.memory_space<vmem>>, vector<16xf32>,
        %add3A_112 = vector.broadcast %mul3A_104 : i32 to vector<16xi32>
        %add3A_113 = arith.addi %xor3A_55, %add3A_112 : vector<16xi32>
        %get3A_114 = arith.constant 0 : i32
        %get3A_115 = arith.index_cast %get3A_114 : i32 to index
        %get3A_116 = arith.index_cast %mul3A_104 : i32 to index
        %get3A_117 = tpu.vector_load %arg6[%get3A_115, %get3A_116] {strides = array<i32>} : memref<8x1024xf32, #tpu.memory_space<vmem>>, vector<16xf32>,
        %add3A_118 = arith.constant 0 : i32
        %add3A_119 = vector.broadcast %add3A_118 : i32 to vector<16xi32>
        %add3A_120 = arith.addi %mul3A_59, %add3A_119 : vector<16xi32>
        %gather3A = tpu.vector_load_idx %arg6[%add3A_120, %add3A_113] : memref<8x1024xf32, #tpu.memory_space<vmem>>[vector<16xi32>, vector<16xi32>], vector<16xf32>,
        %mul3A_121 = arith.mulf %get3A_107, %get3A_117 : vector<16xf32>
        %mul3A_122 = arith.mulf %get3A_111, %gather3A : vector<16xf32>
        %add3A_123 = arith.addf %mul3A_121, %mul3A_122 : vector<16xf32>
        %swap3A = arith.constant 0 : i32
        %swap3A_124 = arith.index_cast %swap3A : i32 to index
        %swap3A_125 = arith.index_cast %mul3A_104 : i32 to index
        %swap3A_126 = tpu.vector_load %arg6[%swap3A_124, %swap3A_125] {strides = array<i32>} : memref<8x1024xf32, #tpu.memory_space<vmem>>, vector<16xf32>,
        tpu.vector_store %arg6[%swap3A_124, %swap3A_125], %add3A_123 {strides = array<i32>} : memref<8x1024xf32, #tpu.memory_space<vmem>>, vector<16xf32>,
        %get3A_127 = arith.constant 1 : i32
        %get3A_128 = arith.index_cast %get3A_127 : i32 to index
        %get3A_129 = arith.index_cast %mul3A_104 : i32 to index
        %get3A_130 = tpu.vector_load %arg6[%get3A_128, %get3A_129] {strides = array<i32>} : memref<8x1024xf32, #tpu.memory_space<vmem>>, vector<16xf32>,
        %add3A_131 = arith.constant 1 : i32
        %add3A_132 = vector.broadcast %add3A_131 : i32 to vector<16xi32>
        %add3A_133 = arith.addi %mul3A_59, %add3A_132 : vector<16xi32>
        %gather3A_134 = tpu.vector_load_idx %arg6[%add3A_133, %add3A_113] : memref<8x1024xf32, #tpu.memory_space<vmem>>[vector<16xi32>, vector<16xi32>], vector<16xf32>,
        %mul3A_135 = arith.mulf %get3A_107, %get3A_130 : vector<16xf32>
        %mul3A_136 = arith.mulf %get3A_111, %gather3A_134 : vector<16xf32>
        %add3A_137 = arith.addf %mul3A_135, %mul3A_136 : vector<16xf32>
        %swap3A_138 = arith.constant 1 : i32
        %swap3A_139 = arith.index_cast %swap3A_138 : i32 to index
        %swap3A_140 = arith.index_cast %mul3A_104 : i32 to index
        %swap3A_141 = tpu.vector_load %arg6[%swap3A_139, %swap3A_140] {strides = array<i32>} : memref<8x1024xf32, #tpu.memory_space<vmem>>, vector<16xf32>,
        tpu.vector_store %arg6[%swap3A_139, %swap3A_140], %add3A_137 {strides = array<i32>} : memref<8x1024xf32, #tpu.memory_space<vmem>>, vector<16xf32>,
        %get3A_142 = arith.constant 2 : i32
        %get3A_143 = arith.index_cast %get3A_142 : i32 to index
        %get3A_144 = arith.index_cast %mul3A_104 : i32 to index
        %get3A_145 = tpu.vector_load %arg6[%get3A_143, %get3A_144] {strides = array<i32>} : memref<8x1024xf32, #tpu.memory_space<vmem>>, vector<16xf32>,
        %add3A_146 = arith.constant 2 : i32
        %add3A_147 = vector.broadcast %add3A_146 : i32 to vector<16xi32>
        %add3A_148 = arith.addi %mul3A_59, %add3A_147 : vector<16xi32>
        %gather3A_149 = tpu.vector_load_idx %arg6[%add3A_148, %add3A_113] : memref<8x1024xf32, #tpu.memory_space<vmem>>[vector<16xi32>, vector<16xi32>], vector<16xf32>,
        %mul3A_150 = arith.mulf %get3A_107, %get3A_145 : vector<16xf32>
        %mul3A_151 = arith.mulf %get3A_111, %gather3A_149 : vector<16xf32>
        %add3A_152 = arith.addf %mul3A_150, %mul3A_151 : vector<16xf32>
        %swap3A_153 = arith.constant 2 : i32
        %swap3A_154 = arith.index_cast %swap3A_153 : i32 to index
        %swap3A_155 = arith.index_cast %mul3A_104 : i32 to index
        %swap3A_156 = tpu.vector_load %arg6[%swap3A_154, %swap3A_155] {strides = array<i32>} : memref<8x1024xf32, #tpu.memory_space<vmem>>, vector<16xf32>,
        tpu.vector_store %arg6[%swap3A_154, %swap3A_155], %add3A_152 {strides = array<i32>} : memref<8x1024xf32, #tpu.memory_space<vmem>>, vector<16xf32>,
        %get3A_157 = arith.constant 3 : i32
        %get3A_158 = arith.index_cast %get3A_157 : i32 to index
        %get3A_159 = arith.index_cast %mul3A_104 : i32 to index
        %get3A_160 = tpu.vector_load %arg6[%get3A_158, %get3A_159] {strides = array<i32>} : memref<8x1024xf32, #tpu.memory_space<vmem>>, vector<16xf32>,
        %add3A_161 = arith.constant 3 : i32
        %add3A_162 = vector.broadcast %add3A_161 : i32 to vector<16xi32>
        %add3A_163 = arith.addi %mul3A_59, %add3A_162 : vector<16xi32>
        %gather3A_164 = tpu.vector_load_idx %arg6[%add3A_163, %add3A_113] : memref<8x1024xf32, #tpu.memory_space<vmem>>[vector<16xi32>, vector<16xi32>], vector<16xf32>,
        %mul3A_165 = arith.mulf %get3A_107, %get3A_160 : vector<16xf32>
        %mul3A_166 = arith.mulf %get3A_111, %gather3A_164 : vector<16xf32>
        %add3A_167 = arith.addf %mul3A_165, %mul3A_166 : vector<16xf32>
        %swap3A_168 = arith.constant 3 : i32
        %swap3A_169 = arith.index_cast %swap3A_168 : i32 to index
        %swap3A_170 = arith.index_cast %mul3A_104 : i32 to index
        %swap3A_171 = tpu.vector_load %arg6[%swap3A_169, %swap3A_170] {strides = array<i32>} : memref<8x1024xf32, #tpu.memory_space<vmem>>, vector<16xf32>,
        tpu.vector_store %arg6[%swap3A_169, %swap3A_170], %add3A_167 {strides = array<i32>} : memref<8x1024xf32, #tpu.memory_space<vmem>>, vector<16xf32>,
        %get3A_172 = arith.constant 4 : i32
        %get3A_173 = arith.index_cast %get3A_172 : i32 to index
        %get3A_174 = arith.index_cast %mul3A_104 : i32 to index
        %get3A_175 = tpu.vector_load %arg6[%get3A_173, %get3A_174] {strides = array<i32>} : memref<8x1024xf32, #tpu.memory_space<vmem>>, vector<16xf32>,
        %add3A_176 = arith.constant 4 : i32
        %add3A_177 = vector.broadcast %add3A_176 : i32 to vector<16xi32>
        %add3A_178 = arith.addi %mul3A_59, %add3A_177 : vector<16xi32>
        %gather3A_179 = tpu.vector_load_idx %arg6[%add3A_178, %add3A_113] : memref<8x1024xf32, #tpu.memory_space<vmem>>[vector<16xi32>, vector<16xi32>], vector<16xf32>,
        %mul3A_180 = arith.mulf %get3A_107, %get3A_175 : vector<16xf32>
        %mul3A_181 = arith.mulf %get3A_111, %gather3A_179 : vector<16xf32>
        %add3A_182 = arith.addf %mul3A_180, %mul3A_181 : vector<16xf32>
        %swap3A_183 = arith.constant 4 : i32
        %swap3A_184 = arith.index_cast %swap3A_183 : i32 to index
        %swap3A_185 = arith.index_cast %mul3A_104 : i32 to index
        %swap3A_186 = tpu.vector_load %arg6[%swap3A_184, %swap3A_185] {strides = array<i32>} : memref<8x1024xf32, #tpu.memory_space<vmem>>, vector<16xf32>,
        tpu.vector_store %arg6[%swap3A_184, %swap3A_185], %add3A_182 {strides = array<i32>} : memref<8x1024xf32, #tpu.memory_space<vmem>>, vector<16xf32>,
        %get3A_187 = arith.constant 5 : i32
        %get3A_188 = arith.index_cast %get3A_187 : i32 to index
        %get3A_189 = arith.index_cast %mul3A_104 : i32 to index
        %get3A_190 = tpu.vector_load %arg6[%get3A_188, %get3A_189] {strides = array<i32>} : memref<8x1024xf32, #tpu.memory_space<vmem>>, vector<16xf32>,
        %add3A_191 = arith.constant 5 : i32
        %add3A_192 = vector.broadcast %add3A_191 : i32 to vector<16xi32>
        %add3A_193 = arith.addi %mul3A_59, %add3A_192 : vector<16xi32>
        %gather3A_194 = tpu.vector_load_idx %arg6[%add3A_193, %add3A_113] : memref<8x1024xf32, #tpu.memory_space<vmem>>[vector<16xi32>, vector<16xi32>], vector<16xf32>,
        %mul3A_195 = arith.mulf %get3A_107, %get3A_190 : vector<16xf32>
        %mul3A_196 = arith.mulf %get3A_111, %gather3A_194 : vector<16xf32>
        %add3A_197 = arith.addf %mul3A_195, %mul3A_196 : vector<16xf32>
        %swap3A_198 = arith.constant 5 : i32
        %swap3A_199 = arith.index_cast %swap3A_198 : i32 to index
        %swap3A_200 = arith.index_cast %mul3A_104 : i32 to index
        %swap3A_201 = tpu.vector_load %arg6[%swap3A_199, %swap3A_200] {strides = array<i32>} : memref<8x1024xf32, #tpu.memory_space<vmem>>, vector<16xf32>,
        tpu.vector_store %arg6[%swap3A_199, %swap3A_200], %add3A_197 {strides = array<i32>} : memref<8x1024xf32, #tpu.memory_space<vmem>>, vector<16xf32>,
        %get3A_202 = arith.constant 6 : i32
        %get3A_203 = arith.index_cast %get3A_202 : i32 to index
        %get3A_204 = arith.index_cast %mul3A_104 : i32 to index
        %get3A_205 = tpu.vector_load %arg6[%get3A_203, %get3A_204] {strides = array<i32>} : memref<8x1024xf32, #tpu.memory_space<vmem>>, vector<16xf32>,
        %add3A_206 = arith.constant 6 : i32
        %add3A_207 = vector.broadcast %add3A_206 : i32 to vector<16xi32>
        %add3A_208 = arith.addi %mul3A_59, %add3A_207 : vector<16xi32>
        %gather3A_209 = tpu.vector_load_idx %arg6[%add3A_208, %add3A_113] : memref<8x1024xf32, #tpu.memory_space<vmem>>[vector<16xi32>, vector<16xi32>], vector<16xf32>,
        %mul3A_210 = arith.mulf %get3A_107, %get3A_205 : vector<16xf32>
        %mul3A_211 = arith.mulf %get3A_111, %gather3A_209 : vector<16xf32>
        %add3A_212 = arith.addf %mul3A_210, %mul3A_211 : vector<16xf32>
        %swap3A_213 = arith.constant 6 : i32
        %swap3A_214 = arith.index_cast %swap3A_213 : i32 to index
        %swap3A_215 = arith.index_cast %mul3A_104 : i32 to index
        %swap3A_216 = tpu.vector_load %arg6[%swap3A_214, %swap3A_215] {strides = array<i32>} : memref<8x1024xf32, #tpu.memory_space<vmem>>, vector<16xf32>,
        tpu.vector_store %arg6[%swap3A_214, %swap3A_215], %add3A_212 {strides = array<i32>} : memref<8x1024xf32, #tpu.memory_space<vmem>>, vector<16xf32>,
        %get3A_217 = arith.constant 7 : i32
        %get3A_218 = arith.index_cast %get3A_217 : i32 to index
        %get3A_219 = arith.index_cast %mul3A_104 : i32 to index
        %get3A_220 = tpu.vector_load %arg6[%get3A_218, %get3A_219] {strides = array<i32>} : memref<8x1024xf32, #tpu.memory_space<vmem>>, vector<16xf32>,
        %add3A_221 = arith.constant 7 : i32
        %add3A_222 = vector.broadcast %add3A_221 : i32 to vector<16xi32>
        %add3A_223 = arith.addi %mul3A_59, %add3A_222 : vector<16xi32>
        %gather3A_224 = tpu.vector_load_idx %arg6[%add3A_223, %add3A_113] : memref<8x1024xf32, #tpu.memory_space<vmem>>[vector<16xi32>, vector<16xi32>], vector<16xf32>,
        %mul3A_225 = arith.mulf %get3A_107, %get3A_220 : vector<16xf32>
        %mul3A_226 = arith.mulf %get3A_111, %gather3A_224 : vector<16xf32>
        %add3A_227 = arith.addf %mul3A_225, %mul3A_226 : vector<16xf32>
        %swap3A_228 = arith.constant 7 : i32
        %swap3A_229 = arith.index_cast %swap3A_228 : i32 to index
        %swap3A_230 = arith.index_cast %mul3A_104 : i32 to index
        %swap3A_231 = tpu.vector_load %arg6[%swap3A_229, %swap3A_230] {strides = array<i32>} : memref<8x1024xf32, #tpu.memory_space<vmem>>, vector<16xf32>,
        tpu.vector_store %arg6[%swap3A_229, %swap3A_230], %add3A_227 {strides = array<i32>} : memref<8x1024xf32, #tpu.memory_space<vmem>>, vector<16xf32>,
      }
      %scan3A_65 = arith.constant 64 : i32
      %scan3A_66 = arith.constant 0 : i32
      %scan3A_67 = arith.constant 0 : i32
      %scan3A_68 = arith.constant 32 : i32
      %scan3A_69 = arith.addi %scan3A_67, %scan3A_68 : i32
      %scan3A_70 = arith.constant 1 : i32
      scf.for %scan3A_102 = %scan3A_67 to %scan3A_69 step %scan3A_70  : i32 {
        %shift_right_arithmetic3A = arith.constant 0 : i32
        %shift_right_arithmetic3A_103 = arith.shrsi %scan3A_102, %shift_right_arithmetic3A : i32
        %shift_left3A = arith.constant 1 : i32
        %shift_left3A_104 = arith.shli %shift_right_arithmetic3A_103, %shift_left3A : i32
        %and3A = arith.constant 0 : i32
        %and3A_105 = arith.andi %scan3A_102, %and3A : i32
        %or3A = arith.ori %shift_left3A_104, %and3A_105 : i32
        %mul3A_106 = arith.constant 16 : i32
        %mul3A_107 = arith.muli %or3A, %mul3A_106 : i32
        %add3A_108 = arith.constant 16 : i32
        %add3A_109 = arith.addi %mul3A_107, %add3A_108 : i32
        %get3A = arith.constant 4 : i32
        %get3A_110 = arith.index_cast %get3A : i32 to index
        %get3A_111 = arith.index_cast %add3A_109 : i32 to index
        %get3A_112 = tpu.vector_load %arg7[%get3A_110, %get3A_111] {strides = array<i32>} : memref<10x1024xf32, #tpu.memory_space<vmem>>, vector<16xf32>,
        %get3A_113 = arith.constant 4 : i32
        %get3A_114 = arith.index_cast %get3A_113 : i32 to index
        %get3A_115 = arith.index_cast %add3A_109 : i32 to index
        %get3A_116 = tpu.vector_load %arg8[%get3A_114, %get3A_115] {strides = array<i32>} : memref<10x1024xf32, #tpu.memory_space<vmem>>, vector<16xf32>,
        %get3A_117 = arith.constant 0 : i32
        %get3A_118 = arith.index_cast %get3A_117 : i32 to index
        %get3A_119 = arith.index_cast %mul3A_107 : i32 to index
        %get3A_120 = tpu.vector_load %arg6[%get3A_118, %get3A_119] {strides = array<i32>} : memref<8x1024xf32, #tpu.memory_space<vmem>>, vector<16xf32>,
        %get3A_121 = arith.constant 0 : i32
        %get3A_122 = arith.index_cast %get3A_121 : i32 to index
        %get3A_123 = arith.index_cast %add3A_109 : i32 to index
        %get3A_124 = tpu.vector_load %arg6[%get3A_122, %get3A_123] {strides = array<i32>} : memref<8x1024xf32, #tpu.memory_space<vmem>>, vector<16xf32>,
        %mul3A_125 = arith.mulf %get3A_112, %get3A_120 : vector<16xf32>
        %mul3A_126 = arith.mulf %get3A_116, %get3A_124 : vector<16xf32>
        %sub3A = arith.subf %mul3A_125, %mul3A_126 : vector<16xf32>
        %swap3A = arith.constant 0 : i32
        %swap3A_127 = arith.index_cast %swap3A : i32 to index
        %swap3A_128 = arith.index_cast %mul3A_107 : i32 to index
        %swap3A_129 = tpu.vector_load %arg6[%swap3A_127, %swap3A_128] {strides = array<i32>} : memref<8x1024xf32, #tpu.memory_space<vmem>>, vector<16xf32>,
        tpu.vector_store %arg6[%swap3A_127, %swap3A_128], %sub3A {strides = array<i32>} : memref<8x1024xf32, #tpu.memory_space<vmem>>, vector<16xf32>,
        %mul3A_130 = arith.mulf %get3A_112, %get3A_124 : vector<16xf32>
        %mul3A_131 = arith.mulf %get3A_116, %get3A_120 : vector<16xf32>
        %add3A_132 = arith.addf %mul3A_130, %mul3A_131 : vector<16xf32>
        %swap3A_133 = arith.constant 0 : i32
        %swap3A_134 = arith.index_cast %swap3A_133 : i32 to index
        %swap3A_135 = arith.index_cast %add3A_109 : i32 to index
        %swap3A_136 = tpu.vector_load %arg6[%swap3A_134, %swap3A_135] {strides = array<i32>} : memref<8x1024xf32, #tpu.memory_space<vmem>>, vector<16xf32>,
        tpu.vector_store %arg6[%swap3A_134, %swap3A_135], %add3A_132 {strides = array<i32>} : memref<8x1024xf32, #tpu.memory_space<vmem>>, vector<16xf32>,
        %get3A_137 = arith.constant 1 : i32
        %get3A_138 = arith.index_cast %get3A_137 : i32 to index
        %get3A_139 = arith.index_cast %mul3A_107 : i32 to index
        %get3A_140 = tpu.vector_load %arg6[%get3A_138, %get3A_139] {strides = array<i32>} : memref<8x1024xf32, #tpu.memory_space<vmem>>, vector<16xf32>,
        %get3A_141 = arith.constant 1 : i32
        %get3A_142 = arith.index_cast %get3A_141 : i32 to index
        %get3A_143 = arith.index_cast %add3A_109 : i32 to index
        %get3A_144 = tpu.vector_load %arg6[%get3A_142, %get3A_143] {strides = array<i32>} : memref<8x1024xf32, #tpu.memory_space<vmem>>, vector<16xf32>,
        %mul3A_145 = arith.mulf %get3A_112, %get3A_140 : vector<16xf32>
        %mul3A_146 = arith.mulf %get3A_116, %get3A_144 : vector<16xf32>
        %sub3A_147 = arith.subf %mul3A_145, %mul3A_146 : vector<16xf32>
        %swap3A_148 = arith.constant 1 : i32
        %swap3A_149 = arith.index_cast %swap3A_148 : i32 to index
        %swap3A_150 = arith.index_cast %mul3A_107 : i32 to index
        %swap3A_151 = tpu.vector_load %arg6[%swap3A_149, %swap3A_150] {strides = array<i32>} : memref<8x1024xf32, #tpu.memory_space<vmem>>, vector<16xf32>,
        tpu.vector_store %arg6[%swap3A_149, %swap3A_150], %sub3A_147 {strides = array<i32>} : memref<8x1024xf32, #tpu.memory_space<vmem>>, vector<16xf32>,
        %mul3A_152 = arith.mulf %get3A_112, %get3A_144 : vector<16xf32>
        %mul3A_153 = arith.mulf %get3A_116, %get3A_140 : vector<16xf32>
        %add3A_154 = arith.addf %mul3A_152, %mul3A_153 : vector<16xf32>
        %swap3A_155 = arith.constant 1 : i32
        %swap3A_156 = arith.index_cast %swap3A_155 : i32 to index
        %swap3A_157 = arith.index_cast %add3A_109 : i32 to index
        %swap3A_158 = tpu.vector_load %arg6[%swap3A_156, %swap3A_157] {strides = array<i32>} : memref<8x1024xf32, #tpu.memory_space<vmem>>, vector<16xf32>,
        tpu.vector_store %arg6[%swap3A_156, %swap3A_157], %add3A_154 {strides = array<i32>} : memref<8x1024xf32, #tpu.memory_space<vmem>>, vector<16xf32>,
        %get3A_159 = arith.constant 2 : i32
        %get3A_160 = arith.index_cast %get3A_159 : i32 to index
        %get3A_161 = arith.index_cast %mul3A_107 : i32 to index
        %get3A_162 = tpu.vector_load %arg6[%get3A_160, %get3A_161] {strides = array<i32>} : memref<8x1024xf32, #tpu.memory_space<vmem>>, vector<16xf32>,
        %get3A_163 = arith.constant 2 : i32
        %get3A_164 = arith.index_cast %get3A_163 : i32 to index
        %get3A_165 = arith.index_cast %add3A_109 : i32 to index
        %get3A_166 = tpu.vector_load %arg6[%get3A_164, %get3A_165] {strides = array<i32>} : memref<8x1024xf32, #tpu.memory_space<vmem>>, vector<16xf32>,
        %mul3A_167 = arith.mulf %get3A_112, %get3A_162 : vector<16xf32>
        %mul3A_168 = arith.mulf %get3A_116, %get3A_166 : vector<16xf32>
        %sub3A_169 = arith.subf %mul3A_167, %mul3A_168 : vector<16xf32>
        %swap3A_170 = arith.constant 2 : i32
        %swap3A_171 = arith.index_cast %swap3A_170 : i32 to index
        %swap3A_172 = arith.index_cast %mul3A_107 : i32 to index
        %swap3A_173 = tpu.vector_load %arg6[%swap3A_171, %swap3A_172] {strides = array<i32>} : memref<8x1024xf32, #tpu.memory_space<vmem>>, vector<16xf32>,
        tpu.vector_store %arg6[%swap3A_171, %swap3A_172], %sub3A_169 {strides = array<i32>} : memref<8x1024xf32, #tpu.memory_space<vmem>>, vector<16xf32>,
        %mul3A_174 = arith.mulf %get3A_112, %get3A_166 : vector<16xf32>
        %mul3A_175 = arith.mulf %get3A_116, %get3A_162 : vector<16xf32>
        %add3A_176 = arith.addf %mul3A_174, %mul3A_175 : vector<16xf32>
        %swap3A_177 = arith.constant 2 : i32
        %swap3A_178 = arith.index_cast %swap3A_177 : i32 to index
        %swap3A_179 = arith.index_cast %add3A_109 : i32 to index
        %swap3A_180 = tpu.vector_load %arg6[%swap3A_178, %swap3A_179] {strides = array<i32>} : memref<8x1024xf32, #tpu.memory_space<vmem>>, vector<16xf32>,
        tpu.vector_store %arg6[%swap3A_178, %swap3A_179], %add3A_176 {strides = array<i32>} : memref<8x1024xf32, #tpu.memory_space<vmem>>, vector<16xf32>,
        %get3A_181 = arith.constant 3 : i32
        %get3A_182 = arith.index_cast %get3A_181 : i32 to index
        %get3A_183 = arith.index_cast %mul3A_107 : i32 to index
        %get3A_184 = tpu.vector_load %arg6[%get3A_182, %get3A_183] {strides = array<i32>} : memref<8x1024xf32, #tpu.memory_space<vmem>>, vector<16xf32>,
        %get3A_185 = arith.constant 3 : i32
        %get3A_186 = arith.index_cast %get3A_185 : i32 to index
        %get3A_187 = arith.index_cast %add3A_109 : i32 to index
        %get3A_188 = tpu.vector_load %arg6[%get3A_186, %get3A_187] {strides = array<i32>} : memref<8x1024xf32, #tpu.memory_space<vmem>>, vector<16xf32>,
        %mul3A_189 = arith.mulf %get3A_112, %get3A_184 : vector<16xf32>
        %mul3A_190 = arith.mulf %get3A_116, %get3A_188 : vector<16xf32>
        %sub3A_191 = arith.subf %mul3A_189, %mul3A_190 : vector<16xf32>
        %swap3A_192 = arith.constant 3 : i32
        %swap3A_193 = arith.index_cast %swap3A_192 : i32 to index
        %swap3A_194 = arith.index_cast %mul3A_107 : i32 to index
        %swap3A_195 = tpu.vector_load %arg6[%swap3A_193, %swap3A_194] {strides = array<i32>} : memref<8x1024xf32, #tpu.memory_space<vmem>>, vector<16xf32>,
        tpu.vector_store %arg6[%swap3A_193, %swap3A_194], %sub3A_191 {strides = array<i32>} : memref<8x1024xf32, #tpu.memory_space<vmem>>, vector<16xf32>,
        %mul3A_196 = arith.mulf %get3A_112, %get3A_188 : vector<16xf32>
        %mul3A_197 = arith.mulf %get3A_116, %get3A_184 : vector<16xf32>
        %add3A_198 = arith.addf %mul3A_196, %mul3A_197 : vector<16xf32>
        %swap3A_199 = arith.constant 3 : i32
        %swap3A_200 = arith.index_cast %swap3A_199 : i32 to index
        %swap3A_201 = arith.index_cast %add3A_109 : i32 to index
        %swap3A_202 = tpu.vector_load %arg6[%swap3A_200, %swap3A_201] {strides = array<i32>} : memref<8x1024xf32, #tpu.memory_space<vmem>>, vector<16xf32>,
        tpu.vector_store %arg6[%swap3A_200, %swap3A_201], %add3A_198 {strides = array<i32>} : memref<8x1024xf32, #tpu.memory_space<vmem>>, vector<16xf32>,
        %get3A_203 = arith.constant 4 : i32
        %get3A_204 = arith.index_cast %get3A_203 : i32 to index
        %get3A_205 = arith.index_cast %mul3A_107 : i32 to index
        %get3A_206 = tpu.vector_load %arg6[%get3A_204, %get3A_205] {strides = array<i32>} : memref<8x1024xf32, #tpu.memory_space<vmem>>, vector<16xf32>,
        %get3A_207 = arith.constant 4 : i32
        %get3A_208 = arith.index_cast %get3A_207 : i32 to index
        %get3A_209 = arith.index_cast %add3A_109 : i32 to index
        %get3A_210 = tpu.vector_load %arg6[%get3A_208, %get3A_209] {strides = array<i32>} : memref<8x1024xf32, #tpu.memory_space<vmem>>, vector<16xf32>,
        %mul3A_211 = arith.mulf %get3A_112, %get3A_206 : vector<16xf32>
        %mul3A_212 = arith.mulf %get3A_116, %get3A_210 : vector<16xf32>
        %sub3A_213 = arith.subf %mul3A_211, %mul3A_212 : vector<16xf32>
        %swap3A_214 = arith.constant 4 : i32
        %swap3A_215 = arith.index_cast %swap3A_214 : i32 to index
        %swap3A_216 = arith.index_cast %mul3A_107 : i32 to index
        %swap3A_217 = tpu.vector_load %arg6[%swap3A_215, %swap3A_216] {strides = array<i32>} : memref<8x1024xf32, #tpu.memory_space<vmem>>, vector<16xf32>,
        tpu.vector_store %arg6[%swap3A_215, %swap3A_216], %sub3A_213 {strides = array<i32>} : memref<8x1024xf32, #tpu.memory_space<vmem>>, vector<16xf32>,
        %mul3A_218 = arith.mulf %get3A_112, %get3A_210 : vector<16xf32>
        %mul3A_219 = arith.mulf %get3A_116, %get3A_206 : vector<16xf32>
        %add3A_220 = arith.addf %mul3A_218, %mul3A_219 : vector<16xf32>
        %swap3A_221 = arith.constant 4 : i32
        %swap3A_222 = arith.index_cast %swap3A_221 : i32 to index
        %swap3A_223 = arith.index_cast %add3A_109 : i32 to index
        %swap3A_224 = tpu.vector_load %arg6[%swap3A_222, %swap3A_223] {strides = array<i32>} : memref<8x1024xf32, #tpu.memory_space<vmem>>, vector<16xf32>,
        tpu.vector_store %arg6[%swap3A_222, %swap3A_223], %add3A_220 {strides = array<i32>} : memref<8x1024xf32, #tpu.memory_space<vmem>>, vector<16xf32>,
        %get3A_225 = arith.constant 5 : i32
        %get3A_226 = arith.index_cast %get3A_225 : i32 to index
        %get3A_227 = arith.index_cast %mul3A_107 : i32 to index
        %get3A_228 = tpu.vector_load %arg6[%get3A_226, %get3A_227] {strides = array<i32>} : memref<8x1024xf32, #tpu.memory_space<vmem>>, vector<16xf32>,
        %get3A_229 = arith.constant 5 : i32
        %get3A_230 = arith.index_cast %get3A_229 : i32 to index
        %get3A_231 = arith.index_cast %add3A_109 : i32 to index
        %get3A_232 = tpu.vector_load %arg6[%get3A_230, %get3A_231] {strides = array<i32>} : memref<8x1024xf32, #tpu.memory_space<vmem>>, vector<16xf32>,
        %mul3A_233 = arith.mulf %get3A_112, %get3A_228 : vector<16xf32>
        %mul3A_234 = arith.mulf %get3A_116, %get3A_232 : vector<16xf32>
        %sub3A_235 = arith.subf %mul3A_233, %mul3A_234 : vector<16xf32>
        %swap3A_236 = arith.constant 5 : i32
        %swap3A_237 = arith.index_cast %swap3A_236 : i32 to index
        %swap3A_238 = arith.index_cast %mul3A_107 : i32 to index
        %swap3A_239 = tpu.vector_load %arg6[%swap3A_237, %swap3A_238] {strides = array<i32>} : memref<8x1024xf32, #tpu.memory_space<vmem>>, vector<16xf32>,
        tpu.vector_store %arg6[%swap3A_237, %swap3A_238], %sub3A_235 {strides = array<i32>} : memref<8x1024xf32, #tpu.memory_space<vmem>>, vector<16xf32>,
        %mul3A_240 = arith.mulf %get3A_112, %get3A_232 : vector<16xf32>
        %mul3A_241 = arith.mulf %get3A_116, %get3A_228 : vector<16xf32>
        %add3A_242 = arith.addf %mul3A_240, %mul3A_241 : vector<16xf32>
        %swap3A_243 = arith.constant 5 : i32
        %swap3A_244 = arith.index_cast %swap3A_243 : i32 to index
        %swap3A_245 = arith.index_cast %add3A_109 : i32 to index
        %swap3A_246 = tpu.vector_load %arg6[%swap3A_244, %swap3A_245] {strides = array<i32>} : memref<8x1024xf32, #tpu.memory_space<vmem>>, vector<16xf32>,
        tpu.vector_store %arg6[%swap3A_244, %swap3A_245], %add3A_242 {strides = array<i32>} : memref<8x1024xf32, #tpu.memory_space<vmem>>, vector<16xf32>,
        %get3A_247 = arith.constant 6 : i32
        %get3A_248 = arith.index_cast %get3A_247 : i32 to index
        %get3A_249 = arith.index_cast %mul3A_107 : i32 to index
        %get3A_250 = tpu.vector_load %arg6[%get3A_248, %get3A_249] {strides = array<i32>} : memref<8x1024xf32, #tpu.memory_space<vmem>>, vector<16xf32>,
        %get3A_251 = arith.constant 6 : i32
        %get3A_252 = arith.index_cast %get3A_251 : i32 to index
        %get3A_253 = arith.index_cast %add3A_109 : i32 to index
        %get3A_254 = tpu.vector_load %arg6[%get3A_252, %get3A_253] {strides = array<i32>} : memref<8x1024xf32, #tpu.memory_space<vmem>>, vector<16xf32>,
        %mul3A_255 = arith.mulf %get3A_112, %get3A_250 : vector<16xf32>
        %mul3A_256 = arith.mulf %get3A_116, %get3A_254 : vector<16xf32>
        %sub3A_257 = arith.subf %mul3A_255, %mul3A_256 : vector<16xf32>
        %swap3A_258 = arith.constant 6 : i32
        %swap3A_259 = arith.index_cast %swap3A_258 : i32 to index
        %swap3A_260 = arith.index_cast %mul3A_107 : i32 to index
        %swap3A_261 = tpu.vector_load %arg6[%swap3A_259, %swap3A_260] {strides = array<i32>} : memref<8x1024xf32, #tpu.memory_space<vmem>>, vector<16xf32>,
        tpu.vector_store %arg6[%swap3A_259, %swap3A_260], %sub3A_257 {strides = array<i32>} : memref<8x1024xf32, #tpu.memory_space<vmem>>, vector<16xf32>,
        %mul3A_262 = arith.mulf %get3A_112, %get3A_254 : vector<16xf32>
        %mul3A_263 = arith.mulf %get3A_116, %get3A_250 : vector<16xf32>
        %add3A_264 = arith.addf %mul3A_262, %mul3A_263 : vector<16xf32>
        %swap3A_265 = arith.constant 6 : i32
        %swap3A_266 = arith.index_cast %swap3A_265 : i32 to index
        %swap3A_267 = arith.index_cast %add3A_109 : i32 to index
        %swap3A_268 = tpu.vector_load %arg6[%swap3A_266, %swap3A_267] {strides = array<i32>} : memref<8x1024xf32, #tpu.memory_space<vmem>>, vector<16xf32>,
        tpu.vector_store %arg6[%swap3A_266, %swap3A_267], %add3A_264 {strides = array<i32>} : memref<8x1024xf32, #tpu.memory_space<vmem>>, vector<16xf32>,
        %get3A_269 = arith.constant 7 : i32
        %get3A_270 = arith.index_cast %get3A_269 : i32 to index
        %get3A_271 = arith.index_cast %mul3A_107 : i32 to index
        %get3A_272 = tpu.vector_load %arg6[%get3A_270, %get3A_271] {strides = array<i32>} : memref<8x1024xf32, #tpu.memory_space<vmem>>, vector<16xf32>,
        %get3A_273 = arith.constant 7 : i32
        %get3A_274 = arith.index_cast %get3A_273 : i32 to index
        %get3A_275 = arith.index_cast %add3A_109 : i32 to index
        %get3A_276 = tpu.vector_load %arg6[%get3A_274, %get3A_275] {strides = array<i32>} : memref<8x1024xf32, #tpu.memory_space<vmem>>, vector<16xf32>,
        %mul3A_277 = arith.mulf %get3A_112, %get3A_272 : vector<16xf32>
        %mul3A_278 = arith.mulf %get3A_116, %get3A_276 : vector<16xf32>
        %sub3A_279 = arith.subf %mul3A_277, %mul3A_278 : vector<16xf32>
        %swap3A_280 = arith.constant 7 : i32
        %swap3A_281 = arith.index_cast %swap3A_280 : i32 to index
        %swap3A_282 = arith.index_cast %mul3A_107 : i32 to index
        %swap3A_283 = tpu.vector_load %arg6[%swap3A_281, %swap3A_282] {strides = array<i32>} : memref<8x1024xf32, #tpu.memory_space<vmem>>, vector<16xf32>,
        tpu.vector_store %arg6[%swap3A_281, %swap3A_282], %sub3A_279 {strides = array<i32>} : memref<8x1024xf32, #tpu.memory_space<vmem>>, vector<16xf32>,
        %mul3A_284 = arith.mulf %get3A_112, %get3A_276 : vector<16xf32>
        %mul3A_285 = arith.mulf %get3A_116, %get3A_272 : vector<16xf32>
        %add3A_286 = arith.addf %mul3A_284, %mul3A_285 : vector<16xf32>
        %swap3A_287 = arith.constant 7 : i32
        %swap3A_288 = arith.index_cast %swap3A_287 : i32 to index
        %swap3A_289 = arith.index_cast %add3A_109 : i32 to index
        %swap3A_290 = tpu.vector_load %arg6[%swap3A_288, %swap3A_289] {strides = array<i32>} : memref<8x1024xf32, #tpu.memory_space<vmem>>, vector<16xf32>,
        tpu.vector_store %arg6[%swap3A_288, %swap3A_289], %add3A_286 {strides = array<i32>} : memref<8x1024xf32, #tpu.memory_space<vmem>>, vector<16xf32>,
      }
      %scan3A_71 = arith.constant 32 : i32
      %scan3A_72 = arith.constant 0 : i32
      %scan3A_73 = arith.constant 0 : i32
      %scan3A_74 = arith.constant 32 : i32
      %scan3A_75 = arith.addi %scan3A_73, %scan3A_74 : i32
      %scan3A_76 = arith.constant 1 : i32
      scf.for %scan3A_102 = %scan3A_73 to %scan3A_75 step %scan3A_76  : i32 {
        %shift_right_arithmetic3A = arith.constant 1 : i32
        %shift_right_arithmetic3A_103 = arith.shrsi %scan3A_102, %shift_right_arithmetic3A : i32
        %shift_left3A = arith.constant 2 : i32
        %shift_left3A_104 = arith.shli %shift_right_arithmetic3A_103, %shift_left3A : i32
        %and3A = arith.constant 1 : i32
        %and3A_105 = arith.andi %scan3A_102, %and3A : i32
        %or3A = arith.ori %shift_left3A_104, %and3A_105 : i32
        %mul3A_106 = arith.constant 16 : i32
        %mul3A_107 = arith.muli %or3A, %mul3A_106 : i32
        %add3A_108 = arith.constant 32 : i32
        %add3A_109 = arith.addi %mul3A_107, %add3A_108 : i32
        %get3A = arith.constant 5 : i32
        %get3A_110 = arith.index_cast %get3A : i32 to index
        %get3A_111 = arith.index_cast %add3A_109 : i32 to index
        %get3A_112 = tpu.vector_load %arg7[%get3A_110, %get3A_111] {strides = array<i32>} : memref<10x1024xf32, #tpu.memory_space<vmem>>, vector<16xf32>,
        %get3A_113 = arith.constant 5 : i32
        %get3A_114 = arith.index_cast %get3A_113 : i32 to index
        %get3A_115 = arith.index_cast %add3A_109 : i32 to index
        %get3A_116 = tpu.vector_load %arg8[%get3A_114, %get3A_115] {strides = array<i32>} : memref<10x1024xf32, #tpu.memory_space<vmem>>, vector<16xf32>,
        %get3A_117 = arith.constant 0 : i32
        %get3A_118 = arith.index_cast %get3A_117 : i32 to index
        %get3A_119 = arith.index_cast %mul3A_107 : i32 to index
        %get3A_120 = tpu.vector_load %arg6[%get3A_118, %get3A_119] {strides = array<i32>} : memref<8x1024xf32, #tpu.memory_space<vmem>>, vector<16xf32>,
        %get3A_121 = arith.constant 0 : i32
        %get3A_122 = arith.index_cast %get3A_121 : i32 to index
        %get3A_123 = arith.index_cast %add3A_109 : i32 to index
        %get3A_124 = tpu.vector_load %arg6[%get3A_122, %get3A_123] {strides = array<i32>} : memref<8x1024xf32, #tpu.memory_space<vmem>>, vector<16xf32>,
        %mul3A_125 = arith.mulf %get3A_112, %get3A_120 : vector<16xf32>
        %mul3A_126 = arith.mulf %get3A_116, %get3A_124 : vector<16xf32>
        %sub3A = arith.subf %mul3A_125, %mul3A_126 : vector<16xf32>
        %swap3A = arith.constant 0 : i32
        %swap3A_127 = arith.index_cast %swap3A : i32 to index
        %swap3A_128 = arith.index_cast %mul3A_107 : i32 to index
        %swap3A_129 = tpu.vector_load %arg6[%swap3A_127, %swap3A_128] {strides = array<i32>} : memref<8x1024xf32, #tpu.memory_space<vmem>>, vector<16xf32>,
        tpu.vector_store %arg6[%swap3A_127, %swap3A_128], %sub3A {strides = array<i32>} : memref<8x1024xf32, #tpu.memory_space<vmem>>, vector<16xf32>,
        %mul3A_130 = arith.mulf %get3A_112, %get3A_124 : vector<16xf32>
        %mul3A_131 = arith.mulf %get3A_116, %get3A_120 : vector<16xf32>
        %add3A_132 = arith.addf %mul3A_130, %mul3A_131 : vector<16xf32>
        %swap3A_133 = arith.constant 0 : i32
        %swap3A_134 = arith.index_cast %swap3A_133 : i32 to index
        %swap3A_135 = arith.index_cast %add3A_109 : i32 to index
        %swap3A_136 = tpu.vector_load %arg6[%swap3A_134, %swap3A_135] {strides = array<i32>} : memref<8x1024xf32, #tpu.memory_space<vmem>>, vector<16xf32>,
        tpu.vector_store %arg6[%swap3A_134, %swap3A_135], %add3A_132 {strides = array<i32>} : memref<8x1024xf32, #tpu.memory_space<vmem>>, vector<16xf32>,
        %get3A_137 = arith.constant 1 : i32
        %get3A_138 = arith.index_cast %get3A_137 : i32 to index
        %get3A_139 = arith.index_cast %mul3A_107 : i32 to index
        %get3A_140 = tpu.vector_load %arg6[%get3A_138, %get3A_139] {strides = array<i32>} : memref<8x1024xf32, #tpu.memory_space<vmem>>, vector<16xf32>,
        %get3A_141 = arith.constant 1 : i32
        %get3A_142 = arith.index_cast %get3A_141 : i32 to index
        %get3A_143 = arith.index_cast %add3A_109 : i32 to index
        %get3A_144 = tpu.vector_load %arg6[%get3A_142, %get3A_143] {strides = array<i32>} : memref<8x1024xf32, #tpu.memory_space<vmem>>, vector<16xf32>,
        %mul3A_145 = arith.mulf %get3A_112, %get3A_140 : vector<16xf32>
        %mul3A_146 = arith.mulf %get3A_116, %get3A_144 : vector<16xf32>
        %sub3A_147 = arith.subf %mul3A_145, %mul3A_146 : vector<16xf32>
        %swap3A_148 = arith.constant 1 : i32
        %swap3A_149 = arith.index_cast %swap3A_148 : i32 to index
        %swap3A_150 = arith.index_cast %mul3A_107 : i32 to index
        %swap3A_151 = tpu.vector_load %arg6[%swap3A_149, %swap3A_150] {strides = array<i32>} : memref<8x1024xf32, #tpu.memory_space<vmem>>, vector<16xf32>,
        tpu.vector_store %arg6[%swap3A_149, %swap3A_150], %sub3A_147 {strides = array<i32>} : memref<8x1024xf32, #tpu.memory_space<vmem>>, vector<16xf32>,
        %mul3A_152 = arith.mulf %get3A_112, %get3A_144 : vector<16xf32>
        %mul3A_153 = arith.mulf %get3A_116, %get3A_140 : vector<16xf32>
        %add3A_154 = arith.addf %mul3A_152, %mul3A_153 : vector<16xf32>
        %swap3A_155 = arith.constant 1 : i32
        %swap3A_156 = arith.index_cast %swap3A_155 : i32 to index
        %swap3A_157 = arith.index_cast %add3A_109 : i32 to index
        %swap3A_158 = tpu.vector_load %arg6[%swap3A_156, %swap3A_157] {strides = array<i32>} : memref<8x1024xf32, #tpu.memory_space<vmem>>, vector<16xf32>,
        tpu.vector_store %arg6[%swap3A_156, %swap3A_157], %add3A_154 {strides = array<i32>} : memref<8x1024xf32, #tpu.memory_space<vmem>>, vector<16xf32>,
        %get3A_159 = arith.constant 2 : i32
        %get3A_160 = arith.index_cast %get3A_159 : i32 to index
        %get3A_161 = arith.index_cast %mul3A_107 : i32 to index
        %get3A_162 = tpu.vector_load %arg6[%get3A_160, %get3A_161] {strides = array<i32>} : memref<8x1024xf32, #tpu.memory_space<vmem>>, vector<16xf32>,
        %get3A_163 = arith.constant 2 : i32
        %get3A_164 = arith.index_cast %get3A_163 : i32 to index
        %get3A_165 = arith.index_cast %add3A_109 : i32 to index
        %get3A_166 = tpu.vector_load %arg6[%get3A_164, %get3A_165] {strides = array<i32>} : memref<8x1024xf32, #tpu.memory_space<vmem>>, vector<16xf32>,
        %mul3A_167 = arith.mulf %get3A_112, %get3A_162 : vector<16xf32>
        %mul3A_168 = arith.mulf %get3A_116, %get3A_166 : vector<16xf32>
        %sub3A_169 = arith.subf %mul3A_167, %mul3A_168 : vector<16xf32>
        %swap3A_170 = arith.constant 2 : i32
        %swap3A_171 = arith.index_cast %swap3A_170 : i32 to index
        %swap3A_172 = arith.index_cast %mul3A_107 : i32 to index
        %swap3A_173 = tpu.vector_load %arg6[%swap3A_171, %swap3A_172] {strides = array<i32>} : memref<8x1024xf32, #tpu.memory_space<vmem>>, vector<16xf32>,
        tpu.vector_store %arg6[%swap3A_171, %swap3A_172], %sub3A_169 {strides = array<i32>} : memref<8x1024xf32, #tpu.memory_space<vmem>>, vector<16xf32>,
        %mul3A_174 = arith.mulf %get3A_112, %get3A_166 : vector<16xf32>
        %mul3A_175 = arith.mulf %get3A_116, %get3A_162 : vector<16xf32>
        %add3A_176 = arith.addf %mul3A_174, %mul3A_175 : vector<16xf32>
        %swap3A_177 = arith.constant 2 : i32
        %swap3A_178 = arith.index_cast %swap3A_177 : i32 to index
        %swap3A_179 = arith.index_cast %add3A_109 : i32 to index
        %swap3A_180 = tpu.vector_load %arg6[%swap3A_178, %swap3A_179] {strides = array<i32>} : memref<8x1024xf32, #tpu.memory_space<vmem>>, vector<16xf32>,
        tpu.vector_store %arg6[%swap3A_178, %swap3A_179], %add3A_176 {strides = array<i32>} : memref<8x1024xf32, #tpu.memory_space<vmem>>, vector<16xf32>,
        %get3A_181 = arith.constant 3 : i32
        %get3A_182 = arith.index_cast %get3A_181 : i32 to index
        %get3A_183 = arith.index_cast %mul3A_107 : i32 to index
        %get3A_184 = tpu.vector_load %arg6[%get3A_182, %get3A_183] {strides = array<i32>} : memref<8x1024xf32, #tpu.memory_space<vmem>>, vector<16xf32>,
        %get3A_185 = arith.constant 3 : i32
        %get3A_186 = arith.index_cast %get3A_185 : i32 to index
        %get3A_187 = arith.index_cast %add3A_109 : i32 to index
        %get3A_188 = tpu.vector_load %arg6[%get3A_186, %get3A_187] {strides = array<i32>} : memref<8x1024xf32, #tpu.memory_space<vmem>>, vector<16xf32>,
        %mul3A_189 = arith.mulf %get3A_112, %get3A_184 : vector<16xf32>
        %mul3A_190 = arith.mulf %get3A_116, %get3A_188 : vector<16xf32>
        %sub3A_191 = arith.subf %mul3A_189, %mul3A_190 : vector<16xf32>
        %swap3A_192 = arith.constant 3 : i32
        %swap3A_193 = arith.index_cast %swap3A_192 : i32 to index
        %swap3A_194 = arith.index_cast %mul3A_107 : i32 to index
        %swap3A_195 = tpu.vector_load %arg6[%swap3A_193, %swap3A_194] {strides = array<i32>} : memref<8x1024xf32, #tpu.memory_space<vmem>>, vector<16xf32>,
        tpu.vector_store %arg6[%swap3A_193, %swap3A_194], %sub3A_191 {strides = array<i32>} : memref<8x1024xf32, #tpu.memory_space<vmem>>, vector<16xf32>,
        %mul3A_196 = arith.mulf %get3A_112, %get3A_188 : vector<16xf32>
        %mul3A_197 = arith.mulf %get3A_116, %get3A_184 : vector<16xf32>
        %add3A_198 = arith.addf %mul3A_196, %mul3A_197 : vector<16xf32>
        %swap3A_199 = arith.constant 3 : i32
        %swap3A_200 = arith.index_cast %swap3A_199 : i32 to index
        %swap3A_201 = arith.index_cast %add3A_109 : i32 to index
        %swap3A_202 = tpu.vector_load %arg6[%swap3A_200, %swap3A_201] {strides = array<i32>} : memref<8x1024xf32, #tpu.memory_space<vmem>>, vector<16xf32>,
        tpu.vector_store %arg6[%swap3A_200, %swap3A_201], %add3A_198 {strides = array<i32>} : memref<8x1024xf32, #tpu.memory_space<vmem>>, vector<16xf32>,
        %get3A_203 = arith.constant 4 : i32
        %get3A_204 = arith.index_cast %get3A_203 : i32 to index
        %get3A_205 = arith.index_cast %mul3A_107 : i32 to index
        %get3A_206 = tpu.vector_load %arg6[%get3A_204, %get3A_205] {strides = array<i32>} : memref<8x1024xf32, #tpu.memory_space<vmem>>, vector<16xf32>,
        %get3A_207 = arith.constant 4 : i32
        %get3A_208 = arith.index_cast %get3A_207 : i32 to index
        %get3A_209 = arith.index_cast %add3A_109 : i32 to index
        %get3A_210 = tpu.vector_load %arg6[%get3A_208, %get3A_209] {strides = array<i32>} : memref<8x1024xf32, #tpu.memory_space<vmem>>, vector<16xf32>,
        %mul3A_211 = arith.mulf %get3A_112, %get3A_206 : vector<16xf32>
        %mul3A_212 = arith.mulf %get3A_116, %get3A_210 : vector<16xf32>
        %sub3A_213 = arith.subf %mul3A_211, %mul3A_212 : vector<16xf32>
        %swap3A_214 = arith.constant 4 : i32
        %swap3A_215 = arith.index_cast %swap3A_214 : i32 to index
        %swap3A_216 = arith.index_cast %mul3A_107 : i32 to index
        %swap3A_217 = tpu.vector_load %arg6[%swap3A_215, %swap3A_216] {strides = array<i32>} : memref<8x1024xf32, #tpu.memory_space<vmem>>, vector<16xf32>,
        tpu.vector_store %arg6[%swap3A_215, %swap3A_216], %sub3A_213 {strides = array<i32>} : memref<8x1024xf32, #tpu.memory_space<vmem>>, vector<16xf32>,
        %mul3A_218 = arith.mulf %get3A_112, %get3A_210 : vector<16xf32>
        %mul3A_219 = arith.mulf %get3A_116, %get3A_206 : vector<16xf32>
        %add3A_220 = arith.addf %mul3A_218, %mul3A_219 : vector<16xf32>
        %swap3A_221 = arith.constant 4 : i32
        %swap3A_222 = arith.index_cast %swap3A_221 : i32 to index
        %swap3A_223 = arith.index_cast %add3A_109 : i32 to index
        %swap3A_224 = tpu.vector_load %arg6[%swap3A_222, %swap3A_223] {strides = array<i32>} : memref<8x1024xf32, #tpu.memory_space<vmem>>, vector<16xf32>,
        tpu.vector_store %arg6[%swap3A_222, %swap3A_223], %add3A_220 {strides = array<i32>} : memref<8x1024xf32, #tpu.memory_space<vmem>>, vector<16xf32>,
        %get3A_225 = arith.constant 5 : i32
        %get3A_226 = arith.index_cast %get3A_225 : i32 to index
        %get3A_227 = arith.index_cast %mul3A_107 : i32 to index
        %get3A_228 = tpu.vector_load %arg6[%get3A_226, %get3A_227] {strides = array<i32>} : memref<8x1024xf32, #tpu.memory_space<vmem>>, vector<16xf32>,
        %get3A_229 = arith.constant 5 : i32
        %get3A_230 = arith.index_cast %get3A_229 : i32 to index
        %get3A_231 = arith.index_cast %add3A_109 : i32 to index
        %get3A_232 = tpu.vector_load %arg6[%get3A_230, %get3A_231] {strides = array<i32>} : memref<8x1024xf32, #tpu.memory_space<vmem>>, vector<16xf32>,
        %mul3A_233 = arith.mulf %get3A_112, %get3A_228 : vector<16xf32>
        %mul3A_234 = arith.mulf %get3A_116, %get3A_232 : vector<16xf32>
        %sub3A_235 = arith.subf %mul3A_233, %mul3A_234 : vector<16xf32>
        %swap3A_236 = arith.constant 5 : i32
        %swap3A_237 = arith.index_cast %swap3A_236 : i32 to index
        %swap3A_238 = arith.index_cast %mul3A_107 : i32 to index
        %swap3A_239 = tpu.vector_load %arg6[%swap3A_237, %swap3A_238] {strides = array<i32>} : memref<8x1024xf32, #tpu.memory_space<vmem>>, vector<16xf32>,
        tpu.vector_store %arg6[%swap3A_237, %swap3A_238], %sub3A_235 {strides = array<i32>} : memref<8x1024xf32, #tpu.memory_space<vmem>>, vector<16xf32>,
        %mul3A_240 = arith.mulf %get3A_112, %get3A_232 : vector<16xf32>
        %mul3A_241 = arith.mulf %get3A_116, %get3A_228 : vector<16xf32>
        %add3A_242 = arith.addf %mul3A_240, %mul3A_241 : vector<16xf32>
        %swap3A_243 = arith.constant 5 : i32
        %swap3A_244 = arith.index_cast %swap3A_243 : i32 to index
        %swap3A_245 = arith.index_cast %add3A_109 : i32 to index
        %swap3A_246 = tpu.vector_load %arg6[%swap3A_244, %swap3A_245] {strides = array<i32>} : memref<8x1024xf32, #tpu.memory_space<vmem>>, vector<16xf32>,
        tpu.vector_store %arg6[%swap3A_244, %swap3A_245], %add3A_242 {strides = array<i32>} : memref<8x1024xf32, #tpu.memory_space<vmem>>, vector<16xf32>,
        %get3A_247 = arith.constant 6 : i32
        %get3A_248 = arith.index_cast %get3A_247 : i32 to index
        %get3A_249 = arith.index_cast %mul3A_107 : i32 to index
        %get3A_250 = tpu.vector_load %arg6[%get3A_248, %get3A_249] {strides = array<i32>} : memref<8x1024xf32, #tpu.memory_space<vmem>>, vector<16xf32>,
        %get3A_251 = arith.constant 6 : i32
        %get3A_252 = arith.index_cast %get3A_251 : i32 to index
        %get3A_253 = arith.index_cast %add3A_109 : i32 to index
        %get3A_254 = tpu.vector_load %arg6[%get3A_252, %get3A_253] {strides = array<i32>} : memref<8x1024xf32, #tpu.memory_space<vmem>>, vector<16xf32>,
        %mul3A_255 = arith.mulf %get3A_112, %get3A_250 : vector<16xf32>
        %mul3A_256 = arith.mulf %get3A_116, %get3A_254 : vector<16xf32>
        %sub3A_257 = arith.subf %mul3A_255, %mul3A_256 : vector<16xf32>
        %swap3A_258 = arith.constant 6 : i32
        %swap3A_259 = arith.index_cast %swap3A_258 : i32 to index
        %swap3A_260 = arith.index_cast %mul3A_107 : i32 to index
        %swap3A_261 = tpu.vector_load %arg6[%swap3A_259, %swap3A_260] {strides = array<i32>} : memref<8x1024xf32, #tpu.memory_space<vmem>>, vector<16xf32>,
        tpu.vector_store %arg6[%swap3A_259, %swap3A_260], %sub3A_257 {strides = array<i32>} : memref<8x1024xf32, #tpu.memory_space<vmem>>, vector<16xf32>,
        %mul3A_262 = arith.mulf %get3A_112, %get3A_254 : vector<16xf32>
        %mul3A_263 = arith.mulf %get3A_116, %get3A_250 : vector<16xf32>
        %add3A_264 = arith.addf %mul3A_262, %mul3A_263 : vector<16xf32>
        %swap3A_265 = arith.constant 6 : i32
        %swap3A_266 = arith.index_cast %swap3A_265 : i32 to index
        %swap3A_267 = arith.index_cast %add3A_109 : i32 to index
        %swap3A_268 = tpu.vector_load %arg6[%swap3A_266, %swap3A_267] {strides = array<i32>} : memref<8x1024xf32, #tpu.memory_space<vmem>>, vector<16xf32>,
        tpu.vector_store %arg6[%swap3A_266, %swap3A_267], %add3A_264 {strides = array<i32>} : memref<8x1024xf32, #tpu.memory_space<vmem>>, vector<16xf32>,
        %get3A_269 = arith.constant 7 : i32
        %get3A_270 = arith.index_cast %get3A_269 : i32 to index
        %get3A_271 = arith.index_cast %mul3A_107 : i32 to index
        %get3A_272 = tpu.vector_load %arg6[%get3A_270, %get3A_271] {strides = array<i32>} : memref<8x1024xf32, #tpu.memory_space<vmem>>, vector<16xf32>,
        %get3A_273 = arith.constant 7 : i32
        %get3A_274 = arith.index_cast %get3A_273 : i32 to index
        %get3A_275 = arith.index_cast %add3A_109 : i32 to index
        %get3A_276 = tpu.vector_load %arg6[%get3A_274, %get3A_275] {strides = array<i32>} : memref<8x1024xf32, #tpu.memory_space<vmem>>, vector<16xf32>,
        %mul3A_277 = arith.mulf %get3A_112, %get3A_272 : vector<16xf32>
        %mul3A_278 = arith.mulf %get3A_116, %get3A_276 : vector<16xf32>
        %sub3A_279 = arith.subf %mul3A_277, %mul3A_278 : vector<16xf32>
        %swap3A_280 = arith.constant 7 : i32
        %swap3A_281 = arith.index_cast %swap3A_280 : i32 to index
        %swap3A_282 = arith.index_cast %mul3A_107 : i32 to index
        %swap3A_283 = tpu.vector_load %arg6[%swap3A_281, %swap3A_282] {strides = array<i32>} : memref<8x1024xf32, #tpu.memory_space<vmem>>, vector<16xf32>,
        tpu.vector_store %arg6[%swap3A_281, %swap3A_282], %sub3A_279 {strides = array<i32>} : memref<8x1024xf32, #tpu.memory_space<vmem>>, vector<16xf32>,
        %mul3A_284 = arith.mulf %get3A_112, %get3A_276 : vector<16xf32>
        %mul3A_285 = arith.mulf %get3A_116, %get3A_272 : vector<16xf32>
        %add3A_286 = arith.addf %mul3A_284, %mul3A_285 : vector<16xf32>
        %swap3A_287 = arith.constant 7 : i32
        %swap3A_288 = arith.index_cast %swap3A_287 : i32 to index
        %swap3A_289 = arith.index_cast %add3A_109 : i32 to index
        %swap3A_290 = tpu.vector_load %arg6[%swap3A_288, %swap3A_289] {strides = array<i32>} : memref<8x1024xf32, #tpu.memory_space<vmem>>, vector<16xf32>,
        tpu.vector_store %arg6[%swap3A_288, %swap3A_289], %add3A_286 {strides = array<i32>} : memref<8x1024xf32, #tpu.memory_space<vmem>>, vector<16xf32>,
      }
      %scan3A_77 = arith.constant 32 : i32
      %scan3A_78 = arith.constant 0 : i32
      %scan3A_79 = arith.constant 0 : i32
      %scan3A_80 = arith.constant 32 : i32
      %scan3A_81 = arith.addi %scan3A_79, %scan3A_80 : i32
      %scan3A_82 = arith.constant 1 : i32
      scf.for %scan3A_102 = %scan3A_79 to %scan3A_81 step %scan3A_82  : i32 {
        %shift_right_arithmetic3A = arith.constant 2 : i32
        %shift_right_arithmetic3A_103 = arith.shrsi %scan3A_102, %shift_right_arithmetic3A : i32
        %shift_left3A = arith.constant 3 : i32
        %shift_left3A_104 = arith.shli %shift_right_arithmetic3A_103, %shift_left3A : i32
        %and3A = arith.constant 3 : i32
        %and3A_105 = arith.andi %scan3A_102, %and3A : i32
        %or3A = arith.ori %shift_left3A_104, %and3A_105 : i32
        %mul3A_106 = arith.constant 16 : i32
        %mul3A_107 = arith.muli %or3A, %mul3A_106 : i32
        %add3A_108 = arith.constant 64 : i32
        %add3A_109 = arith.addi %mul3A_107, %add3A_108 : i32
        %get3A = arith.constant 6 : i32
        %get3A_110 = arith.index_cast %get3A : i32 to index
        %get3A_111 = arith.index_cast %add3A_109 : i32 to index
        %get3A_112 = tpu.vector_load %arg7[%get3A_110, %get3A_111] {strides = array<i32>} : memref<10x1024xf32, #tpu.memory_space<vmem>>, vector<16xf32>,
        %get3A_113 = arith.constant 6 : i32
        %get3A_114 = arith.index_cast %get3A_113 : i32 to index
        %get3A_115 = arith.index_cast %add3A_109 : i32 to index
        %get3A_116 = tpu.vector_load %arg8[%get3A_114, %get3A_115] {strides = array<i32>} : memref<10x1024xf32, #tpu.memory_space<vmem>>, vector<16xf32>,
        %get3A_117 = arith.constant 0 : i32
        %get3A_118 = arith.index_cast %get3A_117 : i32 to index
        %get3A_119 = arith.index_cast %mul3A_107 : i32 to index
        %get3A_120 = tpu.vector_load %arg6[%get3A_118, %get3A_119] {strides = array<i32>} : memref<8x1024xf32, #tpu.memory_space<vmem>>, vector<16xf32>,
        %get3A_121 = arith.constant 0 : i32
        %get3A_122 = arith.index_cast %get3A_121 : i32 to index
        %get3A_123 = arith.index_cast %add3A_109 : i32 to index
        %get3A_124 = tpu.vector_load %arg6[%get3A_122, %get3A_123] {strides = array<i32>} : memref<8x1024xf32, #tpu.memory_space<vmem>>, vector<16xf32>,
        %mul3A_125 = arith.mulf %get3A_112, %get3A_120 : vector<16xf32>
        %mul3A_126 = arith.mulf %get3A_116, %get3A_124 : vector<16xf32>
        %sub3A = arith.subf %mul3A_125, %mul3A_126 : vector<16xf32>
        %swap3A = arith.constant 0 : i32
        %swap3A_127 = arith.index_cast %swap3A : i32 to index
        %swap3A_128 = arith.index_cast %mul3A_107 : i32 to index
        %swap3A_129 = tpu.vector_load %arg6[%swap3A_127, %swap3A_128] {strides = array<i32>} : memref<8x1024xf32, #tpu.memory_space<vmem>>, vector<16xf32>,
        tpu.vector_store %arg6[%swap3A_127, %swap3A_128], %sub3A {strides = array<i32>} : memref<8x1024xf32, #tpu.memory_space<vmem>>, vector<16xf32>,
        %mul3A_130 = arith.mulf %get3A_112, %get3A_124 : vector<16xf32>
        %mul3A_131 = arith.mulf %get3A_116, %get3A_120 : vector<16xf32>
        %add3A_132 = arith.addf %mul3A_130, %mul3A_131 : vector<16xf32>
        %swap3A_133 = arith.constant 0 : i32
        %swap3A_134 = arith.index_cast %swap3A_133 : i32 to index
        %swap3A_135 = arith.index_cast %add3A_109 : i32 to index
        %swap3A_136 = tpu.vector_load %arg6[%swap3A_134, %swap3A_135] {strides = array<i32>} : memref<8x1024xf32, #tpu.memory_space<vmem>>, vector<16xf32>,
        tpu.vector_store %arg6[%swap3A_134, %swap3A_135], %add3A_132 {strides = array<i32>} : memref<8x1024xf32, #tpu.memory_space<vmem>>, vector<16xf32>,
        %get3A_137 = arith.constant 1 : i32
        %get3A_138 = arith.index_cast %get3A_137 : i32 to index
        %get3A_139 = arith.index_cast %mul3A_107 : i32 to index
        %get3A_140 = tpu.vector_load %arg6[%get3A_138, %get3A_139] {strides = array<i32>} : memref<8x1024xf32, #tpu.memory_space<vmem>>, vector<16xf32>,
        %get3A_141 = arith.constant 1 : i32
        %get3A_142 = arith.index_cast %get3A_141 : i32 to index
        %get3A_143 = arith.index_cast %add3A_109 : i32 to index
        %get3A_144 = tpu.vector_load %arg6[%get3A_142, %get3A_143] {strides = array<i32>} : memref<8x1024xf32, #tpu.memory_space<vmem>>, vector<16xf32>,
        %mul3A_145 = arith.mulf %get3A_112, %get3A_140 : vector<16xf32>
        %mul3A_146 = arith.mulf %get3A_116, %get3A_144 : vector<16xf32>
        %sub3A_147 = arith.subf %mul3A_145, %mul3A_146 : vector<16xf32>
        %swap3A_148 = arith.constant 1 : i32
        %swap3A_149 = arith.index_cast %swap3A_148 : i32 to index
        %swap3A_150 = arith.index_cast %mul3A_107 : i32 to index
        %swap3A_151 = tpu.vector_load %arg6[%swap3A_149, %swap3A_150] {strides = array<i32>} : memref<8x1024xf32, #tpu.memory_space<vmem>>, vector<16xf32>,
        tpu.vector_store %arg6[%swap3A_149, %swap3A_150], %sub3A_147 {strides = array<i32>} : memref<8x1024xf32, #tpu.memory_space<vmem>>, vector<16xf32>,
        %mul3A_152 = arith.mulf %get3A_112, %get3A_144 : vector<16xf32>
        %mul3A_153 = arith.mulf %get3A_116, %get3A_140 : vector<16xf32>
        %add3A_154 = arith.addf %mul3A_152, %mul3A_153 : vector<16xf32>
        %swap3A_155 = arith.constant 1 : i32
        %swap3A_156 = arith.index_cast %swap3A_155 : i32 to index
        %swap3A_157 = arith.index_cast %add3A_109 : i32 to index
        %swap3A_158 = tpu.vector_load %arg6[%swap3A_156, %swap3A_157] {strides = array<i32>} : memref<8x1024xf32, #tpu.memory_space<vmem>>, vector<16xf32>,
        tpu.vector_store %arg6[%swap3A_156, %swap3A_157], %add3A_154 {strides = array<i32>} : memref<8x1024xf32, #tpu.memory_space<vmem>>, vector<16xf32>,
        %get3A_159 = arith.constant 2 : i32
        %get3A_160 = arith.index_cast %get3A_159 : i32 to index
        %get3A_161 = arith.index_cast %mul3A_107 : i32 to index
        %get3A_162 = tpu.vector_load %arg6[%get3A_160, %get3A_161] {strides = array<i32>} : memref<8x1024xf32, #tpu.memory_space<vmem>>, vector<16xf32>,
        %get3A_163 = arith.constant 2 : i32
        %get3A_164 = arith.index_cast %get3A_163 : i32 to index
        %get3A_165 = arith.index_cast %add3A_109 : i32 to index
        %get3A_166 = tpu.vector_load %arg6[%get3A_164, %get3A_165] {strides = array<i32>} : memref<8x1024xf32, #tpu.memory_space<vmem>>, vector<16xf32>,
        %mul3A_167 = arith.mulf %get3A_112, %get3A_162 : vector<16xf32>
        %mul3A_168 = arith.mulf %get3A_116, %get3A_166 : vector<16xf32>
        %sub3A_169 = arith.subf %mul3A_167, %mul3A_168 : vector<16xf32>
        %swap3A_170 = arith.constant 2 : i32
        %swap3A_171 = arith.index_cast %swap3A_170 : i32 to index
        %swap3A_172 = arith.index_cast %mul3A_107 : i32 to index
        %swap3A_173 = tpu.vector_load %arg6[%swap3A_171, %swap3A_172] {strides = array<i32>} : memref<8x1024xf32, #tpu.memory_space<vmem>>, vector<16xf32>,
        tpu.vector_store %arg6[%swap3A_171, %swap3A_172], %sub3A_169 {strides = array<i32>} : memref<8x1024xf32, #tpu.memory_space<vmem>>, vector<16xf32>,
        %mul3A_174 = arith.mulf %get3A_112, %get3A_166 : vector<16xf32>
        %mul3A_175 = arith.mulf %get3A_116, %get3A_162 : vector<16xf32>
        %add3A_176 = arith.addf %mul3A_174, %mul3A_175 : vector<16xf32>
        %swap3A_177 = arith.constant 2 : i32
        %swap3A_178 = arith.index_cast %swap3A_177 : i32 to index
        %swap3A_179 = arith.index_cast %add3A_109 : i32 to index
        %swap3A_180 = tpu.vector_load %arg6[%swap3A_178, %swap3A_179] {strides = array<i32>} : memref<8x1024xf32, #tpu.memory_space<vmem>>, vector<16xf32>,
        tpu.vector_store %arg6[%swap3A_178, %swap3A_179], %add3A_176 {strides = array<i32>} : memref<8x1024xf32, #tpu.memory_space<vmem>>, vector<16xf32>,
        %get3A_181 = arith.constant 3 : i32
        %get3A_182 = arith.index_cast %get3A_181 : i32 to index
        %get3A_183 = arith.index_cast %mul3A_107 : i32 to index
        %get3A_184 = tpu.vector_load %arg6[%get3A_182, %get3A_183] {strides = array<i32>} : memref<8x1024xf32, #tpu.memory_space<vmem>>, vector<16xf32>,
        %get3A_185 = arith.constant 3 : i32
        %get3A_186 = arith.index_cast %get3A_185 : i32 to index
        %get3A_187 = arith.index_cast %add3A_109 : i32 to index
        %get3A_188 = tpu.vector_load %arg6[%get3A_186, %get3A_187] {strides = array<i32>} : memref<8x1024xf32, #tpu.memory_space<vmem>>, vector<16xf32>,
        %mul3A_189 = arith.mulf %get3A_112, %get3A_184 : vector<16xf32>
        %mul3A_190 = arith.mulf %get3A_116, %get3A_188 : vector<16xf32>
        %sub3A_191 = arith.subf %mul3A_189, %mul3A_190 : vector<16xf32>
        %swap3A_192 = arith.constant 3 : i32
        %swap3A_193 = arith.index_cast %swap3A_192 : i32 to index
        %swap3A_194 = arith.index_cast %mul3A_107 : i32 to index
        %swap3A_195 = tpu.vector_load %arg6[%swap3A_193, %swap3A_194] {strides = array<i32>} : memref<8x1024xf32, #tpu.memory_space<vmem>>, vector<16xf32>,
        tpu.vector_store %arg6[%swap3A_193, %swap3A_194], %sub3A_191 {strides = array<i32>} : memref<8x1024xf32, #tpu.memory_space<vmem>>, vector<16xf32>,
        %mul3A_196 = arith.mulf %get3A_112, %get3A_188 : vector<16xf32>
        %mul3A_197 = arith.mulf %get3A_116, %get3A_184 : vector<16xf32>
        %add3A_198 = arith.addf %mul3A_196, %mul3A_197 : vector<16xf32>
        %swap3A_199 = arith.constant 3 : i32
        %swap3A_200 = arith.index_cast %swap3A_199 : i32 to index
        %swap3A_201 = arith.index_cast %add3A_109 : i32 to index
        %swap3A_202 = tpu.vector_load %arg6[%swap3A_200, %swap3A_201] {strides = array<i32>} : memref<8x1024xf32, #tpu.memory_space<vmem>>, vector<16xf32>,
        tpu.vector_store %arg6[%swap3A_200, %swap3A_201], %add3A_198 {strides = array<i32>} : memref<8x1024xf32, #tpu.memory_space<vmem>>, vector<16xf32>,
        %get3A_203 = arith.constant 4 : i32
        %get3A_204 = arith.index_cast %get3A_203 : i32 to index
        %get3A_205 = arith.index_cast %mul3A_107 : i32 to index
        %get3A_206 = tpu.vector_load %arg6[%get3A_204, %get3A_205] {strides = array<i32>} : memref<8x1024xf32, #tpu.memory_space<vmem>>, vector<16xf32>,
        %get3A_207 = arith.constant 4 : i32
        %get3A_208 = arith.index_cast %get3A_207 : i32 to index
        %get3A_209 = arith.index_cast %add3A_109 : i32 to index
        %get3A_210 = tpu.vector_load %arg6[%get3A_208, %get3A_209] {strides = array<i32>} : memref<8x1024xf32, #tpu.memory_space<vmem>>, vector<16xf32>,
        %mul3A_211 = arith.mulf %get3A_112, %get3A_206 : vector<16xf32>
        %mul3A_212 = arith.mulf %get3A_116, %get3A_210 : vector<16xf32>
        %sub3A_213 = arith.subf %mul3A_211, %mul3A_212 : vector<16xf32>
        %swap3A_214 = arith.constant 4 : i32
        %swap3A_215 = arith.index_cast %swap3A_214 : i32 to index
        %swap3A_216 = arith.index_cast %mul3A_107 : i32 to index
        %swap3A_217 = tpu.vector_load %arg6[%swap3A_215, %swap3A_216] {strides = array<i32>} : memref<8x1024xf32, #tpu.memory_space<vmem>>, vector<16xf32>,
        tpu.vector_store %arg6[%swap3A_215, %swap3A_216], %sub3A_213 {strides = array<i32>} : memref<8x1024xf32, #tpu.memory_space<vmem>>, vector<16xf32>,
        %mul3A_218 = arith.mulf %get3A_112, %get3A_210 : vector<16xf32>
        %mul3A_219 = arith.mulf %get3A_116, %get3A_206 : vector<16xf32>
        %add3A_220 = arith.addf %mul3A_218, %mul3A_219 : vector<16xf32>
        %swap3A_221 = arith.constant 4 : i32
        %swap3A_222 = arith.index_cast %swap3A_221 : i32 to index
        %swap3A_223 = arith.index_cast %add3A_109 : i32 to index
        %swap3A_224 = tpu.vector_load %arg6[%swap3A_222, %swap3A_223] {strides = array<i32>} : memref<8x1024xf32, #tpu.memory_space<vmem>>, vector<16xf32>,
        tpu.vector_store %arg6[%swap3A_222, %swap3A_223], %add3A_220 {strides = array<i32>} : memref<8x1024xf32, #tpu.memory_space<vmem>>, vector<16xf32>,
        %get3A_225 = arith.constant 5 : i32
        %get3A_226 = arith.index_cast %get3A_225 : i32 to index
        %get3A_227 = arith.index_cast %mul3A_107 : i32 to index
        %get3A_228 = tpu.vector_load %arg6[%get3A_226, %get3A_227] {strides = array<i32>} : memref<8x1024xf32, #tpu.memory_space<vmem>>, vector<16xf32>,
        %get3A_229 = arith.constant 5 : i32
        %get3A_230 = arith.index_cast %get3A_229 : i32 to index
        %get3A_231 = arith.index_cast %add3A_109 : i32 to index
        %get3A_232 = tpu.vector_load %arg6[%get3A_230, %get3A_231] {strides = array<i32>} : memref<8x1024xf32, #tpu.memory_space<vmem>>, vector<16xf32>,
        %mul3A_233 = arith.mulf %get3A_112, %get3A_228 : vector<16xf32>
        %mul3A_234 = arith.mulf %get3A_116, %get3A_232 : vector<16xf32>
        %sub3A_235 = arith.subf %mul3A_233, %mul3A_234 : vector<16xf32>
        %swap3A_236 = arith.constant 5 : i32
        %swap3A_237 = arith.index_cast %swap3A_236 : i32 to index
        %swap3A_238 = arith.index_cast %mul3A_107 : i32 to index
        %swap3A_239 = tpu.vector_load %arg6[%swap3A_237, %swap3A_238] {strides = array<i32>} : memref<8x1024xf32, #tpu.memory_space<vmem>>, vector<16xf32>,
        tpu.vector_store %arg6[%swap3A_237, %swap3A_238], %sub3A_235 {strides = array<i32>} : memref<8x1024xf32, #tpu.memory_space<vmem>>, vector<16xf32>,
        %mul3A_240 = arith.mulf %get3A_112, %get3A_232 : vector<16xf32>
        %mul3A_241 = arith.mulf %get3A_116, %get3A_228 : vector<16xf32>
        %add3A_242 = arith.addf %mul3A_240, %mul3A_241 : vector<16xf32>
        %swap3A_243 = arith.constant 5 : i32
        %swap3A_244 = arith.index_cast %swap3A_243 : i32 to index
        %swap3A_245 = arith.index_cast %add3A_109 : i32 to index
        %swap3A_246 = tpu.vector_load %arg6[%swap3A_244, %swap3A_245] {strides = array<i32>} : memref<8x1024xf32, #tpu.memory_space<vmem>>, vector<16xf32>,
        tpu.vector_store %arg6[%swap3A_244, %swap3A_245], %add3A_242 {strides = array<i32>} : memref<8x1024xf32, #tpu.memory_space<vmem>>, vector<16xf32>,
        %get3A_247 = arith.constant 6 : i32
        %get3A_248 = arith.index_cast %get3A_247 : i32 to index
        %get3A_249 = arith.index_cast %mul3A_107 : i32 to index
        %get3A_250 = tpu.vector_load %arg6[%get3A_248, %get3A_249] {strides = array<i32>} : memref<8x1024xf32, #tpu.memory_space<vmem>>, vector<16xf32>,
        %get3A_251 = arith.constant 6 : i32
        %get3A_252 = arith.index_cast %get3A_251 : i32 to index
        %get3A_253 = arith.index_cast %add3A_109 : i32 to index
        %get3A_254 = tpu.vector_load %arg6[%get3A_252, %get3A_253] {strides = array<i32>} : memref<8x1024xf32, #tpu.memory_space<vmem>>, vector<16xf32>,
        %mul3A_255 = arith.mulf %get3A_112, %get3A_250 : vector<16xf32>
        %mul3A_256 = arith.mulf %get3A_116, %get3A_254 : vector<16xf32>
        %sub3A_257 = arith.subf %mul3A_255, %mul3A_256 : vector<16xf32>
        %swap3A_258 = arith.constant 6 : i32
        %swap3A_259 = arith.index_cast %swap3A_258 : i32 to index
        %swap3A_260 = arith.index_cast %mul3A_107 : i32 to index
        %swap3A_261 = tpu.vector_load %arg6[%swap3A_259, %swap3A_260] {strides = array<i32>} : memref<8x1024xf32, #tpu.memory_space<vmem>>, vector<16xf32>,
        tpu.vector_store %arg6[%swap3A_259, %swap3A_260], %sub3A_257 {strides = array<i32>} : memref<8x1024xf32, #tpu.memory_space<vmem>>, vector<16xf32>,
        %mul3A_262 = arith.mulf %get3A_112, %get3A_254 : vector<16xf32>
        %mul3A_263 = arith.mulf %get3A_116, %get3A_250 : vector<16xf32>
        %add3A_264 = arith.addf %mul3A_262, %mul3A_263 : vector<16xf32>
        %swap3A_265 = arith.constant 6 : i32
        %swap3A_266 = arith.index_cast %swap3A_265 : i32 to index
        %swap3A_267 = arith.index_cast %add3A_109 : i32 to index
        %swap3A_268 = tpu.vector_load %arg6[%swap3A_266, %swap3A_267] {strides = array<i32>} : memref<8x1024xf32, #tpu.memory_space<vmem>>, vector<16xf32>,
        tpu.vector_store %arg6[%swap3A_266, %swap3A_267], %add3A_264 {strides = array<i32>} : memref<8x1024xf32, #tpu.memory_space<vmem>>, vector<16xf32>,
        %get3A_269 = arith.constant 7 : i32
        %get3A_270 = arith.index_cast %get3A_269 : i32 to index
        %get3A_271 = arith.index_cast %mul3A_107 : i32 to index
        %get3A_272 = tpu.vector_load %arg6[%get3A_270, %get3A_271] {strides = array<i32>} : memref<8x1024xf32, #tpu.memory_space<vmem>>, vector<16xf32>,
        %get3A_273 = arith.constant 7 : i32
        %get3A_274 = arith.index_cast %get3A_273 : i32 to index
        %get3A_275 = arith.index_cast %add3A_109 : i32 to index
        %get3A_276 = tpu.vector_load %arg6[%get3A_274, %get3A_275] {strides = array<i32>} : memref<8x1024xf32, #tpu.memory_space<vmem>>, vector<16xf32>,
        %mul3A_277 = arith.mulf %get3A_112, %get3A_272 : vector<16xf32>
        %mul3A_278 = arith.mulf %get3A_116, %get3A_276 : vector<16xf32>
        %sub3A_279 = arith.subf %mul3A_277, %mul3A_278 : vector<16xf32>
        %swap3A_280 = arith.constant 7 : i32
        %swap3A_281 = arith.index_cast %swap3A_280 : i32 to index
        %swap3A_282 = arith.index_cast %mul3A_107 : i32 to index
        %swap3A_283 = tpu.vector_load %arg6[%swap3A_281, %swap3A_282] {strides = array<i32>} : memref<8x1024xf32, #tpu.memory_space<vmem>>, vector<16xf32>,
        tpu.vector_store %arg6[%swap3A_281, %swap3A_282], %sub3A_279 {strides = array<i32>} : memref<8x1024xf32, #tpu.memory_space<vmem>>, vector<16xf32>,
        %mul3A_284 = arith.mulf %get3A_112, %get3A_276 : vector<16xf32>
        %mul3A_285 = arith.mulf %get3A_116, %get3A_272 : vector<16xf32>
        %add3A_286 = arith.addf %mul3A_284, %mul3A_285 : vector<16xf32>
        %swap3A_287 = arith.constant 7 : i32
        %swap3A_288 = arith.index_cast %swap3A_287 : i32 to index
        %swap3A_289 = arith.index_cast %add3A_109 : i32 to index
        %swap3A_290 = tpu.vector_load %arg6[%swap3A_288, %swap3A_289] {strides = array<i32>} : memref<8x1024xf32, #tpu.memory_space<vmem>>, vector<16xf32>,
        tpu.vector_store %arg6[%swap3A_288, %swap3A_289], %add3A_286 {strides = array<i32>} : memref<8x1024xf32, #tpu.memory_space<vmem>>, vector<16xf32>,
      }
      %scan3A_83 = arith.constant 32 : i32
      %scan3A_84 = arith.constant 0 : i32
      %scan3A_85 = arith.constant 0 : i32
      %scan3A_86 = arith.constant 32 : i32
      %scan3A_87 = arith.addi %scan3A_85, %scan3A_86 : i32
      %scan3A_88 = arith.constant 1 : i32
      scf.for %scan3A_102 = %scan3A_85 to %scan3A_87 step %scan3A_88  : i32 {
        %shift_right_arithmetic3A = arith.constant 3 : i32
        %shift_right_arithmetic3A_103 = arith.shrsi %scan3A_102, %shift_right_arithmetic3A : i32
        %shift_left3A = arith.constant 4 : i32
        %shift_left3A_104 = arith.shli %shift_right_arithmetic3A_103, %shift_left3A : i32
        %and3A = arith.constant 7 : i32
        %and3A_105 = arith.andi %scan3A_102, %and3A : i32
        %or3A = arith.ori %shift_left3A_104, %and3A_105 : i32
        %mul3A_106 = arith.constant 16 : i32
        %mul3A_107 = arith.muli %or3A, %mul3A_106 : i32
        %add3A_108 = arith.constant 128 : i32
        %add3A_109 = arith.addi %mul3A_107, %add3A_108 : i32
        %get3A = arith.constant 7 : i32
        %get3A_110 = arith.index_cast %get3A : i32 to index
        %get3A_111 = arith.index_cast %add3A_109 : i32 to index
        %get3A_112 = tpu.vector_load %arg7[%get3A_110, %get3A_111] {strides = array<i32>} : memref<10x1024xf32, #tpu.memory_space<vmem>>, vector<16xf32>,
        %get3A_113 = arith.constant 7 : i32
        %get3A_114 = arith.index_cast %get3A_113 : i32 to index
        %get3A_115 = arith.index_cast %add3A_109 : i32 to index
        %get3A_116 = tpu.vector_load %arg8[%get3A_114, %get3A_115] {strides = array<i32>} : memref<10x1024xf32, #tpu.memory_space<vmem>>, vector<16xf32>,
        %get3A_117 = arith.constant 0 : i32
        %get3A_118 = arith.index_cast %get3A_117 : i32 to index
        %get3A_119 = arith.index_cast %mul3A_107 : i32 to index
        %get3A_120 = tpu.vector_load %arg6[%get3A_118, %get3A_119] {strides = array<i32>} : memref<8x1024xf32, #tpu.memory_space<vmem>>, vector<16xf32>,
        %get3A_121 = arith.constant 0 : i32
        %get3A_122 = arith.index_cast %get3A_121 : i32 to index
        %get3A_123 = arith.index_cast %add3A_109 : i32 to index
        %get3A_124 = tpu.vector_load %arg6[%get3A_122, %get3A_123] {strides = array<i32>} : memref<8x1024xf32, #tpu.memory_space<vmem>>, vector<16xf32>,
        %mul3A_125 = arith.mulf %get3A_112, %get3A_120 : vector<16xf32>
        %mul3A_126 = arith.mulf %get3A_116, %get3A_124 : vector<16xf32>
        %sub3A = arith.subf %mul3A_125, %mul3A_126 : vector<16xf32>
        %swap3A = arith.constant 0 : i32
        %swap3A_127 = arith.index_cast %swap3A : i32 to index
        %swap3A_128 = arith.index_cast %mul3A_107 : i32 to index
        %swap3A_129 = tpu.vector_load %arg6[%swap3A_127, %swap3A_128] {strides = array<i32>} : memref<8x1024xf32, #tpu.memory_space<vmem>>, vector<16xf32>,
        tpu.vector_store %arg6[%swap3A_127, %swap3A_128], %sub3A {strides = array<i32>} : memref<8x1024xf32, #tpu.memory_space<vmem>>, vector<16xf32>,
        %mul3A_130 = arith.mulf %get3A_112, %get3A_124 : vector<16xf32>
        %mul3A_131 = arith.mulf %get3A_116, %get3A_120 : vector<16xf32>
        %add3A_132 = arith.addf %mul3A_130, %mul3A_131 : vector<16xf32>
        %swap3A_133 = arith.constant 0 : i32
        %swap3A_134 = arith.index_cast %swap3A_133 : i32 to index
        %swap3A_135 = arith.index_cast %add3A_109 : i32 to index
        %swap3A_136 = tpu.vector_load %arg6[%swap3A_134, %swap3A_135] {strides = array<i32>} : memref<8x1024xf32, #tpu.memory_space<vmem>>, vector<16xf32>,
        tpu.vector_store %arg6[%swap3A_134, %swap3A_135], %add3A_132 {strides = array<i32>} : memref<8x1024xf32, #tpu.memory_space<vmem>>, vector<16xf32>,
        %get3A_137 = arith.constant 1 : i32
        %get3A_138 = arith.index_cast %get3A_137 : i32 to index
        %get3A_139 = arith.index_cast %mul3A_107 : i32 to index
        %get3A_140 = tpu.vector_load %arg6[%get3A_138, %get3A_139] {strides = array<i32>} : memref<8x1024xf32, #tpu.memory_space<vmem>>, vector<16xf32>,
        %get3A_141 = arith.constant 1 : i32
        %get3A_142 = arith.index_cast %get3A_141 : i32 to index
        %get3A_143 = arith.index_cast %add3A_109 : i32 to index
        %get3A_144 = tpu.vector_load %arg6[%get3A_142, %get3A_143] {strides = array<i32>} : memref<8x1024xf32, #tpu.memory_space<vmem>>, vector<16xf32>,
        %mul3A_145 = arith.mulf %get3A_112, %get3A_140 : vector<16xf32>
        %mul3A_146 = arith.mulf %get3A_116, %get3A_144 : vector<16xf32>
        %sub3A_147 = arith.subf %mul3A_145, %mul3A_146 : vector<16xf32>
        %swap3A_148 = arith.constant 1 : i32
        %swap3A_149 = arith.index_cast %swap3A_148 : i32 to index
        %swap3A_150 = arith.index_cast %mul3A_107 : i32 to index
        %swap3A_151 = tpu.vector_load %arg6[%swap3A_149, %swap3A_150] {strides = array<i32>} : memref<8x1024xf32, #tpu.memory_space<vmem>>, vector<16xf32>,
        tpu.vector_store %arg6[%swap3A_149, %swap3A_150], %sub3A_147 {strides = array<i32>} : memref<8x1024xf32, #tpu.memory_space<vmem>>, vector<16xf32>,
        %mul3A_152 = arith.mulf %get3A_112, %get3A_144 : vector<16xf32>
        %mul3A_153 = arith.mulf %get3A_116, %get3A_140 : vector<16xf32>
        %add3A_154 = arith.addf %mul3A_152, %mul3A_153 : vector<16xf32>
        %swap3A_155 = arith.constant 1 : i32
        %swap3A_156 = arith.index_cast %swap3A_155 : i32 to index
        %swap3A_157 = arith.index_cast %add3A_109 : i32 to index
        %swap3A_158 = tpu.vector_load %arg6[%swap3A_156, %swap3A_157] {strides = array<i32>} : memref<8x1024xf32, #tpu.memory_space<vmem>>, vector<16xf32>,
        tpu.vector_store %arg6[%swap3A_156, %swap3A_157], %add3A_154 {strides = array<i32>} : memref<8x1024xf32, #tpu.memory_space<vmem>>, vector<16xf32>,
        %get3A_159 = arith.constant 2 : i32
        %get3A_160 = arith.index_cast %get3A_159 : i32 to index
        %get3A_161 = arith.index_cast %mul3A_107 : i32 to index
        %get3A_162 = tpu.vector_load %arg6[%get3A_160, %get3A_161] {strides = array<i32>} : memref<8x1024xf32, #tpu.memory_space<vmem>>, vector<16xf32>,
        %get3A_163 = arith.constant 2 : i32
        %get3A_164 = arith.index_cast %get3A_163 : i32 to index
        %get3A_165 = arith.index_cast %add3A_109 : i32 to index
        %get3A_166 = tpu.vector_load %arg6[%get3A_164, %get3A_165] {strides = array<i32>} : memref<8x1024xf32, #tpu.memory_space<vmem>>, vector<16xf32>,
        %mul3A_167 = arith.mulf %get3A_112, %get3A_162 : vector<16xf32>
        %mul3A_168 = arith.mulf %get3A_116, %get3A_166 : vector<16xf32>
        %sub3A_169 = arith.subf %mul3A_167, %mul3A_168 : vector<16xf32>
        %swap3A_170 = arith.constant 2 : i32
        %swap3A_171 = arith.index_cast %swap3A_170 : i32 to index
        %swap3A_172 = arith.index_cast %mul3A_107 : i32 to index
        %swap3A_173 = tpu.vector_load %arg6[%swap3A_171, %swap3A_172] {strides = array<i32>} : memref<8x1024xf32, #tpu.memory_space<vmem>>, vector<16xf32>,
        tpu.vector_store %arg6[%swap3A_171, %swap3A_172], %sub3A_169 {strides = array<i32>} : memref<8x1024xf32, #tpu.memory_space<vmem>>, vector<16xf32>,
        %mul3A_174 = arith.mulf %get3A_112, %get3A_166 : vector<16xf32>
        %mul3A_175 = arith.mulf %get3A_116, %get3A_162 : vector<16xf32>
        %add3A_176 = arith.addf %mul3A_174, %mul3A_175 : vector<16xf32>
        %swap3A_177 = arith.constant 2 : i32
        %swap3A_178 = arith.index_cast %swap3A_177 : i32 to index
        %swap3A_179 = arith.index_cast %add3A_109 : i32 to index
        %swap3A_180 = tpu.vector_load %arg6[%swap3A_178, %swap3A_179] {strides = array<i32>} : memref<8x1024xf32, #tpu.memory_space<vmem>>, vector<16xf32>,
        tpu.vector_store %arg6[%swap3A_178, %swap3A_179], %add3A_176 {strides = array<i32>} : memref<8x1024xf32, #tpu.memory_space<vmem>>, vector<16xf32>,
        %get3A_181 = arith.constant 3 : i32
        %get3A_182 = arith.index_cast %get3A_181 : i32 to index
        %get3A_183 = arith.index_cast %mul3A_107 : i32 to index
        %get3A_184 = tpu.vector_load %arg6[%get3A_182, %get3A_183] {strides = array<i32>} : memref<8x1024xf32, #tpu.memory_space<vmem>>, vector<16xf32>,
        %get3A_185 = arith.constant 3 : i32
        %get3A_186 = arith.index_cast %get3A_185 : i32 to index
        %get3A_187 = arith.index_cast %add3A_109 : i32 to index
        %get3A_188 = tpu.vector_load %arg6[%get3A_186, %get3A_187] {strides = array<i32>} : memref<8x1024xf32, #tpu.memory_space<vmem>>, vector<16xf32>,
        %mul3A_189 = arith.mulf %get3A_112, %get3A_184 : vector<16xf32>
        %mul3A_190 = arith.mulf %get3A_116, %get3A_188 : vector<16xf32>
        %sub3A_191 = arith.subf %mul3A_189, %mul3A_190 : vector<16xf32>
        %swap3A_192 = arith.constant 3 : i32
        %swap3A_193 = arith.index_cast %swap3A_192 : i32 to index
        %swap3A_194 = arith.index_cast %mul3A_107 : i32 to index
        %swap3A_195 = tpu.vector_load %arg6[%swap3A_193, %swap3A_194] {strides = array<i32>} : memref<8x1024xf32, #tpu.memory_space<vmem>>, vector<16xf32>,
        tpu.vector_store %arg6[%swap3A_193, %swap3A_194], %sub3A_191 {strides = array<i32>} : memref<8x1024xf32, #tpu.memory_space<vmem>>, vector<16xf32>,
        %mul3A_196 = arith.mulf %get3A_112, %get3A_188 : vector<16xf32>
        %mul3A_197 = arith.mulf %get3A_116, %get3A_184 : vector<16xf32>
        %add3A_198 = arith.addf %mul3A_196, %mul3A_197 : vector<16xf32>
        %swap3A_199 = arith.constant 3 : i32
        %swap3A_200 = arith.index_cast %swap3A_199 : i32 to index
        %swap3A_201 = arith.index_cast %add3A_109 : i32 to index
        %swap3A_202 = tpu.vector_load %arg6[%swap3A_200, %swap3A_201] {strides = array<i32>} : memref<8x1024xf32, #tpu.memory_space<vmem>>, vector<16xf32>,
        tpu.vector_store %arg6[%swap3A_200, %swap3A_201], %add3A_198 {strides = array<i32>} : memref<8x1024xf32, #tpu.memory_space<vmem>>, vector<16xf32>,
        %get3A_203 = arith.constant 4 : i32
        %get3A_204 = arith.index_cast %get3A_203 : i32 to index
        %get3A_205 = arith.index_cast %mul3A_107 : i32 to index
        %get3A_206 = tpu.vector_load %arg6[%get3A_204, %get3A_205] {strides = array<i32>} : memref<8x1024xf32, #tpu.memory_space<vmem>>, vector<16xf32>,
        %get3A_207 = arith.constant 4 : i32
        %get3A_208 = arith.index_cast %get3A_207 : i32 to index
        %get3A_209 = arith.index_cast %add3A_109 : i32 to index
        %get3A_210 = tpu.vector_load %arg6[%get3A_208, %get3A_209] {strides = array<i32>} : memref<8x1024xf32, #tpu.memory_space<vmem>>, vector<16xf32>,
        %mul3A_211 = arith.mulf %get3A_112, %get3A_206 : vector<16xf32>
        %mul3A_212 = arith.mulf %get3A_116, %get3A_210 : vector<16xf32>
        %sub3A_213 = arith.subf %mul3A_211, %mul3A_212 : vector<16xf32>
        %swap3A_214 = arith.constant 4 : i32
        %swap3A_215 = arith.index_cast %swap3A_214 : i32 to index
        %swap3A_216 = arith.index_cast %mul3A_107 : i32 to index
        %swap3A_217 = tpu.vector_load %arg6[%swap3A_215, %swap3A_216] {strides = array<i32>} : memref<8x1024xf32, #tpu.memory_space<vmem>>, vector<16xf32>,
        tpu.vector_store %arg6[%swap3A_215, %swap3A_216], %sub3A_213 {strides = array<i32>} : memref<8x1024xf32, #tpu.memory_space<vmem>>, vector<16xf32>,
        %mul3A_218 = arith.mulf %get3A_112, %get3A_210 : vector<16xf32>
        %mul3A_219 = arith.mulf %get3A_116, %get3A_206 : vector<16xf32>
        %add3A_220 = arith.addf %mul3A_218, %mul3A_219 : vector<16xf32>
        %swap3A_221 = arith.constant 4 : i32
        %swap3A_222 = arith.index_cast %swap3A_221 : i32 to index
        %swap3A_223 = arith.index_cast %add3A_109 : i32 to index
        %swap3A_224 = tpu.vector_load %arg6[%swap3A_222, %swap3A_223] {strides = array<i32>} : memref<8x1024xf32, #tpu.memory_space<vmem>>, vector<16xf32>,
        tpu.vector_store %arg6[%swap3A_222, %swap3A_223], %add3A_220 {strides = array<i32>} : memref<8x1024xf32, #tpu.memory_space<vmem>>, vector<16xf32>,
        %get3A_225 = arith.constant 5 : i32
        %get3A_226 = arith.index_cast %get3A_225 : i32 to index
        %get3A_227 = arith.index_cast %mul3A_107 : i32 to index
        %get3A_228 = tpu.vector_load %arg6[%get3A_226, %get3A_227] {strides = array<i32>} : memref<8x1024xf32, #tpu.memory_space<vmem>>, vector<16xf32>,
        %get3A_229 = arith.constant 5 : i32
        %get3A_230 = arith.index_cast %get3A_229 : i32 to index
        %get3A_231 = arith.index_cast %add3A_109 : i32 to index
        %get3A_232 = tpu.vector_load %arg6[%get3A_230, %get3A_231] {strides = array<i32>} : memref<8x1024xf32, #tpu.memory_space<vmem>>, vector<16xf32>,
        %mul3A_233 = arith.mulf %get3A_112, %get3A_228 : vector<16xf32>
        %mul3A_234 = arith.mulf %get3A_116, %get3A_232 : vector<16xf32>
        %sub3A_235 = arith.subf %mul3A_233, %mul3A_234 : vector<16xf32>
        %swap3A_236 = arith.constant 5 : i32
        %swap3A_237 = arith.index_cast %swap3A_236 : i32 to index
        %swap3A_238 = arith.index_cast %mul3A_107 : i32 to index
        %swap3A_239 = tpu.vector_load %arg6[%swap3A_237, %swap3A_238] {strides = array<i32>} : memref<8x1024xf32, #tpu.memory_space<vmem>>, vector<16xf32>,
        tpu.vector_store %arg6[%swap3A_237, %swap3A_238], %sub3A_235 {strides = array<i32>} : memref<8x1024xf32, #tpu.memory_space<vmem>>, vector<16xf32>,
        %mul3A_240 = arith.mulf %get3A_112, %get3A_232 : vector<16xf32>
        %mul3A_241 = arith.mulf %get3A_116, %get3A_228 : vector<16xf32>
        %add3A_242 = arith.addf %mul3A_240, %mul3A_241 : vector<16xf32>
        %swap3A_243 = arith.constant 5 : i32
        %swap3A_244 = arith.index_cast %swap3A_243 : i32 to index
        %swap3A_245 = arith.index_cast %add3A_109 : i32 to index
        %swap3A_246 = tpu.vector_load %arg6[%swap3A_244, %swap3A_245] {strides = array<i32>} : memref<8x1024xf32, #tpu.memory_space<vmem>>, vector<16xf32>,
        tpu.vector_store %arg6[%swap3A_244, %swap3A_245], %add3A_242 {strides = array<i32>} : memref<8x1024xf32, #tpu.memory_space<vmem>>, vector<16xf32>,
        %get3A_247 = arith.constant 6 : i32
        %get3A_248 = arith.index_cast %get3A_247 : i32 to index
        %get3A_249 = arith.index_cast %mul3A_107 : i32 to index
        %get3A_250 = tpu.vector_load %arg6[%get3A_248, %get3A_249] {strides = array<i32>} : memref<8x1024xf32, #tpu.memory_space<vmem>>, vector<16xf32>,
        %get3A_251 = arith.constant 6 : i32
        %get3A_252 = arith.index_cast %get3A_251 : i32 to index
        %get3A_253 = arith.index_cast %add3A_109 : i32 to index
        %get3A_254 = tpu.vector_load %arg6[%get3A_252, %get3A_253] {strides = array<i32>} : memref<8x1024xf32, #tpu.memory_space<vmem>>, vector<16xf32>,
        %mul3A_255 = arith.mulf %get3A_112, %get3A_250 : vector<16xf32>
        %mul3A_256 = arith.mulf %get3A_116, %get3A_254 : vector<16xf32>
        %sub3A_257 = arith.subf %mul3A_255, %mul3A_256 : vector<16xf32>
        %swap3A_258 = arith.constant 6 : i32
        %swap3A_259 = arith.index_cast %swap3A_258 : i32 to index
        %swap3A_260 = arith.index_cast %mul3A_107 : i32 to index
        %swap3A_261 = tpu.vector_load %arg6[%swap3A_259, %swap3A_260] {strides = array<i32>} : memref<8x1024xf32, #tpu.memory_space<vmem>>, vector<16xf32>,
        tpu.vector_store %arg6[%swap3A_259, %swap3A_260], %sub3A_257 {strides = array<i32>} : memref<8x1024xf32, #tpu.memory_space<vmem>>, vector<16xf32>,
        %mul3A_262 = arith.mulf %get3A_112, %get3A_254 : vector<16xf32>
        %mul3A_263 = arith.mulf %get3A_116, %get3A_250 : vector<16xf32>
        %add3A_264 = arith.addf %mul3A_262, %mul3A_263 : vector<16xf32>
        %swap3A_265 = arith.constant 6 : i32
        %swap3A_266 = arith.index_cast %swap3A_265 : i32 to index
        %swap3A_267 = arith.index_cast %add3A_109 : i32 to index
        %swap3A_268 = tpu.vector_load %arg6[%swap3A_266, %swap3A_267] {strides = array<i32>} : memref<8x1024xf32, #tpu.memory_space<vmem>>, vector<16xf32>,
        tpu.vector_store %arg6[%swap3A_266, %swap3A_267], %add3A_264 {strides = array<i32>} : memref<8x1024xf32, #tpu.memory_space<vmem>>, vector<16xf32>,
        %get3A_269 = arith.constant 7 : i32
        %get3A_270 = arith.index_cast %get3A_269 : i32 to index
        %get3A_271 = arith.index_cast %mul3A_107 : i32 to index
        %get3A_272 = tpu.vector_load %arg6[%get3A_270, %get3A_271] {strides = array<i32>} : memref<8x1024xf32, #tpu.memory_space<vmem>>, vector<16xf32>,
        %get3A_273 = arith.constant 7 : i32
        %get3A_274 = arith.index_cast %get3A_273 : i32 to index
        %get3A_275 = arith.index_cast %add3A_109 : i32 to index
        %get3A_276 = tpu.vector_load %arg6[%get3A_274, %get3A_275] {strides = array<i32>} : memref<8x1024xf32, #tpu.memory_space<vmem>>, vector<16xf32>,
        %mul3A_277 = arith.mulf %get3A_112, %get3A_272 : vector<16xf32>
        %mul3A_278 = arith.mulf %get3A_116, %get3A_276 : vector<16xf32>
        %sub3A_279 = arith.subf %mul3A_277, %mul3A_278 : vector<16xf32>
        %swap3A_280 = arith.constant 7 : i32
        %swap3A_281 = arith.index_cast %swap3A_280 : i32 to index
        %swap3A_282 = arith.index_cast %mul3A_107 : i32 to index
        %swap3A_283 = tpu.vector_load %arg6[%swap3A_281, %swap3A_282] {strides = array<i32>} : memref<8x1024xf32, #tpu.memory_space<vmem>>, vector<16xf32>,
        tpu.vector_store %arg6[%swap3A_281, %swap3A_282], %sub3A_279 {strides = array<i32>} : memref<8x1024xf32, #tpu.memory_space<vmem>>, vector<16xf32>,
        %mul3A_284 = arith.mulf %get3A_112, %get3A_276 : vector<16xf32>
        %mul3A_285 = arith.mulf %get3A_116, %get3A_272 : vector<16xf32>
        %add3A_286 = arith.addf %mul3A_284, %mul3A_285 : vector<16xf32>
        %swap3A_287 = arith.constant 7 : i32
        %swap3A_288 = arith.index_cast %swap3A_287 : i32 to index
        %swap3A_289 = arith.index_cast %add3A_109 : i32 to index
        %swap3A_290 = tpu.vector_load %arg6[%swap3A_288, %swap3A_289] {strides = array<i32>} : memref<8x1024xf32, #tpu.memory_space<vmem>>, vector<16xf32>,
        tpu.vector_store %arg6[%swap3A_288, %swap3A_289], %add3A_286 {strides = array<i32>} : memref<8x1024xf32, #tpu.memory_space<vmem>>, vector<16xf32>,
      }
      %scan3A_89 = arith.constant 32 : i32
      %scan3A_90 = arith.constant 0 : i32
      %scan3A_91 = arith.constant 0 : i32
      %scan3A_92 = arith.constant 32 : i32
      %scan3A_93 = arith.addi %scan3A_91, %scan3A_92 : i32
      %scan3A_94 = arith.constant 1 : i32
      scf.for %scan3A_102 = %scan3A_91 to %scan3A_93 step %scan3A_94  : i32 {
        %shift_right_arithmetic3A = arith.constant 4 : i32
        %shift_right_arithmetic3A_103 = arith.shrsi %scan3A_102, %shift_right_arithmetic3A : i32
        %shift_left3A = arith.constant 5 : i32
        %shift_left3A_104 = arith.shli %shift_right_arithmetic3A_103, %shift_left3A : i32
        %and3A = arith.constant 15 : i32
        %and3A_105 = arith.andi %scan3A_102, %and3A : i32
        %or3A = arith.ori %shift_left3A_104, %and3A_105 : i32
        %mul3A_106 = arith.constant 16 : i32
        %mul3A_107 = arith.muli %or3A, %mul3A_106 : i32
        %add3A_108 = arith.constant 256 : i32
        %add3A_109 = arith.addi %mul3A_107, %add3A_108 : i32
        %get3A = arith.constant 8 : i32
        %get3A_110 = arith.index_cast %get3A : i32 to index
        %get3A_111 = arith.index_cast %add3A_109 : i32 to index
        %get3A_112 = tpu.vector_load %arg7[%get3A_110, %get3A_111] {strides = array<i32>} : memref<10x1024xf32, #tpu.memory_space<vmem>>, vector<16xf32>,
        %get3A_113 = arith.constant 8 : i32
        %get3A_114 = arith.index_cast %get3A_113 : i32 to index
        %get3A_115 = arith.index_cast %add3A_109 : i32 to index
        %get3A_116 = tpu.vector_load %arg8[%get3A_114, %get3A_115] {strides = array<i32>} : memref<10x1024xf32, #tpu.memory_space<vmem>>, vector<16xf32>,
        %get3A_117 = arith.constant 0 : i32
        %get3A_118 = arith.index_cast %get3A_117 : i32 to index
        %get3A_119 = arith.index_cast %mul3A_107 : i32 to index
        %get3A_120 = tpu.vector_load %arg6[%get3A_118, %get3A_119] {strides = array<i32>} : memref<8x1024xf32, #tpu.memory_space<vmem>>, vector<16xf32>,
        %get3A_121 = arith.constant 0 : i32
        %get3A_122 = arith.index_cast %get3A_121 : i32 to index
        %get3A_123 = arith.index_cast %add3A_109 : i32 to index
        %get3A_124 = tpu.vector_load %arg6[%get3A_122, %get3A_123] {strides = array<i32>} : memref<8x1024xf32, #tpu.memory_space<vmem>>, vector<16xf32>,
        %mul3A_125 = arith.mulf %get3A_112, %get3A_120 : vector<16xf32>
        %mul3A_126 = arith.mulf %get3A_116, %get3A_124 : vector<16xf32>
        %sub3A = arith.subf %mul3A_125, %mul3A_126 : vector<16xf32>
        %swap3A = arith.constant 0 : i32
        %swap3A_127 = arith.index_cast %swap3A : i32 to index
        %swap3A_128 = arith.index_cast %mul3A_107 : i32 to index
        %swap3A_129 = tpu.vector_load %arg6[%swap3A_127, %swap3A_128] {strides = array<i32>} : memref<8x1024xf32, #tpu.memory_space<vmem>>, vector<16xf32>,
        tpu.vector_store %arg6[%swap3A_127, %swap3A_128], %sub3A {strides = array<i32>} : memref<8x1024xf32, #tpu.memory_space<vmem>>, vector<16xf32>,
        %mul3A_130 = arith.mulf %get3A_112, %get3A_124 : vector<16xf32>
        %mul3A_131 = arith.mulf %get3A_116, %get3A_120 : vector<16xf32>
        %add3A_132 = arith.addf %mul3A_130, %mul3A_131 : vector<16xf32>
        %swap3A_133 = arith.constant 0 : i32
        %swap3A_134 = arith.index_cast %swap3A_133 : i32 to index
        %swap3A_135 = arith.index_cast %add3A_109 : i32 to index
        %swap3A_136 = tpu.vector_load %arg6[%swap3A_134, %swap3A_135] {strides = array<i32>} : memref<8x1024xf32, #tpu.memory_space<vmem>>, vector<16xf32>,
        tpu.vector_store %arg6[%swap3A_134, %swap3A_135], %add3A_132 {strides = array<i32>} : memref<8x1024xf32, #tpu.memory_space<vmem>>, vector<16xf32>,
        %get3A_137 = arith.constant 1 : i32
        %get3A_138 = arith.index_cast %get3A_137 : i32 to index
        %get3A_139 = arith.index_cast %mul3A_107 : i32 to index
        %get3A_140 = tpu.vector_load %arg6[%get3A_138, %get3A_139] {strides = array<i32>} : memref<8x1024xf32, #tpu.memory_space<vmem>>, vector<16xf32>,
        %get3A_141 = arith.constant 1 : i32
        %get3A_142 = arith.index_cast %get3A_141 : i32 to index
        %get3A_143 = arith.index_cast %add3A_109 : i32 to index
        %get3A_144 = tpu.vector_load %arg6[%get3A_142, %get3A_143] {strides = array<i32>} : memref<8x1024xf32, #tpu.memory_space<vmem>>, vector<16xf32>,
        %mul3A_145 = arith.mulf %get3A_112, %get3A_140 : vector<16xf32>
        %mul3A_146 = arith.mulf %get3A_116, %get3A_144 : vector<16xf32>
        %sub3A_147 = arith.subf %mul3A_145, %mul3A_146 : vector<16xf32>
        %swap3A_148 = arith.constant 1 : i32
        %swap3A_149 = arith.index_cast %swap3A_148 : i32 to index
        %swap3A_150 = arith.index_cast %mul3A_107 : i32 to index
        %swap3A_151 = tpu.vector_load %arg6[%swap3A_149, %swap3A_150] {strides = array<i32>} : memref<8x1024xf32, #tpu.memory_space<vmem>>, vector<16xf32>,
        tpu.vector_store %arg6[%swap3A_149, %swap3A_150], %sub3A_147 {strides = array<i32>} : memref<8x1024xf32, #tpu.memory_space<vmem>>, vector<16xf32>,
        %mul3A_152 = arith.mulf %get3A_112, %get3A_144 : vector<16xf32>
        %mul3A_153 = arith.mulf %get3A_116, %get3A_140 : vector<16xf32>
        %add3A_154 = arith.addf %mul3A_152, %mul3A_153 : vector<16xf32>
        %swap3A_155 = arith.constant 1 : i32
        %swap3A_156 = arith.index_cast %swap3A_155 : i32 to index
        %swap3A_157 = arith.index_cast %add3A_109 : i32 to index
        %swap3A_158 = tpu.vector_load %arg6[%swap3A_156, %swap3A_157] {strides = array<i32>} : memref<8x1024xf32, #tpu.memory_space<vmem>>, vector<16xf32>,
        tpu.vector_store %arg6[%swap3A_156, %swap3A_157], %add3A_154 {strides = array<i32>} : memref<8x1024xf32, #tpu.memory_space<vmem>>, vector<16xf32>,
        %get3A_159 = arith.constant 2 : i32
        %get3A_160 = arith.index_cast %get3A_159 : i32 to index
        %get3A_161 = arith.index_cast %mul3A_107 : i32 to index
        %get3A_162 = tpu.vector_load %arg6[%get3A_160, %get3A_161] {strides = array<i32>} : memref<8x1024xf32, #tpu.memory_space<vmem>>, vector<16xf32>,
        %get3A_163 = arith.constant 2 : i32
        %get3A_164 = arith.index_cast %get3A_163 : i32 to index
        %get3A_165 = arith.index_cast %add3A_109 : i32 to index
        %get3A_166 = tpu.vector_load %arg6[%get3A_164, %get3A_165] {strides = array<i32>} : memref<8x1024xf32, #tpu.memory_space<vmem>>, vector<16xf32>,
        %mul3A_167 = arith.mulf %get3A_112, %get3A_162 : vector<16xf32>
        %mul3A_168 = arith.mulf %get3A_116, %get3A_166 : vector<16xf32>
        %sub3A_169 = arith.subf %mul3A_167, %mul3A_168 : vector<16xf32>
        %swap3A_170 = arith.constant 2 : i32
        %swap3A_171 = arith.index_cast %swap3A_170 : i32 to index
        %swap3A_172 = arith.index_cast %mul3A_107 : i32 to index
        %swap3A_173 = tpu.vector_load %arg6[%swap3A_171, %swap3A_172] {strides = array<i32>} : memref<8x1024xf32, #tpu.memory_space<vmem>>, vector<16xf32>,
        tpu.vector_store %arg6[%swap3A_171, %swap3A_172], %sub3A_169 {strides = array<i32>} : memref<8x1024xf32, #tpu.memory_space<vmem>>, vector<16xf32>,
        %mul3A_174 = arith.mulf %get3A_112, %get3A_166 : vector<16xf32>
        %mul3A_175 = arith.mulf %get3A_116, %get3A_162 : vector<16xf32>
        %add3A_176 = arith.addf %mul3A_174, %mul3A_175 : vector<16xf32>
        %swap3A_177 = arith.constant 2 : i32
        %swap3A_178 = arith.index_cast %swap3A_177 : i32 to index
        %swap3A_179 = arith.index_cast %add3A_109 : i32 to index
        %swap3A_180 = tpu.vector_load %arg6[%swap3A_178, %swap3A_179] {strides = array<i32>} : memref<8x1024xf32, #tpu.memory_space<vmem>>, vector<16xf32>,
        tpu.vector_store %arg6[%swap3A_178, %swap3A_179], %add3A_176 {strides = array<i32>} : memref<8x1024xf32, #tpu.memory_space<vmem>>, vector<16xf32>,
        %get3A_181 = arith.constant 3 : i32
        %get3A_182 = arith.index_cast %get3A_181 : i32 to index
        %get3A_183 = arith.index_cast %mul3A_107 : i32 to index
        %get3A_184 = tpu.vector_load %arg6[%get3A_182, %get3A_183] {strides = array<i32>} : memref<8x1024xf32, #tpu.memory_space<vmem>>, vector<16xf32>,
        %get3A_185 = arith.constant 3 : i32
        %get3A_186 = arith.index_cast %get3A_185 : i32 to index
        %get3A_187 = arith.index_cast %add3A_109 : i32 to index
        %get3A_188 = tpu.vector_load %arg6[%get3A_186, %get3A_187] {strides = array<i32>} : memref<8x1024xf32, #tpu.memory_space<vmem>>, vector<16xf32>,
        %mul3A_189 = arith.mulf %get3A_112, %get3A_184 : vector<16xf32>
        %mul3A_190 = arith.mulf %get3A_116, %get3A_188 : vector<16xf32>
        %sub3A_191 = arith.subf %mul3A_189, %mul3A_190 : vector<16xf32>
        %swap3A_192 = arith.constant 3 : i32
        %swap3A_193 = arith.index_cast %swap3A_192 : i32 to index
        %swap3A_194 = arith.index_cast %mul3A_107 : i32 to index
        %swap3A_195 = tpu.vector_load %arg6[%swap3A_193, %swap3A_194] {strides = array<i32>} : memref<8x1024xf32, #tpu.memory_space<vmem>>, vector<16xf32>,
        tpu.vector_store %arg6[%swap3A_193, %swap3A_194], %sub3A_191 {strides = array<i32>} : memref<8x1024xf32, #tpu.memory_space<vmem>>, vector<16xf32>,
        %mul3A_196 = arith.mulf %get3A_112, %get3A_188 : vector<16xf32>
        %mul3A_197 = arith.mulf %get3A_116, %get3A_184 : vector<16xf32>
        %add3A_198 = arith.addf %mul3A_196, %mul3A_197 : vector<16xf32>
        %swap3A_199 = arith.constant 3 : i32
        %swap3A_200 = arith.index_cast %swap3A_199 : i32 to index
        %swap3A_201 = arith.index_cast %add3A_109 : i32 to index
        %swap3A_202 = tpu.vector_load %arg6[%swap3A_200, %swap3A_201] {strides = array<i32>} : memref<8x1024xf32, #tpu.memory_space<vmem>>, vector<16xf32>,
        tpu.vector_store %arg6[%swap3A_200, %swap3A_201], %add3A_198 {strides = array<i32>} : memref<8x1024xf32, #tpu.memory_space<vmem>>, vector<16xf32>,
        %get3A_203 = arith.constant 4 : i32
        %get3A_204 = arith.index_cast %get3A_203 : i32 to index
        %get3A_205 = arith.index_cast %mul3A_107 : i32 to index
        %get3A_206 = tpu.vector_load %arg6[%get3A_204, %get3A_205] {strides = array<i32>} : memref<8x1024xf32, #tpu.memory_space<vmem>>, vector<16xf32>,
        %get3A_207 = arith.constant 4 : i32
        %get3A_208 = arith.index_cast %get3A_207 : i32 to index
        %get3A_209 = arith.index_cast %add3A_109 : i32 to index
        %get3A_210 = tpu.vector_load %arg6[%get3A_208, %get3A_209] {strides = array<i32>} : memref<8x1024xf32, #tpu.memory_space<vmem>>, vector<16xf32>,
        %mul3A_211 = arith.mulf %get3A_112, %get3A_206 : vector<16xf32>
        %mul3A_212 = arith.mulf %get3A_116, %get3A_210 : vector<16xf32>
        %sub3A_213 = arith.subf %mul3A_211, %mul3A_212 : vector<16xf32>
        %swap3A_214 = arith.constant 4 : i32
        %swap3A_215 = arith.index_cast %swap3A_214 : i32 to index
        %swap3A_216 = arith.index_cast %mul3A_107 : i32 to index
        %swap3A_217 = tpu.vector_load %arg6[%swap3A_215, %swap3A_216] {strides = array<i32>} : memref<8x1024xf32, #tpu.memory_space<vmem>>, vector<16xf32>,
        tpu.vector_store %arg6[%swap3A_215, %swap3A_216], %sub3A_213 {strides = array<i32>} : memref<8x1024xf32, #tpu.memory_space<vmem>>, vector<16xf32>,
        %mul3A_218 = arith.mulf %get3A_112, %get3A_210 : vector<16xf32>
        %mul3A_219 = arith.mulf %get3A_116, %get3A_206 : vector<16xf32>
        %add3A_220 = arith.addf %mul3A_218, %mul3A_219 : vector<16xf32>
        %swap3A_221 = arith.constant 4 : i32
        %swap3A_222 = arith.index_cast %swap3A_221 : i32 to index
        %swap3A_223 = arith.index_cast %add3A_109 : i32 to index
        %swap3A_224 = tpu.vector_load %arg6[%swap3A_222, %swap3A_223] {strides = array<i32>} : memref<8x1024xf32, #tpu.memory_space<vmem>>, vector<16xf32>,
        tpu.vector_store %arg6[%swap3A_222, %swap3A_223], %add3A_220 {strides = array<i32>} : memref<8x1024xf32, #tpu.memory_space<vmem>>, vector<16xf32>,
        %get3A_225 = arith.constant 5 : i32
        %get3A_226 = arith.index_cast %get3A_225 : i32 to index
        %get3A_227 = arith.index_cast %mul3A_107 : i32 to index
        %get3A_228 = tpu.vector_load %arg6[%get3A_226, %get3A_227] {strides = array<i32>} : memref<8x1024xf32, #tpu.memory_space<vmem>>, vector<16xf32>,
        %get3A_229 = arith.constant 5 : i32
        %get3A_230 = arith.index_cast %get3A_229 : i32 to index
        %get3A_231 = arith.index_cast %add3A_109 : i32 to index
        %get3A_232 = tpu.vector_load %arg6[%get3A_230, %get3A_231] {strides = array<i32>} : memref<8x1024xf32, #tpu.memory_space<vmem>>, vector<16xf32>,
        %mul3A_233 = arith.mulf %get3A_112, %get3A_228 : vector<16xf32>
        %mul3A_234 = arith.mulf %get3A_116, %get3A_232 : vector<16xf32>
        %sub3A_235 = arith.subf %mul3A_233, %mul3A_234 : vector<16xf32>
        %swap3A_236 = arith.constant 5 : i32
        %swap3A_237 = arith.index_cast %swap3A_236 : i32 to index
        %swap3A_238 = arith.index_cast %mul3A_107 : i32 to index
        %swap3A_239 = tpu.vector_load %arg6[%swap3A_237, %swap3A_238] {strides = array<i32>} : memref<8x1024xf32, #tpu.memory_space<vmem>>, vector<16xf32>,
        tpu.vector_store %arg6[%swap3A_237, %swap3A_238], %sub3A_235 {strides = array<i32>} : memref<8x1024xf32, #tpu.memory_space<vmem>>, vector<16xf32>,
        %mul3A_240 = arith.mulf %get3A_112, %get3A_232 : vector<16xf32>
        %mul3A_241 = arith.mulf %get3A_116, %get3A_228 : vector<16xf32>
        %add3A_242 = arith.addf %mul3A_240, %mul3A_241 : vector<16xf32>
        %swap3A_243 = arith.constant 5 : i32
        %swap3A_244 = arith.index_cast %swap3A_243 : i32 to index
        %swap3A_245 = arith.index_cast %add3A_109 : i32 to index
        %swap3A_246 = tpu.vector_load %arg6[%swap3A_244, %swap3A_245] {strides = array<i32>} : memref<8x1024xf32, #tpu.memory_space<vmem>>, vector<16xf32>,
        tpu.vector_store %arg6[%swap3A_244, %swap3A_245], %add3A_242 {strides = array<i32>} : memref<8x1024xf32, #tpu.memory_space<vmem>>, vector<16xf32>,
        %get3A_247 = arith.constant 6 : i32
        %get3A_248 = arith.index_cast %get3A_247 : i32 to index
        %get3A_249 = arith.index_cast %mul3A_107 : i32 to index
        %get3A_250 = tpu.vector_load %arg6[%get3A_248, %get3A_249] {strides = array<i32>} : memref<8x1024xf32, #tpu.memory_space<vmem>>, vector<16xf32>,
        %get3A_251 = arith.constant 6 : i32
        %get3A_252 = arith.index_cast %get3A_251 : i32 to index
        %get3A_253 = arith.index_cast %add3A_109 : i32 to index
        %get3A_254 = tpu.vector_load %arg6[%get3A_252, %get3A_253] {strides = array<i32>} : memref<8x1024xf32, #tpu.memory_space<vmem>>, vector<16xf32>,
        %mul3A_255 = arith.mulf %get3A_112, %get3A_250 : vector<16xf32>
        %mul3A_256 = arith.mulf %get3A_116, %get3A_254 : vector<16xf32>
        %sub3A_257 = arith.subf %mul3A_255, %mul3A_256 : vector<16xf32>
        %swap3A_258 = arith.constant 6 : i32
        %swap3A_259 = arith.index_cast %swap3A_258 : i32 to index
        %swap3A_260 = arith.index_cast %mul3A_107 : i32 to index
        %swap3A_261 = tpu.vector_load %arg6[%swap3A_259, %swap3A_260] {strides = array<i32>} : memref<8x1024xf32, #tpu.memory_space<vmem>>, vector<16xf32>,
        tpu.vector_store %arg6[%swap3A_259, %swap3A_260], %sub3A_257 {strides = array<i32>} : memref<8x1024xf32, #tpu.memory_space<vmem>>, vector<16xf32>,
        %mul3A_262 = arith.mulf %get3A_112, %get3A_254 : vector<16xf32>
        %mul3A_263 = arith.mulf %get3A_116, %get3A_250 : vector<16xf32>
        %add3A_264 = arith.addf %mul3A_262, %mul3A_263 : vector<16xf32>
        %swap3A_265 = arith.constant 6 : i32
        %swap3A_266 = arith.index_cast %swap3A_265 : i32 to index
        %swap3A_267 = arith.index_cast %add3A_109 : i32 to index
        %swap3A_268 = tpu.vector_load %arg6[%swap3A_266, %swap3A_267] {strides = array<i32>} : memref<8x1024xf32, #tpu.memory_space<vmem>>, vector<16xf32>,
        tpu.vector_store %arg6[%swap3A_266, %swap3A_267], %add3A_264 {strides = array<i32>} : memref<8x1024xf32, #tpu.memory_space<vmem>>, vector<16xf32>,
        %get3A_269 = arith.constant 7 : i32
        %get3A_270 = arith.index_cast %get3A_269 : i32 to index
        %get3A_271 = arith.index_cast %mul3A_107 : i32 to index
        %get3A_272 = tpu.vector_load %arg6[%get3A_270, %get3A_271] {strides = array<i32>} : memref<8x1024xf32, #tpu.memory_space<vmem>>, vector<16xf32>,
        %get3A_273 = arith.constant 7 : i32
        %get3A_274 = arith.index_cast %get3A_273 : i32 to index
        %get3A_275 = arith.index_cast %add3A_109 : i32 to index
        %get3A_276 = tpu.vector_load %arg6[%get3A_274, %get3A_275] {strides = array<i32>} : memref<8x1024xf32, #tpu.memory_space<vmem>>, vector<16xf32>,
        %mul3A_277 = arith.mulf %get3A_112, %get3A_272 : vector<16xf32>
        %mul3A_278 = arith.mulf %get3A_116, %get3A_276 : vector<16xf32>
        %sub3A_279 = arith.subf %mul3A_277, %mul3A_278 : vector<16xf32>
        %swap3A_280 = arith.constant 7 : i32
        %swap3A_281 = arith.index_cast %swap3A_280 : i32 to index
        %swap3A_282 = arith.index_cast %mul3A_107 : i32 to index
        %swap3A_283 = tpu.vector_load %arg6[%swap3A_281, %swap3A_282] {strides = array<i32>} : memref<8x1024xf32, #tpu.memory_space<vmem>>, vector<16xf32>,
        tpu.vector_store %arg6[%swap3A_281, %swap3A_282], %sub3A_279 {strides = array<i32>} : memref<8x1024xf32, #tpu.memory_space<vmem>>, vector<16xf32>,
        %mul3A_284 = arith.mulf %get3A_112, %get3A_276 : vector<16xf32>
        %mul3A_285 = arith.mulf %get3A_116, %get3A_272 : vector<16xf32>
        %add3A_286 = arith.addf %mul3A_284, %mul3A_285 : vector<16xf32>
        %swap3A_287 = arith.constant 7 : i32
        %swap3A_288 = arith.index_cast %swap3A_287 : i32 to index
        %swap3A_289 = arith.index_cast %add3A_109 : i32 to index
        %swap3A_290 = tpu.vector_load %arg6[%swap3A_288, %swap3A_289] {strides = array<i32>} : memref<8x1024xf32, #tpu.memory_space<vmem>>, vector<16xf32>,
        tpu.vector_store %arg6[%swap3A_288, %swap3A_289], %add3A_286 {strides = array<i32>} : memref<8x1024xf32, #tpu.memory_space<vmem>>, vector<16xf32>,
      }
      %scan3A_95 = arith.constant 32 : i32
      %scan3A_96 = arith.constant 0 : i32
      %scan3A_97 = arith.constant 0 : i32
      %scan3A_98 = arith.constant 32 : i32
      %scan3A_99 = arith.addi %scan3A_97, %scan3A_98 : i32
      %scan3A_100 = arith.constant 1 : i32
      scf.for %scan3A_102 = %scan3A_97 to %scan3A_99 step %scan3A_100  : i32 {
        %shift_right_arithmetic3A = arith.constant 5 : i32
        %shift_right_arithmetic3A_103 = arith.shrsi %scan3A_102, %shift_right_arithmetic3A : i32
        %shift_left3A = arith.constant 6 : i32
        %shift_left3A_104 = arith.shli %shift_right_arithmetic3A_103, %shift_left3A : i32
        %and3A = arith.constant 31 : i32
        %and3A_105 = arith.andi %scan3A_102, %and3A : i32
        %or3A = arith.ori %shift_left3A_104, %and3A_105 : i32
        %mul3A_106 = arith.constant 16 : i32
        %mul3A_107 = arith.muli %or3A, %mul3A_106 : i32
        %add3A_108 = arith.constant 512 : i32
        %add3A_109 = arith.addi %mul3A_107, %add3A_108 : i32
        %get3A = arith.constant 9 : i32
        %get3A_110 = arith.index_cast %get3A : i32 to index
        %get3A_111 = arith.index_cast %add3A_109 : i32 to index
        %get3A_112 = tpu.vector_load %arg7[%get3A_110, %get3A_111] {strides = array<i32>} : memref<10x1024xf32, #tpu.memory_space<vmem>>, vector<16xf32>,
        %get3A_113 = arith.constant 9 : i32
        %get3A_114 = arith.index_cast %get3A_113 : i32 to index
        %get3A_115 = arith.index_cast %add3A_109 : i32 to index
        %get3A_116 = tpu.vector_load %arg8[%get3A_114, %get3A_115] {strides = array<i32>} : memref<10x1024xf32, #tpu.memory_space<vmem>>, vector<16xf32>,
        %get3A_117 = arith.constant 0 : i32
        %get3A_118 = arith.index_cast %get3A_117 : i32 to index
        %get3A_119 = arith.index_cast %mul3A_107 : i32 to index
        %get3A_120 = tpu.vector_load %arg6[%get3A_118, %get3A_119] {strides = array<i32>} : memref<8x1024xf32, #tpu.memory_space<vmem>>, vector<16xf32>,
        %get3A_121 = arith.constant 0 : i32
        %get3A_122 = arith.index_cast %get3A_121 : i32 to index
        %get3A_123 = arith.index_cast %add3A_109 : i32 to index
        %get3A_124 = tpu.vector_load %arg6[%get3A_122, %get3A_123] {strides = array<i32>} : memref<8x1024xf32, #tpu.memory_space<vmem>>, vector<16xf32>,
        %mul3A_125 = arith.mulf %get3A_112, %get3A_120 : vector<16xf32>
        %mul3A_126 = arith.mulf %get3A_116, %get3A_124 : vector<16xf32>
        %sub3A = arith.subf %mul3A_125, %mul3A_126 : vector<16xf32>
        %swap3A = arith.constant 0 : i32
        %swap3A_127 = arith.index_cast %swap3A : i32 to index
        %swap3A_128 = arith.index_cast %mul3A_107 : i32 to index
        %swap3A_129 = tpu.vector_load %arg6[%swap3A_127, %swap3A_128] {strides = array<i32>} : memref<8x1024xf32, #tpu.memory_space<vmem>>, vector<16xf32>,
        tpu.vector_store %arg6[%swap3A_127, %swap3A_128], %sub3A {strides = array<i32>} : memref<8x1024xf32, #tpu.memory_space<vmem>>, vector<16xf32>,
        %mul3A_130 = arith.mulf %get3A_112, %get3A_124 : vector<16xf32>
        %mul3A_131 = arith.mulf %get3A_116, %get3A_120 : vector<16xf32>
        %add3A_132 = arith.addf %mul3A_130, %mul3A_131 : vector<16xf32>
        %swap3A_133 = arith.constant 0 : i32
        %swap3A_134 = arith.index_cast %swap3A_133 : i32 to index
        %swap3A_135 = arith.index_cast %add3A_109 : i32 to index
        %swap3A_136 = tpu.vector_load %arg6[%swap3A_134, %swap3A_135] {strides = array<i32>} : memref<8x1024xf32, #tpu.memory_space<vmem>>, vector<16xf32>,
        tpu.vector_store %arg6[%swap3A_134, %swap3A_135], %add3A_132 {strides = array<i32>} : memref<8x1024xf32, #tpu.memory_space<vmem>>, vector<16xf32>,
        %get3A_137 = arith.constant 1 : i32
        %get3A_138 = arith.index_cast %get3A_137 : i32 to index
        %get3A_139 = arith.index_cast %mul3A_107 : i32 to index
        %get3A_140 = tpu.vector_load %arg6[%get3A_138, %get3A_139] {strides = array<i32>} : memref<8x1024xf32, #tpu.memory_space<vmem>>, vector<16xf32>,
        %get3A_141 = arith.constant 1 : i32
        %get3A_142 = arith.index_cast %get3A_141 : i32 to index
        %get3A_143 = arith.index_cast %add3A_109 : i32 to index
        %get3A_144 = tpu.vector_load %arg6[%get3A_142, %get3A_143] {strides = array<i32>} : memref<8x1024xf32, #tpu.memory_space<vmem>>, vector<16xf32>,
        %mul3A_145 = arith.mulf %get3A_112, %get3A_140 : vector<16xf32>
        %mul3A_146 = arith.mulf %get3A_116, %get3A_144 : vector<16xf32>
        %sub3A_147 = arith.subf %mul3A_145, %mul3A_146 : vector<16xf32>
        %swap3A_148 = arith.constant 1 : i32
        %swap3A_149 = arith.index_cast %swap3A_148 : i32 to index
        %swap3A_150 = arith.index_cast %mul3A_107 : i32 to index
        %swap3A_151 = tpu.vector_load %arg6[%swap3A_149, %swap3A_150] {strides = array<i32>} : memref<8x1024xf32, #tpu.memory_space<vmem>>, vector<16xf32>,
        tpu.vector_store %arg6[%swap3A_149, %swap3A_150], %sub3A_147 {strides = array<i32>} : memref<8x1024xf32, #tpu.memory_space<vmem>>, vector<16xf32>,
        %mul3A_152 = arith.mulf %get3A_112, %get3A_144 : vector<16xf32>
        %mul3A_153 = arith.mulf %get3A_116, %get3A_140 : vector<16xf32>
        %add3A_154 = arith.addf %mul3A_152, %mul3A_153 : vector<16xf32>
        %swap3A_155 = arith.constant 1 : i32
        %swap3A_156 = arith.index_cast %swap3A_155 : i32 to index
        %swap3A_157 = arith.index_cast %add3A_109 : i32 to index
        %swap3A_158 = tpu.vector_load %arg6[%swap3A_156, %swap3A_157] {strides = array<i32>} : memref<8x1024xf32, #tpu.memory_space<vmem>>, vector<16xf32>,
        tpu.vector_store %arg6[%swap3A_156, %swap3A_157], %add3A_154 {strides = array<i32>} : memref<8x1024xf32, #tpu.memory_space<vmem>>, vector<16xf32>,
        %get3A_159 = arith.constant 2 : i32
        %get3A_160 = arith.index_cast %get3A_159 : i32 to index
        %get3A_161 = arith.index_cast %mul3A_107 : i32 to index
        %get3A_162 = tpu.vector_load %arg6[%get3A_160, %get3A_161] {strides = array<i32>} : memref<8x1024xf32, #tpu.memory_space<vmem>>, vector<16xf32>,
        %get3A_163 = arith.constant 2 : i32
        %get3A_164 = arith.index_cast %get3A_163 : i32 to index
        %get3A_165 = arith.index_cast %add3A_109 : i32 to index
        %get3A_166 = tpu.vector_load %arg6[%get3A_164, %get3A_165] {strides = array<i32>} : memref<8x1024xf32, #tpu.memory_space<vmem>>, vector<16xf32>,
        %mul3A_167 = arith.mulf %get3A_112, %get3A_162 : vector<16xf32>
        %mul3A_168 = arith.mulf %get3A_116, %get3A_166 : vector<16xf32>
        %sub3A_169 = arith.subf %mul3A_167, %mul3A_168 : vector<16xf32>
        %swap3A_170 = arith.constant 2 : i32
        %swap3A_171 = arith.index_cast %swap3A_170 : i32 to index
        %swap3A_172 = arith.index_cast %mul3A_107 : i32 to index
        %swap3A_173 = tpu.vector_load %arg6[%swap3A_171, %swap3A_172] {strides = array<i32>} : memref<8x1024xf32, #tpu.memory_space<vmem>>, vector<16xf32>,
        tpu.vector_store %arg6[%swap3A_171, %swap3A_172], %sub3A_169 {strides = array<i32>} : memref<8x1024xf32, #tpu.memory_space<vmem>>, vector<16xf32>,
        %mul3A_174 = arith.mulf %get3A_112, %get3A_166 : vector<16xf32>
        %mul3A_175 = arith.mulf %get3A_116, %get3A_162 : vector<16xf32>
        %add3A_176 = arith.addf %mul3A_174, %mul3A_175 : vector<16xf32>
        %swap3A_177 = arith.constant 2 : i32
        %swap3A_178 = arith.index_cast %swap3A_177 : i32 to index
        %swap3A_179 = arith.index_cast %add3A_109 : i32 to index
        %swap3A_180 = tpu.vector_load %arg6[%swap3A_178, %swap3A_179] {strides = array<i32>} : memref<8x1024xf32, #tpu.memory_space<vmem>>, vector<16xf32>,
        tpu.vector_store %arg6[%swap3A_178, %swap3A_179], %add3A_176 {strides = array<i32>} : memref<8x1024xf32, #tpu.memory_space<vmem>>, vector<16xf32>,
        %get3A_181 = arith.constant 3 : i32
        %get3A_182 = arith.index_cast %get3A_181 : i32 to index
        %get3A_183 = arith.index_cast %mul3A_107 : i32 to index
        %get3A_184 = tpu.vector_load %arg6[%get3A_182, %get3A_183] {strides = array<i32>} : memref<8x1024xf32, #tpu.memory_space<vmem>>, vector<16xf32>,
        %get3A_185 = arith.constant 3 : i32
        %get3A_186 = arith.index_cast %get3A_185 : i32 to index
        %get3A_187 = arith.index_cast %add3A_109 : i32 to index
        %get3A_188 = tpu.vector_load %arg6[%get3A_186, %get3A_187] {strides = array<i32>} : memref<8x1024xf32, #tpu.memory_space<vmem>>, vector<16xf32>,
        %mul3A_189 = arith.mulf %get3A_112, %get3A_184 : vector<16xf32>
        %mul3A_190 = arith.mulf %get3A_116, %get3A_188 : vector<16xf32>
        %sub3A_191 = arith.subf %mul3A_189, %mul3A_190 : vector<16xf32>
        %swap3A_192 = arith.constant 3 : i32
        %swap3A_193 = arith.index_cast %swap3A_192 : i32 to index
        %swap3A_194 = arith.index_cast %mul3A_107 : i32 to index
        %swap3A_195 = tpu.vector_load %arg6[%swap3A_193, %swap3A_194] {strides = array<i32>} : memref<8x1024xf32, #tpu.memory_space<vmem>>, vector<16xf32>,
        tpu.vector_store %arg6[%swap3A_193, %swap3A_194], %sub3A_191 {strides = array<i32>} : memref<8x1024xf32, #tpu.memory_space<vmem>>, vector<16xf32>,
        %mul3A_196 = arith.mulf %get3A_112, %get3A_188 : vector<16xf32>
        %mul3A_197 = arith.mulf %get3A_116, %get3A_184 : vector<16xf32>
        %add3A_198 = arith.addf %mul3A_196, %mul3A_197 : vector<16xf32>
        %swap3A_199 = arith.constant 3 : i32
        %swap3A_200 = arith.index_cast %swap3A_199 : i32 to index
        %swap3A_201 = arith.index_cast %add3A_109 : i32 to index
        %swap3A_202 = tpu.vector_load %arg6[%swap3A_200, %swap3A_201] {strides = array<i32>} : memref<8x1024xf32, #tpu.memory_space<vmem>>, vector<16xf32>,
        tpu.vector_store %arg6[%swap3A_200, %swap3A_201], %add3A_198 {strides = array<i32>} : memref<8x1024xf32, #tpu.memory_space<vmem>>, vector<16xf32>,
        %get3A_203 = arith.constant 4 : i32
        %get3A_204 = arith.index_cast %get3A_203 : i32 to index
        %get3A_205 = arith.index_cast %mul3A_107 : i32 to index
        %get3A_206 = tpu.vector_load %arg6[%get3A_204, %get3A_205] {strides = array<i32>} : memref<8x1024xf32, #tpu.memory_space<vmem>>, vector<16xf32>,
        %get3A_207 = arith.constant 4 : i32
        %get3A_208 = arith.index_cast %get3A_207 : i32 to index
        %get3A_209 = arith.index_cast %add3A_109 : i32 to index
        %get3A_210 = tpu.vector_load %arg6[%get3A_208, %get3A_209] {strides = array<i32>} : memref<8x1024xf32, #tpu.memory_space<vmem>>, vector<16xf32>,
        %mul3A_211 = arith.mulf %get3A_112, %get3A_206 : vector<16xf32>
        %mul3A_212 = arith.mulf %get3A_116, %get3A_210 : vector<16xf32>
        %sub3A_213 = arith.subf %mul3A_211, %mul3A_212 : vector<16xf32>
        %swap3A_214 = arith.constant 4 : i32
        %swap3A_215 = arith.index_cast %swap3A_214 : i32 to index
        %swap3A_216 = arith.index_cast %mul3A_107 : i32 to index
        %swap3A_217 = tpu.vector_load %arg6[%swap3A_215, %swap3A_216] {strides = array<i32>} : memref<8x1024xf32, #tpu.memory_space<vmem>>, vector<16xf32>,
        tpu.vector_store %arg6[%swap3A_215, %swap3A_216], %sub3A_213 {strides = array<i32>} : memref<8x1024xf32, #tpu.memory_space<vmem>>, vector<16xf32>,
        %mul3A_218 = arith.mulf %get3A_112, %get3A_210 : vector<16xf32>
        %mul3A_219 = arith.mulf %get3A_116, %get3A_206 : vector<16xf32>
        %add3A_220 = arith.addf %mul3A_218, %mul3A_219 : vector<16xf32>
        %swap3A_221 = arith.constant 4 : i32
        %swap3A_222 = arith.index_cast %swap3A_221 : i32 to index
        %swap3A_223 = arith.index_cast %add3A_109 : i32 to index
        %swap3A_224 = tpu.vector_load %arg6[%swap3A_222, %swap3A_223] {strides = array<i32>} : memref<8x1024xf32, #tpu.memory_space<vmem>>, vector<16xf32>,
        tpu.vector_store %arg6[%swap3A_222, %swap3A_223], %add3A_220 {strides = array<i32>} : memref<8x1024xf32, #tpu.memory_space<vmem>>, vector<16xf32>,
        %get3A_225 = arith.constant 5 : i32
        %get3A_226 = arith.index_cast %get3A_225 : i32 to index
        %get3A_227 = arith.index_cast %mul3A_107 : i32 to index
        %get3A_228 = tpu.vector_load %arg6[%get3A_226, %get3A_227] {strides = array<i32>} : memref<8x1024xf32, #tpu.memory_space<vmem>>, vector<16xf32>,
        %get3A_229 = arith.constant 5 : i32
        %get3A_230 = arith.index_cast %get3A_229 : i32 to index
        %get3A_231 = arith.index_cast %add3A_109 : i32 to index
        %get3A_232 = tpu.vector_load %arg6[%get3A_230, %get3A_231] {strides = array<i32>} : memref<8x1024xf32, #tpu.memory_space<vmem>>, vector<16xf32>,
        %mul3A_233 = arith.mulf %get3A_112, %get3A_228 : vector<16xf32>
        %mul3A_234 = arith.mulf %get3A_116, %get3A_232 : vector<16xf32>
        %sub3A_235 = arith.subf %mul3A_233, %mul3A_234 : vector<16xf32>
        %swap3A_236 = arith.constant 5 : i32
        %swap3A_237 = arith.index_cast %swap3A_236 : i32 to index
        %swap3A_238 = arith.index_cast %mul3A_107 : i32 to index
        %swap3A_239 = tpu.vector_load %arg6[%swap3A_237, %swap3A_238] {strides = array<i32>} : memref<8x1024xf32, #tpu.memory_space<vmem>>, vector<16xf32>,
        tpu.vector_store %arg6[%swap3A_237, %swap3A_238], %sub3A_235 {strides = array<i32>} : memref<8x1024xf32, #tpu.memory_space<vmem>>, vector<16xf32>,
        %mul3A_240 = arith.mulf %get3A_112, %get3A_232 : vector<16xf32>
        %mul3A_241 = arith.mulf %get3A_116, %get3A_228 : vector<16xf32>
        %add3A_242 = arith.addf %mul3A_240, %mul3A_241 : vector<16xf32>
        %swap3A_243 = arith.constant 5 : i32
        %swap3A_244 = arith.index_cast %swap3A_243 : i32 to index
        %swap3A_245 = arith.index_cast %add3A_109 : i32 to index
        %swap3A_246 = tpu.vector_load %arg6[%swap3A_244, %swap3A_245] {strides = array<i32>} : memref<8x1024xf32, #tpu.memory_space<vmem>>, vector<16xf32>,
        tpu.vector_store %arg6[%swap3A_244, %swap3A_245], %add3A_242 {strides = array<i32>} : memref<8x1024xf32, #tpu.memory_space<vmem>>, vector<16xf32>,
        %get3A_247 = arith.constant 6 : i32
        %get3A_248 = arith.index_cast %get3A_247 : i32 to index
        %get3A_249 = arith.index_cast %mul3A_107 : i32 to index
        %get3A_250 = tpu.vector_load %arg6[%get3A_248, %get3A_249] {strides = array<i32>} : memref<8x1024xf32, #tpu.memory_space<vmem>>, vector<16xf32>,
        %get3A_251 = arith.constant 6 : i32
        %get3A_252 = arith.index_cast %get3A_251 : i32 to index
        %get3A_253 = arith.index_cast %add3A_109 : i32 to index
        %get3A_254 = tpu.vector_load %arg6[%get3A_252, %get3A_253] {strides = array<i32>} : memref<8x1024xf32, #tpu.memory_space<vmem>>, vector<16xf32>,
        %mul3A_255 = arith.mulf %get3A_112, %get3A_250 : vector<16xf32>
        %mul3A_256 = arith.mulf %get3A_116, %get3A_254 : vector<16xf32>
        %sub3A_257 = arith.subf %mul3A_255, %mul3A_256 : vector<16xf32>
        %swap3A_258 = arith.constant 6 : i32
        %swap3A_259 = arith.index_cast %swap3A_258 : i32 to index
        %swap3A_260 = arith.index_cast %mul3A_107 : i32 to index
        %swap3A_261 = tpu.vector_load %arg6[%swap3A_259, %swap3A_260] {strides = array<i32>} : memref<8x1024xf32, #tpu.memory_space<vmem>>, vector<16xf32>,
        tpu.vector_store %arg6[%swap3A_259, %swap3A_260], %sub3A_257 {strides = array<i32>} : memref<8x1024xf32, #tpu.memory_space<vmem>>, vector<16xf32>,
        %mul3A_262 = arith.mulf %get3A_112, %get3A_254 : vector<16xf32>
        %mul3A_263 = arith.mulf %get3A_116, %get3A_250 : vector<16xf32>
        %add3A_264 = arith.addf %mul3A_262, %mul3A_263 : vector<16xf32>
        %swap3A_265 = arith.constant 6 : i32
        %swap3A_266 = arith.index_cast %swap3A_265 : i32 to index
        %swap3A_267 = arith.index_cast %add3A_109 : i32 to index
        %swap3A_268 = tpu.vector_load %arg6[%swap3A_266, %swap3A_267] {strides = array<i32>} : memref<8x1024xf32, #tpu.memory_space<vmem>>, vector<16xf32>,
        tpu.vector_store %arg6[%swap3A_266, %swap3A_267], %add3A_264 {strides = array<i32>} : memref<8x1024xf32, #tpu.memory_space<vmem>>, vector<16xf32>,
        %get3A_269 = arith.constant 7 : i32
        %get3A_270 = arith.index_cast %get3A_269 : i32 to index
        %get3A_271 = arith.index_cast %mul3A_107 : i32 to index
        %get3A_272 = tpu.vector_load %arg6[%get3A_270, %get3A_271] {strides = array<i32>} : memref<8x1024xf32, #tpu.memory_space<vmem>>, vector<16xf32>,
        %get3A_273 = arith.constant 7 : i32
        %get3A_274 = arith.index_cast %get3A_273 : i32 to index
        %get3A_275 = arith.index_cast %add3A_109 : i32 to index
        %get3A_276 = tpu.vector_load %arg6[%get3A_274, %get3A_275] {strides = array<i32>} : memref<8x1024xf32, #tpu.memory_space<vmem>>, vector<16xf32>,
        %mul3A_277 = arith.mulf %get3A_112, %get3A_272 : vector<16xf32>
        %mul3A_278 = arith.mulf %get3A_116, %get3A_276 : vector<16xf32>
        %sub3A_279 = arith.subf %mul3A_277, %mul3A_278 : vector<16xf32>
        %swap3A_280 = arith.constant 7 : i32
        %swap3A_281 = arith.index_cast %swap3A_280 : i32 to index
        %swap3A_282 = arith.index_cast %mul3A_107 : i32 to index
        %swap3A_283 = tpu.vector_load %arg6[%swap3A_281, %swap3A_282] {strides = array<i32>} : memref<8x1024xf32, #tpu.memory_space<vmem>>, vector<16xf32>,
        tpu.vector_store %arg6[%swap3A_281, %swap3A_282], %sub3A_279 {strides = array<i32>} : memref<8x1024xf32, #tpu.memory_space<vmem>>, vector<16xf32>,
        %mul3A_284 = arith.mulf %get3A_112, %get3A_276 : vector<16xf32>
        %mul3A_285 = arith.mulf %get3A_116, %get3A_272 : vector<16xf32>
        %add3A_286 = arith.addf %mul3A_284, %mul3A_285 : vector<16xf32>
        %swap3A_287 = arith.constant 7 : i32
        %swap3A_288 = arith.index_cast %swap3A_287 : i32 to index
        %swap3A_289 = arith.index_cast %add3A_109 : i32 to index
        %swap3A_290 = tpu.vector_load %arg6[%swap3A_288, %swap3A_289] {strides = array<i32>} : memref<8x1024xf32, #tpu.memory_space<vmem>>, vector<16xf32>,
        tpu.vector_store %arg6[%swap3A_288, %swap3A_289], %add3A_286 {strides = array<i32>} : memref<8x1024xf32, #tpu.memory_space<vmem>>, vector<16xf32>,
      }
      %scan3A_101 = arith.constant 32 : i32
      "tpu.region"() ({
        %run_scoped3A = tpu.sem_alloc : memref<!tpu.dma_semaphore, #tpu.memory_space<semaphore_mem>>
        %dma_start3A = arith.constant 0 : i32
        %dma_start3A_102 = tpu.memref_slice %arg5[%add3A_11, %dma_start3A] : memref<16384x1024xf32, #tpu.memory_space<hbm>> -> memref<8x1024xf32, #tpu.memory_space<hbm>>
        %dma_start3A_103 = arith.constant 0 : i32
        %dma_start3A_104 = tpu.memref_slice %arg5[%add3A_11, %dma_start3A_103] : memref<16384x1024xf32, #tpu.memory_space<hbm>> -> memref<8x1024xf32, #tpu.memory_space<hbm>>
        tpu.enqueue_dma source(%arg6 : memref<8x1024xf32, #tpu.memory_space<vmem>>) target(%dma_start3A_104 : memref<8x1024xf32, #tpu.memory_space<hbm>>) target_semaphore(%run_scoped3A : memref<!tpu.dma_semaphore, #tpu.memory_space<semaphore_mem>>)
        %dma_wait3A = arith.constant 0 : i32
        %dma_wait3A_105 = tpu.memref_slice %arg5[%add3A_11, %dma_wait3A] : memref<16384x1024xf32, #tpu.memory_space<hbm>> -> memref<8x1024xf32, #tpu.memory_space<hbm>>
        %dma_wait3A_106 = arith.constant 0 : i32
        %dma_wait3A_107 = tpu.memref_slice %arg5[%add3A_11, %dma_wait3A_106] : memref<16384x1024xf32, #tpu.memory_space<hbm>> -> memref<8x1024xf32, #tpu.memory_space<hbm>>
        tpu.wait_dma2 semaphore(%run_scoped3A : memref<!tpu.dma_semaphore, #tpu.memory_space<semaphore_mem>>) src(%arg6 : memref<8x1024xf32, #tpu.memory_space<vmem>>) dst(%dma_wait3A_107 : memref<8x1024xf32, #tpu.memory_space<hbm>>)
        tpu.yield
      }) : () -> ()
    }
    %scan3A_7 = arith.constant 64 : i32
    return
  }
}

module attributes {stable_mosaic.version = 14 : i64} {
  func.func @_coef_body(%arg0: memref<16x1024xf32, #tpu.memory_space<vmem>>, %arg1: memref<16x1024xf32, #tpu.memory_space<vmem>>, %arg2: memref<16x1024xf32, #tpu.memory_space<vmem>>, %arg3: memref<16x1024xf32, #tpu.memory_space<vmem>>) attributes {dimension_semantics = [], scalar_prefetch = 0 : i64, scratch_operands = 0 : i64, tpu.core_type = #tpu.core_type<tc>} {
    %get3A = arith.constant 0 : index
    %get3A_0 = arith.constant 0 : index
    %get3A_1 = vector.load %arg0[%get3A, %get3A_0] : memref<16x1024xf32, #tpu.memory_space<vmem>>, vector<16x1024xf32>
    %cos3A = math.cos %get3A_1 : vector<16x1024xf32>
    %swap3A = arith.constant 0 : index
    %swap3A_2 = arith.constant 0 : index
    %swap3A_3 = vector.load %arg2[%swap3A, %swap3A_2] : memref<16x1024xf32, #tpu.memory_space<vmem>>, vector<16x1024xf32>
    tpu.vector_store %arg2[%swap3A, %swap3A_2], %cos3A {strides = array<i32>} : memref<16x1024xf32, #tpu.memory_space<vmem>>, vector<16x1024xf32>,
    %sin3A = math.sin %get3A_1 : vector<16x1024xf32>
    %get3A_4 = arith.constant 0 : index
    %get3A_5 = arith.constant 0 : index
    %get3A_6 = vector.load %arg1[%get3A_4, %get3A_5] : memref<16x1024xf32, #tpu.memory_space<vmem>>, vector<16x1024xf32>
    %mul3A = arith.mulf %sin3A, %get3A_6 : vector<16x1024xf32>
    %swap3A_7 = arith.constant 0 : index
    %swap3A_8 = arith.constant 0 : index
    %swap3A_9 = vector.load %arg3[%swap3A_7, %swap3A_8] : memref<16x1024xf32, #tpu.memory_space<vmem>>, vector<16x1024xf32>
    tpu.vector_store %arg3[%swap3A_7, %swap3A_8], %mul3A {strides = array<i32>} : memref<16x1024xf32, #tpu.memory_space<vmem>>, vector<16x1024xf32>,
    return
  }
}

</mosaic_0001>

<sc_bundles>
// kernel: kernel.4.cloned.1.call-start
scs
__scs_entry_jumppad:
0x0: {  	(pc) =	sbr.rel $0x88, $3  }
0x1: {  	(tag) =	ssettag $0x0;
	lr =	simm.s32 $0x1  }
0x2: {  	[smem:$0x3F9F] =	sst lr;
	_ =	strace $0xD0000000  }
0x3: {  	_ = 	snop  }
0x4: {  	_ = 	snop  }
0x5: {  	_ = 	snop  }
0x6: {  	_ = 	snop  }
0x7: {  	_ = 	snop  }
__scs_overlays_trampoline_lowered:
0x8: {  	[smem:$0x3FAE] =	sst s0  }
0x9: {  	[smem:$0x3FAF] =	sst s1  }
0xa: {  	[smem:$0x3FB0] =	sst s2  }
0xb: {  	[smem:$0x3FB1] =	sst s3  }
0xc: {  	[smem:$0x3FB2] =	sst s4  }
0xd: {  	[smem:$0x3FB3] =	sst s5  }
0xe: {  	[smem:$0x3FB4] =	sst s6  }
0xf: {  	[smem:$0x3FB5] =	sst s7  }
0x10: {  	[smem:$0x3FB6] =	sst s8  }
0x11: {  	[smem:$0x3FB7] =	sst s9;
	s0 =	simm.s32 @!p0 $0x0  }
0x12: {  	s1 =	sld [smem:$0x3F9D];
	s0 =	simm.s32 @p0 $0x1  }
0x13: {  	[smem:$0x3FB8] =	sst s0;
	s0 =	simm.s32 @!p1 $0x0  }
0x14: {  	s2 =	sld [smem:$0x3F9C];
	s0 =	simm.s32 @p1 $0x1  }
0x15: {  	[smem:$0x3FB9] =	sst s0;
	s0 =	simm.s32 @!p2 $0x0  }
0x16: {  	s3 =	sld [smem:$0x3FDB];
	s0 =	simm.s32 @p2 $0x1  }
0x17: {  	s4 =	simm.s32 $0x1BF5;
	[smem:$0x3FBB] =	sst s0  }
0x18: {  	s0 =	sld [smem:$0x3F9E];
	_ =	swait.ge [sflag:s4], $0x0  }
0x19: {  	s7 =	sld [smem:$0x3F9F]  }
0x1a: {  	s8 =	sadd.s32 $0xFFFFE003, lr  }
0x1b: {  	s9 =	sadd.s32 $0xFFFFFEF7, lr;
	s5 =	simm.s32 $0xFFFFFFFF;
	p2 =	slt.u32 s8, $0xFFFFF086  }
0x1c: {  	p1 =	slt.u32 s9, $0xF7A;
	s5 =	simm.s32 @!p2 $0x0  }
0x1d: {  	s5 =	simm.s32 @p1 $0x1;
	p0 =	seq.s32 s7, s2  }
0x1e: {  	s7 =	smul.u32 @!p0 $0xF7A, s2;
	p2 =	seq.s32 @!p0 s5, $0x0  }
0x1f: {  	s9 =	smul.u32 $0xF7A, s1;
	s8 =	simm.s32 @!p0 $0x1BF5;
	p2 =	por !p2, p0  }
0x20: {  	[sflag:s8] =	ssyncset.s32 @!p0 $0xFFFFF086;
	s6 =	sadd.s32 @!p0 s3, s7;
	s7 =	simm.s32 @!p0 $0x108  }
0x21: {  	s3 =	sadd.s32 s3, s9;
	s6 =	sadd.s32 @!p0 $0x88, s6;
	s7 =	simm.s32 @p2 $0x1082  }
0x22: {  	[simem:s7], [sflag:s8] =	dma.local @!p0 [hbm:s6], $0xF7A  }
0x23: {  	s9 =	sor.u32 $0xD0000000, s2;
	s6 =	simm.s32 $0x108;
	_ =	swait.ge @!p0 [sflag:s8], $0x0  }
0x24: {  	s3 =	sadd.s32 $0x88, s3;
	s6 =	simm.s32 @!p1 $0x1082;
	[sflag:s4] =	ssyncset.s32 $0xFFFFF086  }
0x25: {  	[simem:s6], [sflag:s4] =	dma.local [hbm:s3], $0xF7A  }
0x26: {  	[smem:$0x3F9F] =	sst s1;
	(tag) =	ssettag s2;
	_ =	strace s9  }
0x27: {  	s1 =	sld [smem:$0x3FAF]  }
0x28: {  	s2 =	sld [smem:$0x3FB0]  }
0x29: {  	s4 =	sld [smem:$0x3FB2]  }
0x2a: {  	p0 =	seq.s32 s5, $0x0;
	s5 =	sld [smem:$0x3FB3]  }
0x2b: {  	s6 =	sld [smem:$0x3FB4]  }
0x2c: {  	s7 =	sld [smem:$0x3FB5]  }
0x2d: {  	s3 =	simm.s32 $0x108;
	s8 =	sld [smem:$0x3FB6]  }
0x2e: {  	s3 =	simm.s32 @!p0 $0x1082;
	s9 =	sld [smem:$0x3FB7]  }
0x2f: {  	lr =	sadd.s32 s0, s3;
	s0 =	sld [smem:$0x3FAE]  }
0x30: {  	s3 =	sld [smem:$0x3FB1]  }
0x31: {  	[smem:$0x3FBA] =	sst s10  }
0x32: {  	s10 =	sld [smem:$0x3FB8];
	_ =	sdelay $0x3  }
0x33: {  	p0 =	seq.s32 s10, $0x1;
	s10 =	sld [smem:$0x3FBA];
	_ =	sdelay $0x3  }
0x34: {  	[smem:$0x3FBA] =	sst s10  }
0x35: {  	s10 =	sld [smem:$0x3FB9];
	_ =	sdelay $0x3  }
0x36: {  	p1 =	seq.s32 s10, $0x1;
	s10 =	sld [smem:$0x3FBA];
	_ =	sdelay $0x3  }
0x37: {  	[smem:$0x3FBA] =	sst s10  }
0x38: {  	s10 =	sld [smem:$0x3FBB]  }
0x39: {  	_ = 	snop;
	(pc) =	sbr.ind lr, $3  }
0x3a: {  	_ = 	snop  }
0x3b: {  	_ = 	snop  }
0x3c: {  	p2 =	seq.s32 s10, $0x1;
	s10 =	sld [smem:$0x3FBA]  }
0x3d: {  	_ =	shalt  }
0x3e: {  	_ =	shalt  }
0x3f: {  	_ =	shalt  }
0x40: {  	_ =	shalt  }
0x41: {  	_ =	shalt  }
0x42: {  	_ =	shalt  }
0x43: {  	_ =	shalt  }
0x44: {  	_ =	shalt  }
0x45: {  	_ =	shalt  }
0x46: {  	_ =	shalt  }
0x47: {  	_ =	shalt  }
0x48: {  	_ =	shalt  }
0x49: {  	_ =	shalt  }
0x4a: {  	_ =	shalt  }
0x4b: {  	_ =	shalt  }
0x4c: {  	_ =	shalt  }
0x4d: {  	_ =	shalt  }
0x4e: {  	_ =	shalt  }
0x4f: {  	_ =	shalt  }
0x50: {  	_ =	shalt  }
0x51: {  	_ =	shalt  }
0x52: {  	_ =	shalt  }
0x53: {  	_ =	shalt  }
0x54: {  	_ =	shalt  }
0x55: {  	_ =	shalt  }
0x56: {  	_ =	shalt  }
0x57: {  	_ =	shalt  }
0x58: {  	_ =	shalt  }
0x59: {  	_ =	shalt  }
0x5a: {  	_ =	shalt  }
0x5b: {  	_ =	shalt  }
0x5c: {  	_ =	shalt  }
0x5d: {  	_ =	shalt  }
0x5e: {  	_ =	shalt  }
0x5f: {  	_ =	shalt  }
0x60: {  	_ =	shalt  }
0x61: {  	_ =	shalt  }
0x62: {  	_ =	shalt  }
0x63: {  	_ =	shalt  }
0x64: {  	_ =	shalt  }
0x65: {  	_ =	shalt  }
0x66: {  	_ =	shalt  }
0x67: {  	_ =	shalt  }
0x68: {  	_ =	shalt  }
0x69: {  	_ =	shalt  }
0x6a: {  	_ =	shalt  }
0x6b: {  	_ =	shalt  }
0x6c: {  	_ =	shalt  }
0x6d: {  	_ =	shalt  }
0x6e: {  	_ =	shalt  }
0x6f: {  	_ =	shalt  }
0x70: {  	_ =	shalt  }
0x71: {  	_ =	shalt  }
0x72: {  	_ =	shalt  }
0x73: {  	_ =	shalt  }
0x74: {  	_ =	shalt  }
0x75: {  	_ =	shalt  }
0x76: {  	_ =	shalt  }
0x77: {  	_ =	shalt  }
0x78: {  	_ =	shalt  }
0x79: {  	_ =	shalt  }
0x7a: {  	_ =	shalt  }
0x7b: {  	_ =	shalt  }
0x7c: {  	_ =	shalt  }
0x7d: {  	_ =	shalt  }
0x7e: {  	_ =	shalt  }
0x7f: {  	_ =	shalt  }
0x80: {  	_ =	shalt  }
0x81: {  	_ =	shalt  }
0x82: {  	_ =	shalt  }
0x83: {  	_ =	shalt  }
0x84: {  	_ =	shalt  }
0x85: {  	_ =	shalt  }
0x86: {  	_ =	shalt  }
0x87: {  	_ =	shalt  }
.Lfunc_end0:
.L_simem_size_0:
called_computation_lowered:
.L_overlay_start_0:
0x88: {  	s2 =	sld [smem:$0x3FD9]  }
0x89: {  	s3 =	sld [smem:$0x3FFE];
	_ =	sdelay $0x1  }
0x8a: {  	s1 =	srdreg.scid  }
0x8b: {  	s0 =	sand.u32 $0x1, s1  }
0x8c: {  	s17 =	sshll.u32 s0, $0xA;
	s2 =	sadd.s32 s3, s2  }
0x8d: {  	s2 =	sadd.s32 s2, s17  }
0x8e: {  	[smem:$0x3FC6] =	sst s2  }
0x8f: {  	_ = 	snop  }
0x90: {  	s2 =	sld [smem:$0x3FC9]  }
0x91: {  	s18 =	sld [smem:$0x3FD0];
	(tm) =	ssettm $0x1  }
0x92: {  	s4 =	sld [smem:$0x3FFB];
	_ =	sdelay $0x3  }
0x93: {  	_ =	strace s4  }
0x94: {  	s4 =	sld [smem:$0x3FFC];
	_ =	sdelay $0x3  }
0x95: {  	_ =	strace s4  }
0x96: {  	s4 =	sld [smem:$0x3FFD];
	_ =	sdelay $0x3  }
0x97: {  	_ =	strace s4  }
0x98: {  	_ =	strace $0x8FFFFFFF  }
0x99: {  	s19 =	sld [smem:$0x3FDB];
	_ =	sdelay $0x1  }
0x9a: {  	s5 =	simm.s32 $_scs_section_size  }
0x9b: {  	s6 =	simm.s32 $_size__tile_overlayer_lowered;
	s7 =	simm.s32 $_tile_overlayer_lowered  }
0x9c: {  	s22 =	simm.s32 $0x1BFF;
	s21 =	sshll.u32 s7, $0x1;
	s4 =	sadd.s32 s5, s19  }
0x9d: {  	s8 =	simm.s32 $0x0;
	s20 =	sshll.u32 s6, $0x1;
	s6 =	sadd.s32 s21, s4  }
0x9e: {  	[timem:s8], [sflag:s22] =	dma.local [hbm:s6], s20  }
0x9f: {  	_ =	swait.ge [sflag:s22], s20  }
0xa0: {  	s5 =	ssub.s32 $0x0, s20;
	[sflag:s22] =	ssyncset.done $0x0  }
0xa1: {  	[sflag:s22] =	ssyncadd.s32 s5;
	_ =	sdelay $0x1  }
0xa2: {  	s23 =	simm.s32 $0x1B8B  }
0xa3: {  	_ =	swait.ge [sflag:s23], $0x1  }
0xa4: {  	[sflag:s23] =	ssyncset.done $0x0  }
0xa5: {  	s25 =	simm.s32 $0x1B8E;
	s24 =	sld [smem:$0x3FFE];
	[sflag:s23] =	ssyncadd.s32 $0xFFFFFFFF  }
0xa6: {  	s26 =	simm.s32 $execute0_lowered;
	[smem:$0x3FD2] =	sst s25  }
0xa7: {  	s6 =	sshll.u32 s26, $0x1;
	_ =	strace $0x80000046;
	[dreg:$0x1] =	wrdreg $0xFFFFFFFF  }
0xa8: {  	s28 =	simm.s32 $_size_execute0_lowered;
	s4 =	sadd.s32 s4, s6;
	[dreg:$0x0] =	wrdreg $0x0  }
0xa9: {  	s6 =	sshll.u32 s28, $0x1;
	[dreg:$0x2] =	wrdreg s4  }
0xaa: {  	[dreg:$0x3] =	wrdreg s6  }
0xab: {  	[dreg:$0x4] =	wrdreg $0xC0  }
0xac: {  	_ =	task [dreg:s8], $0x5FFFF  }
0xad: {  	[dreg:$0x1] =	wrdreg $0xFFFFFFFF  }
0xae: {  	[dreg:$0x0] =	wrdreg $0x60  }
0xaf: {  	[dreg:$0x2] =	wrdreg s2  }
0xb0: {  	[dreg:$0x3] =	wrdreg s24  }
0xb1: {  	[dreg:$0x4] =	wrdreg s18  }
0xb2: {  	[dreg:$0x5] =	wrdreg $0x9  }
0xb3: {  	_ =	task.clear_ibuf [dreg:s8], $0x6FFFF;
	_ =	strace $0x90000046  }
0xb4: {  	s29 =	simm.s32 $0x9;
	_ =	strace $0x80000048  }
0xb5: {  	_ =	swait.ge [sflag:s29], $0x1  }
0xb6: {  	[sflag:s29] =	ssyncadd.s32 $0xFFFFFFFF  }
0xb7: {  	_ =	strace $0x90000048  }
0xb8: {  	_ =	sfence  }
0xb9: {  	s30 =	sld [smem:$0x0];
	_ =	sdelay $0x2  }
0xba: {  	s31 =	sshll.u32 s1, $0xD;
	s1 =	sshrl.u32 s1, $0x2  }
0xbb: {  	s3 =	sand.u32 $0x4000, s31;
	s1 =	sadd.s32 s1, s30  }
0xbc: {  	s0 =	sor.u32 s3, s0;
	s1 =	sshll.u32 s1, $0x11  }
0xbd: {  	s0 =	sor.u32 s1, s0  }
0xbe: {  	s0 =	sadd.s32 $0x8F2B, s0  }
0xbf: {  	[sflag:s0] =	ssyncadd.remote.s32 $0x1  }
0xc0: {  	_ =	sfence.sel $0xFFFF  }
0xc1: {  	[dreg:$0x0] =	wrdreg $0xFFFFFFFF;
	(pc) =	sbr.abs _section_cstart, $3  }
0xc2: {  	[dreg:$0x1] =	wrdreg $0xFFFFFFFF  }
0xc3: {  	_ =	task.clear_ibuf [dreg:s8], $0x2FFFF;
	_ =	strace $0x9FFFFFFF  }
0xc4: {  	(tm) =	ssettm $0x7FFFFFFF  }
0xc5: {  	_ =	shalt  }
tec
execute0_lowered:
.L_overlay_start_1:
0x0: {  	(tag) =	ssettag $0x1  }
0x1: {  	v0 =	vimm.s32 $0xEFCDAB89  }
0x2: {  	v1 =	vimm.s32 $0x67452301;
	v2 =	vimm.s32 $0xDCFE98BA;
	v3 =	vimm.s32 $0x54761032  }
0x3: {  	s0 =	rddreg [dreg:$0x0];
	v4 =	vimm.s32 $0xBA98FEDC;
	v5 =	vimm.s32 $0x32107654;
	v6 =	vimm.s32 $0xFEDCBA98  }
0x4: {  	s5 =	rddreg [dreg:$0x1];
	v7 =	vimm.s32 $0x76543210;
	v0 =	vunpack.c.l.s4.s8 v0;
	v1 =	vunpack.c.l.s4.s8 v1  }
0x5: {  	s2 =	rddreg [dreg:$0x2];
	v2 =	vunpack.c.l.s4.s8 v2;
	v3 =	vunpack.c.l.s4.s8 v3;
	v4 =	vunpack.c.l.s4.s8 v4  }
0x6: {  	s1 =	rddreg [dreg:$0x3];
	s3 =	simm.s32 $0x0;
	s4 =	srdreg.scid;
	v5 =	vunpack.c.l.s4.s8 v5;
	v6 =	vunpack.c.l.s4.s8 v6;
	v7 =	vunpack.c.l.s4.s8 v7  }
0x7: {  	s10 =	simm.s32 $0x1;
	s11 =	simm.s32 $0x6000;
	s12 =	simm.s32 $0x0;
	v0 =	vunpack.c.0.s8.s32 v0;
	v1 =	vunpack.c.0.s8.s32 v1;
	v2 =	vunpack.c.0.s8.s32 v2  }
.Ltmp0:
0x8: {  	[smem:$0x7FF] =	sst s3;
	s7 =	sand.u32 $0x1, s4;
	v3 =	vunpack.c.0.s8.s32 v3;
	v4 =	vunpack.c.0.s8.s32 v4;
	v5 =	vunpack.c.0.s8.s32 v5;
	(pc) =	sbr.rel .LBB2_1-.Ltmp0, $4  }
0x9: {  	s4 =	sadd.s32 $0xE00, s5;
	s6 =	sadd.s32 $0x1600, s5;
	s8 =	ssub.s32 $0x2, s7;
	v0 =	vcombine.low v1, v0;
	v1 =	vunpack.c.0.s8.s32 v6  }
0xa: {  	s5 =	stileid.u32;
	_ =	strace $0x80000047;
	s9 =	sshrl.u32 s8, $0x1;
	v2 =	vcombine.low v3, v2;
	v3 =	vcombine.low v5, v4;
	v4 =	vunpack.c.0.s8.s32 v7  }
0xb: {  	s31 =	sshll.u32 s5, $0x7;
	s7 =	sshll.u32 s7, $0x6;
	s8 =	ssub.s32 s8, s9;
	v0 =	vand.u32 $0xF, v0;
	v5 =	vand.u32 $0xF, v1  }
0xc: {  	s7 =	sor.u32 s7, s31;
	s9 =	simm.s32 $0x2000;
	s8 =	smax.u32 s8, $0x1;
	v1 =	vand.u32 $0xF, v2;
	v2 =	vand.u32 $0xF, v3;
	v3 =	vcombine.low v5, v4  }
.LBB2_30:
0xd: {  	s12 =	sadd.s32 $0x1, s12  }
0xe: {  	p0 =	sne.s32 s12, s8  }
.Ltmp1:
0xf: {  	_ = 	snop;
	(pc) =	sbr.rel @!p0 .LBB2_31-.Ltmp1, $1  }
0x10: {  	_ =	sdelay $0x3  }
.LBB2_1:
0x11: {  	[tilespmem:s9], [sflag:$0x1] =	stream.linear.gather [hbm4b:s4+s3], $0x4000, $0x38;
	[tilespmem:$0xA000] =	vst v63  }
0x12: {  	_ =	swait.ge [sflag:s10], $0x4000  }
0x13: {  	[sflag:s10] =	ssyncset.done $0x0  }
0x14: {  	[sflag:s10] =	ssyncadd.s32 $0xFFFFC000  }
0x15: {  	[tilespmem:s11], [sflag:$0x1] =	stream.linear.gather [hbm4b:s6+s3], $0x4000, $0x38;
	[tilespmem:$0xA000] =	vst v63  }
0x16: {  	_ =	swait.ge [sflag:s10], $0x4000  }
0x17: {  	[sflag:s10] =	ssyncset.done $0x0  }
0x18: {  	s13 =	simm.s32 $0x0;
	[sflag:s10] =	ssyncadd.s32 $0xFFFFC000  }
.LBB2_2:
0x19: {  	s14 =	sadd.s32 s7, s13  }
0x1a: {  	s16 =	simm.s32 $0x0;
	s14 =	sshll.u32 s14, $0xA  }
0x1b: {  	v4 =	vmov s16;
	s15 =	sadd.s32 s0, s14  }
0x1c: {  	v5 =	vor.u32 s16, v0;
	v4 =	vshll.u32 v4, $0x3;
	[tilespmem:s16], [sflag:$0x1] =	stream.linear.gather [hbm4b:s15+s16], $0x2000, $0x38;
	[tilespmem:$0xA000] =	vst v63  }
0x1d: {  	v6 =	vand.u32 $0x7F, v5;
	v5 =	vand.u32 $0x1C00, v4;
	_ =	swait.ge [sflag:s10], $0x2000  }
0x1e: {  	s17 =	sand.u32 $0x70, s16;
	s18 =	sand.u32 $0x1C00, s16;
	v7 =	vor.u32 v6, v5;
	[sflag:s10] =	ssyncset.done $0x0  }
0x1f: {  	s31 =	sor.u32 s17, s18;
	[sflag:s10] =	ssyncadd.s32 $0xFFFFE000  }
0x20: {  	v8 =	vld [tilespmem:s31+$0x2000]  }
0x21: {  	v9 =	vld [tilespmem:s31+$0x6000]  }
0x22: {  	v11 =	vld [tilespmem:s31+$0x0]  }
0x23: {  	v10 =	vld.idx.msk [tilespmem:v7+s16+$0x0], $0xffff;
	_ =	sdelay $0x4  }
0x24: {  	v12 =	vor.u32 $0x80, v7;
	v11 =	vmul.f32 v11, v8;
	v10 =	vmul.f32 v10, v9;
	_ =	sdelay $0x1  }
0x25: {  	v10 =	vadd.f32 v10, v11;
	_ =	sdelay $0x1  }
0x26: {  	v11 =	vld [tilespmem:s31+$0x80];
	[tilespmem:s31+$0x0] =	vst v10  }
0x27: {  	v10 =	vld.idx.msk [tilespmem:v12+s16+$0x0], $0xffff;
	_ =	sdelay $0x4  }
0x28: {  	v59 =	vor.u32 $0x100, v7;
	v11 =	vmul.f32 v11, v8;
	v10 =	vmul.f32 v10, v9;
	_ =	sdelay $0x1  }
0x29: {  	v10 =	vadd.f32 v10, v11;
	_ =	sdelay $0x1  }
0x2a: {  	v11 =	vld [tilespmem:s31+$0x100];
	[tilespmem:s31+$0x80] =	vst v10  }
0x2b: {  	v10 =	vld.idx.msk [tilespmem:v59+s16+$0x0], $0xffff;
	_ =	sdelay $0x4  }
0x2c: {  	v60 =	vor.u32 $0x180, v7;
	v11 =	vmul.f32 v11, v8;
	v10 =	vmul.f32 v10, v9;
	_ =	sdelay $0x1  }
0x2d: {  	v10 =	vadd.f32 v10, v11;
	_ =	sdelay $0x1  }
0x2e: {  	v11 =	vld [tilespmem:s31+$0x180];
	[tilespmem:s31+$0x100] =	vst v10  }
0x2f: {  	v10 =	vld.idx.msk [tilespmem:v60+s16+$0x0], $0xffff;
	_ =	sdelay $0x4  }
0x30: {  	v61 =	vor.u32 $0x200, v7;
	v11 =	vmul.f32 v11, v8;
	v10 =	vmul.f32 v10, v9;
	_ =	sdelay $0x1  }
0x31: {  	v10 =	vadd.f32 v10, v11;
	_ =	sdelay $0x1  }
0x32: {  	v11 =	vld [tilespmem:s31+$0x200];
	[tilespmem:s31+$0x180] =	vst v10  }
0x33: {  	v10 =	vld.idx.msk [tilespmem:v61+s16+$0x0], $0xffff;
	_ =	sdelay $0x4  }
0x34: {  	v62 =	vor.u32 $0x280, v7;
	v11 =	vmul.f32 v11, v8;
	v10 =	vmul.f32 v10, v9;
	_ =	sdelay $0x1  }
0x35: {  	v10 =	vadd.f32 v10, v11;
	_ =	sdelay $0x1  }
0x36: {  	v11 =	vld [tilespmem:s31+$0x280];
	[tilespmem:s31+$0x200] =	vst v10  }
0x37: {  	v10 =	vld.idx.msk [tilespmem:v62+s16+$0x0], $0xffff;
	_ =	sdelay $0x4  }
0x38: {  	v7 =	vor.u32 $0x300, v7;
	v11 =	vmul.f32 v11, v8;
	v10 =	vmul.f32 v10, v9;
	_ =	sdelay $0x1  }
0x39: {  	v10 =	vadd.f32 v10, v11;
	_ =	sdelay $0x1  }
0x3a: {  	[tilespmem:s31+$0x280] =	vst v10;
	v10 =	vld [tilespmem:s31+$0x300]  }
0x3b: {  	v7 =	vld.idx.msk [tilespmem:v7+s16+$0x0], $0xffff;
	_ =	sdelay $0x3  }
0x3c: {  	v6 =	vor.u32 v6, v4  }
0x3d: {  	v6 =	vor.u32 $0x380, v6;
	v10 =	vmul.f32 v10, v8;
	v7 =	vmul.f32 v7, v9;
	_ =	sdelay $0x1  }
0x3e: {  	v7 =	vadd.f32 v7, v10;
	_ =	sdelay $0x1  }
0x3f: {  	s19 =	sor.u32 s16, s16;
	[tilespmem:s31+$0x300] =	vst v7  }
0x40: {  	s25 =	sor.u32 $0x380, s19;
	v10 =	vld.idx.msk [tilespmem:v6+s16+$0x0], $0xffff  }
0x41: {  	v11 =	vld [tilespmem:s25+$0x0]  }
0x42: {  	s15 =	simm.s32 $0x10  }
0x43: {  	v7 =	vor.u32 s15, v0;
	v6 =	vmov s15  }
0x44: {  	v7 =	vand.u32 $0x7F, v7;
	v6 =	vshll.u32 v6, $0x3  }
0x45: {  	v63 =	vand.u32 $0x1C00, v6;
	v6 =	vor.u32 v7, v6  }
0x46: {  	s22 =	simm.s32 $0x20;
	s20 =	simm.s32 $0x80;
	s21 =	simm.s32 $0x10;
	v7 =	vor.u32 v7, v63;
	v8 =	vmul.f32 v11, v8;
	v9 =	vmul.f32 v10, v9  }
.LBB2_3:
0x47: {  	_ = 	snop  }
0x48: {  	p0 =	sne.s32 s22, $0x3F0;
	s23 =	smov.u32 s22;
	s22 =	sadd.s32 $0x10, s22;
	v8 =	vadd.f32 v9, v8  }
0x49: {  	s24 =	sand.u32 $0x70, s21;
	s26 =	sand.u32 $0x1C00, s20  }
0x4a: {  	s24 =	sor.u32 s24, s26;
	[tilespmem:s25+$0x0] =	vst v8  }
0x4b: {  	v8 =	vld [tilespmem:s24+$0x2000]  }
0x4c: {  	v9 =	vld [tilespmem:s24+$0x6000]  }
0x4d: {  	v10 =	vld.idx.msk [tilespmem:v7+s16+$0x0], $0xffff  }
0x4e: {  	v11 =	vld [tilespmem:s24+$0x0];
	_ =	sdelay $0x2  }
0x4f: {  	v12 =	vor.u32 $0x80, v7;
	_ =	sdelay $0x1  }
0x50: {  	v10 =	vmul.f32 v10, v9;
	v11 =	vmul.f32 v11, v8;
	_ =	sdelay $0x1  }
0x51: {  	v10 =	vadd.f32 v10, v11;
	_ =	sdelay $0x1  }
0x52: {  	[tilespmem:s24+$0x0] =	vst v10  }
0x53: {  	v10 =	vld.idx.msk [tilespmem:v12+s16+$0x0], $0xffff  }
0x54: {  	v11 =	vld [tilespmem:s24+$0x80];
	_ =	sdelay $0x2  }
0x55: {  	v12 =	vor.u32 $0x100, v7;
	_ =	sdelay $0x1  }
0x56: {  	v10 =	vmul.f32 v10, v9;
	v11 =	vmul.f32 v11, v8;
	_ =	sdelay $0x1  }
0x57: {  	v10 =	vadd.f32 v10, v11;
	_ =	sdelay $0x1  }
0x58: {  	[tilespmem:s24+$0x80] =	vst v10  }
0x59: {  	v10 =	vld.idx.msk [tilespmem:v12+s16+$0x0], $0xffff  }
0x5a: {  	v11 =	vld [tilespmem:s24+$0x100];
	_ =	sdelay $0x2  }
0x5b: {  	v12 =	vor.u32 $0x180, v7;
	_ =	sdelay $0x1  }
0x5c: {  	v10 =	vmul.f32 v10, v9;
	v11 =	vmul.f32 v11, v8;
	_ =	sdelay $0x1  }
0x5d: {  	v10 =	vadd.f32 v10, v11;
	_ =	sdelay $0x1  }
0x5e: {  	[tilespmem:s24+$0x100] =	vst v10  }
0x5f: {  	v10 =	vld.idx.msk [tilespmem:v12+s16+$0x0], $0xffff  }
0x60: {  	v11 =	vld [tilespmem:s24+$0x180];
	_ =	sdelay $0x2  }
0x61: {  	v12 =	vor.u32 $0x200, v7;
	_ =	sdelay $0x1  }
0x62: {  	v10 =	vmul.f32 v10, v9;
	v11 =	vmul.f32 v11, v8;
	_ =	sdelay $0x1  }
0x63: {  	v10 =	vadd.f32 v10, v11;
	_ =	sdelay $0x1  }
0x64: {  	[tilespmem:s24+$0x180] =	vst v10  }
0x65: {  	v10 =	vld.idx.msk [tilespmem:v12+s16+$0x0], $0xffff  }
0x66: {  	v11 =	vld [tilespmem:s24+$0x200];
	_ =	sdelay $0x2  }
0x67: {  	v12 =	vor.u32 $0x280, v7;
	_ =	sdelay $0x1  }
0x68: {  	v10 =	vmul.f32 v10, v9;
	v11 =	vmul.f32 v11, v8;
	_ =	sdelay $0x1  }
0x69: {  	v10 =	vadd.f32 v10, v11;
	_ =	sdelay $0x1  }
0x6a: {  	[tilespmem:s24+$0x200] =	vst v10  }
0x6b: {  	v10 =	vld.idx.msk [tilespmem:v12+s16+$0x0], $0xffff  }
0x6c: {  	v11 =	vld [tilespmem:s24+$0x280];
	_ =	sdelay $0x2  }
0x6d: {  	v7 =	vor.u32 $0x300, v7;
	_ =	sdelay $0x1  }
0x6e: {  	v10 =	vmul.f32 v10, v9;
	v11 =	vmul.f32 v11, v8;
	_ =	sdelay $0x1  }
0x6f: {  	v10 =	vadd.f32 v10, v11;
	_ =	sdelay $0x1  }
0x70: {  	[tilespmem:s24+$0x280] =	vst v10  }
0x71: {  	v7 =	vld.idx.msk [tilespmem:v7+s16+$0x0], $0xffff  }
0x72: {  	v10 =	vld [tilespmem:s24+$0x300];
	_ =	sdelay $0x2  }
0x73: {  	v6 =	vor.u32 $0x380, v6;
	_ =	sdelay $0x1  }
0x74: {  	v7 =	vmul.f32 v7, v9;
	v10 =	vmul.f32 v10, v8;
	_ =	sdelay $0x1  }
0x75: {  	v7 =	vadd.f32 v7, v10;
	_ =	sdelay $0x1  }
0x76: {  	[tilespmem:s24+$0x300] =	vst v7;
	s24 =	sor.u32 s20, s21;
	s21 =	smov.u32 s23  }
0x77: {  	s25 =	sor.u32 $0x380, s24;
	v10 =	vld.idx.msk [tilespmem:v6+s16+$0x0], $0xffff  }
0x78: {  	v11 =	vld [tilespmem:s25+$0x0]  }
.Ltmp2:
0x79: {  	(pc) =	sbr.rel @p0 .LBB2_3-.Ltmp2, $4  }
0x7a: {  	v6 =	vmov s21;
	v7 =	vor.u32 s21, v0  }
0x7b: {  	v7 =	vand.u32 $0x7F, v7;
	v6 =	vshll.u32 v6, $0x3  }
0x7c: {  	v12 =	vand.u32 $0x1C00, v6;
	v6 =	vor.u32 v7, v6  }
0x7d: {  	s20 =	sadd.s32 $0x80, s20;
	v7 =	vor.u32 v7, v12;
	v9 =	vmul.f32 v10, v9;
	v8 =	vmul.f32 v11, v8  }
0x7e: {  	_ = 	snop  }
0x7f: {  	v8 =	vadd.f32 v9, v8  }
0x80: {  	s22 =	sand.u32 $0x70, s21;
	s23 =	sand.u32 $0x1C00, s20  }
0x81: {  	s22 =	sor.u32 s22, s23;
	[tilespmem:s25+$0x0] =	vst v8  }
0x82: {  	v8 =	vld [tilespmem:s22+$0x2000]  }
0x83: {  	v38 =	vld [tilespmem:s22+$0x6000]  }
0x84: {  	v10 =	vld.idx.msk [tilespmem:v7+s16+$0x0], $0xffff  }
0x85: {  	v11 =	vld [tilespmem:s22+$0x0];
	_ =	sdelay $0x4  }
0x86: {  	v12 =	vor.u32 $0x80, v7;
	v11 =	vmul.f32 v11, v8;
	v10 =	vmul.f32 v10, v38;
	_ =	sdelay $0x1  }
0x87: {  	v10 =	vadd.f32 v10, v11;
	_ =	sdelay $0x1  }
0x88: {  	v39 =	vld [tilespmem:s22+$0x80];
	[tilespmem:s22+$0x0] =	vst v10  }
0x89: {  	v10 =	vld.idx.msk [tilespmem:v12+s16+$0x0], $0xffff;
	_ =	sdelay $0x4  }
0x8a: {  	v40 =	vor.u32 $0x100, v7;
	v11 =	vmul.f32 v39, v8;
	v10 =	vmul.f32 v10, v38;
	_ =	sdelay $0x1  }
0x8b: {  	v10 =	vadd.f32 v10, v11;
	_ =	sdelay $0x1  }
0x8c: {  	v41 =	vld [tilespmem:s22+$0x100];
	[tilespmem:s22+$0x80] =	vst v10  }
0x8d: {  	v10 =	vld.idx.msk [tilespmem:v40+s16+$0x0], $0xffff;
	_ =	sdelay $0x4  }
0x8e: {  	v42 =	vor.u32 $0x180, v7;
	v11 =	vmul.f32 v41, v8;
	v10 =	vmul.f32 v10, v38;
	_ =	sdelay $0x1  }
0x8f: {  	v10 =	vadd.f32 v10, v11;
	_ =	sdelay $0x1  }
0x90: {  	v43 =	vld [tilespmem:s22+$0x180];
	[tilespmem:s22+$0x100] =	vst v10  }
0x91: {  	v10 =	vld.idx.msk [tilespmem:v42+s16+$0x0], $0xffff;
	_ =	sdelay $0x4  }
0x92: {  	v44 =	vor.u32 $0x200, v7;
	v11 =	vmul.f32 v43, v8;
	v10 =	vmul.f32 v10, v38;
	_ =	sdelay $0x1  }
0x93: {  	v10 =	vadd.f32 v10, v11;
	_ =	sdelay $0x1  }
0x94: {  	v45 =	vld [tilespmem:s22+$0x200];
	[tilespmem:s22+$0x180] =	vst v10  }
0x95: {  	v10 =	vld.idx.msk [tilespmem:v44+s16+$0x0], $0xffff;
	_ =	sdelay $0x4  }
0x96: {  	v46 =	vor.u32 $0x280, v7;
	v11 =	vmul.f32 v45, v8;
	v10 =	vmul.f32 v10, v38;
	_ =	sdelay $0x1  }
0x97: {  	v10 =	vadd.f32 v10, v11;
	_ =	sdelay $0x1  }
0x98: {  	v47 =	vld [tilespmem:s22+$0x280];
	[tilespmem:s22+$0x200] =	vst v10  }
0x99: {  	v10 =	vld.idx.msk [tilespmem:v46+s16+$0x0], $0xffff;
	_ =	sdelay $0x4  }
0x9a: {  	v7 =	vor.u32 $0x300, v7;
	v11 =	vmul.f32 v47, v8;
	v10 =	vmul.f32 v10, v38;
	_ =	sdelay $0x1  }
0x9b: {  	v10 =	vadd.f32 v10, v11;
	_ =	sdelay $0x1  }
0x9c: {  	v48 =	vld [tilespmem:s22+$0x300];
	[tilespmem:s22+$0x280] =	vst v10  }
0x9d: {  	v7 =	vld.idx.msk [tilespmem:v7+s16+$0x0], $0xffff;
	_ =	sdelay $0x4  }
0x9e: {  	v6 =	vor.u32 $0x380, v6;
	v10 =	vmul.f32 v48, v8;
	v7 =	vmul.f32 v7, v38;
	_ =	sdelay $0x1  }
0x9f: {  	v7 =	vadd.f32 v7, v10;
	_ =	sdelay $0x1  }
0xa0: {  	s31 =	sor.u32 s20, s21;
	[tilespmem:s22+$0x300] =	vst v7  }
0xa1: {  	s20 =	sor.u32 $0x380, s31;
	v6 =	vld.idx.msk [tilespmem:v6+s16+$0x0], $0xffff  }
0xa2: {  	v7 =	vld [tilespmem:s20+$0x0];
	_ =	sdelay $0x4  }
0xa3: {  	v7 =	vmul.f32 v7, v8;
	v6 =	vmul.f32 v6, v38  }
0xa4: {  	v8 =	vor.u32 s16, v1  }
0xa5: {  	v8 =	vand.u32 $0x7F, v8;
	v6 =	vadd.f32 v6, v7  }
0xa6: {  	v5 =	vor.u32 v8, v5  }
0xa7: {  	s17 =	sor.u32 s18, s17;
	[tilespmem:s20+$0x0] =	vst v6  }
0xa8: {  	v6 =	vld [tilespmem:s17+$0x2080]  }
0xa9: {  	v7 =	vld [tilespmem:s17+$0x6080]  }
0xaa: {  	s16 =	simm.s32 $0x0;
	v50 =	vld [tilespmem:s17+$0x0]  }
0xab: {  	v49 =	vld.idx.msk [tilespmem:v5+s16+$0x0], $0xffff;
	_ =	sdelay $0x4  }
0xac: {  	v51 =	vor.u32 $0x80, v5;
	v10 =	vmul.f32 v50, v6;
	v9 =	vmul.f32 v49, v7;
	_ =	sdelay $0x1  }
0xad: {  	v9 =	vadd.f32 v9, v10;
	_ =	sdelay $0x1  }
0xae: {  	v52 =	vld [tilespmem:s17+$0x80];
	[tilespmem:s17+$0x0] =	vst v9  }
0xaf: {  	v9 =	vld.idx.msk [tilespmem:v51+s16+$0x0], $0xffff;
	_ =	sdelay $0x4  }
0xb0: {  	v53 =	vor.u32 $0x100, v5;
	v10 =	vmul.f32 v52, v6;
	v9 =	vmul.f32 v9, v7;
	_ =	sdelay $0x1  }
0xb1: {  	v9 =	vadd.f32 v9, v10;
	_ =	sdelay $0x1  }
0xb2: {  	v54 =	vld [tilespmem:s17+$0x100];
	[tilespmem:s17+$0x80] =	vst v9  }
0xb3: {  	v9 =	vld.idx.msk [tilespmem:v53+s16+$0x0], $0xffff;
	_ =	sdelay $0x4  }
0xb4: {  	v55 =	vor.u32 $0x180, v5;
	v10 =	vmul.f32 v54, v6;
	v9 =	vmul.f32 v9, v7;
	_ =	sdelay $0x1  }
0xb5: {  	v9 =	vadd.f32 v9, v10;
	_ =	sdelay $0x1  }
0xb6: {  	v56 =	vld [tilespmem:s17+$0x180];
	[tilespmem:s17+$0x100] =	vst v9  }
0xb7: {  	v9 =	vld.idx.msk [tilespmem:v55+s16+$0x0], $0xffff;
	_ =	sdelay $0x4  }
0xb8: {  	v57 =	vor.u32 $0x200, v5;
	v10 =	vmul.f32 v56, v6;
	v9 =	vmul.f32 v9, v7;
	_ =	sdelay $0x1  }
0xb9: {  	v9 =	vadd.f32 v9, v10;
	_ =	sdelay $0x1  }
0xba: {  	v58 =	vld [tilespmem:s17+$0x200];
	[tilespmem:s17+$0x180] =	vst v9  }
0xbb: {  	v9 =	vld.idx.msk [tilespmem:v57+s16+$0x0], $0xffff;
	_ =	sdelay $0x4  }
0xbc: {  	v59 =	vor.u32 $0x280, v5;
	v10 =	vmul.f32 v58, v6;
	v9 =	vmul.f32 v9, v7;
	_ =	sdelay $0x1  }
0xbd: {  	v9 =	vadd.f32 v9, v10;
	_ =	sdelay $0x1  }
0xbe: {  	v60 =	vld [tilespmem:s17+$0x280];
	[tilespmem:s17+$0x200] =	vst v9  }
0xbf: {  	v9 =	vld.idx.msk [tilespmem:v59+s16+$0x0], $0xffff;
	_ =	sdelay $0x4  }
0xc0: {  	v5 =	vor.u32 $0x300, v5;
	v10 =	vmul.f32 v60, v6;
	v9 =	vmul.f32 v9, v7;
	_ =	sdelay $0x1  }
0xc1: {  	v9 =	vadd.f32 v9, v10;
	_ =	sdelay $0x1  }
0xc2: {  	v61 =	vld [tilespmem:s17+$0x300];
	[tilespmem:s17+$0x280] =	vst v9  }
0xc3: {  	v5 =	vld.idx.msk [tilespmem:v5+s16+$0x0], $0xffff;
	_ =	sdelay $0x3  }
0xc4: {  	v4 =	vor.u32 v8, v4  }
0xc5: {  	v4 =	vor.u32 $0x380, v4;
	v8 =	vmul.f32 v61, v6;
	v5 =	vmul.f32 v5, v7;
	_ =	sdelay $0x1  }
0xc6: {  	v5 =	vadd.f32 v5, v8;
	_ =	sdelay $0x1  }
0xc7: {  	[tilespmem:s17+$0x300] =	vst v5  }
0xc8: {  	s21 =	sor.u32 $0x380, s19;
	v8 =	vld.idx.msk [tilespmem:v4+s16+$0x0], $0xffff  }
0xc9: {  	v62 =	vld [tilespmem:s21+$0x0];
	_ =	sdelay $0x1  }
0xca: {  	v5 =	vor.u32 s15, v1;
	v4 =	vmov s15  }
0xcb: {  	v5 =	vand.u32 $0x7F, v5;
	v4 =	vshll.u32 v4, $0x3  }
0xcc: {  	v63 =	vand.u32 $0x1C00, v4;
	v4 =	vor.u32 v5, v4  }
0xcd: {  	s18 =	simm.s32 $0x20;
	s17 =	simm.s32 $0x80;
	v5 =	vor.u32 v5, v63;
	v6 =	vmul.f32 v62, v6;
	v7 =	vmul.f32 v8, v7  }
.LBB2_5:
0xce: {  	_ = 	snop  }
0xcf: {  	p0 =	sne.s32 s18, $0x3F0;
	s19 =	smov.u32 s18;
	s18 =	sadd.s32 $0x10, s18;
	v6 =	vadd.f32 v7, v6  }
0xd0: {  	s20 =	sand.u32 $0x70, s15;
	s22 =	sand.u32 $0x1C00, s17  }
0xd1: {  	s20 =	sor.u32 s22, s20;
	[tilespmem:s21+$0x0] =	vst v6  }
0xd2: {  	v6 =	vld [tilespmem:s20+$0x2080]  }
0xd3: {  	v7 =	vld [tilespmem:s20+$0x6080]  }
0xd4: {  	v8 =	vld.idx.msk [tilespmem:v5+s16+$0x0], $0xffff  }
0xd5: {  	v9 =	vld [tilespmem:s20+$0x0];
	_ =	sdelay $0x2  }
0xd6: {  	v10 =	vor.u32 $0x80, v5;
	_ =	sdelay $0x1  }
0xd7: {  	v8 =	vmul.f32 v8, v7;
	v9 =	vmul.f32 v9, v6;
	_ =	sdelay $0x1  }
0xd8: {  	v8 =	vadd.f32 v8, v9;
	_ =	sdelay $0x1  }
0xd9: {  	[tilespmem:s20+$0x0] =	vst v8  }
0xda: {  	v8 =	vld.idx.msk [tilespmem:v10+s16+$0x0], $0xffff  }
0xdb: {  	v9 =	vld [tilespmem:s20+$0x80];
	_ =	sdelay $0x2  }
0xdc: {  	v10 =	vor.u32 $0x100, v5;
	_ =	sdelay $0x1  }
0xdd: {  	v8 =	vmul.f32 v8, v7;
	v9 =	vmul.f32 v9, v6;
	_ =	sdelay $0x1  }
0xde: {  	v8 =	vadd.f32 v8, v9;
	_ =	sdelay $0x1  }
0xdf: {  	[tilespmem:s20+$0x80] =	vst v8  }
0xe0: {  	v8 =	vld.idx.msk [tilespmem:v10+s16+$0x0], $0xffff  }
0xe1: {  	v9 =	vld [tilespmem:s20+$0x100];
	_ =	sdelay $0x2  }
0xe2: {  	v10 =	vor.u32 $0x180, v5;
	_ =	sdelay $0x1  }
0xe3: {  	v8 =	vmul.f32 v8, v7;
	v9 =	vmul.f32 v9, v6;
	_ =	sdelay $0x1  }
0xe4: {  	v8 =	vadd.f32 v8, v9;
	_ =	sdelay $0x1  }
0xe5: {  	[tilespmem:s20+$0x100] =	vst v8  }
0xe6: {  	v8 =	vld.idx.msk [tilespmem:v10+s16+$0x0], $0xffff  }
0xe7: {  	v9 =	vld [tilespmem:s20+$0x180];
	_ =	sdelay $0x2  }
0xe8: {  	v10 =	vor.u32 $0x200, v5;
	_ =	sdelay $0x1  }
0xe9: {  	v8 =	vmul.f32 v8, v7;
	v9 =	vmul.f32 v9, v6;
	_ =	sdelay $0x1  }
0xea: {  	v8 =	vadd.f32 v8, v9;
	_ =	sdelay $0x1  }
0xeb: {  	[tilespmem:s20+$0x180] =	vst v8  }
0xec: {  	v8 =	vld.idx.msk [tilespmem:v10+s16+$0x0], $0xffff  }
0xed: {  	v9 =	vld [tilespmem:s20+$0x200];
	_ =	sdelay $0x2  }
0xee: {  	v10 =	vor.u32 $0x280, v5;
	_ =	sdelay $0x1  }
0xef: {  	v8 =	vmul.f32 v8, v7;
	v9 =	vmul.f32 v9, v6;
	_ =	sdelay $0x1  }
0xf0: {  	v8 =	vadd.f32 v8, v9;
	_ =	sdelay $0x1  }
0xf1: {  	[tilespmem:s20+$0x200] =	vst v8  }
0xf2: {  	v8 =	vld.idx.msk [tilespmem:v10+s16+$0x0], $0xffff  }
0xf3: {  	v9 =	vld [tilespmem:s20+$0x280];
	_ =	sdelay $0x2  }
0xf4: {  	v5 =	vor.u32 $0x300, v5;
	_ =	sdelay $0x1  }
0xf5: {  	v8 =	vmul.f32 v8, v7;
	v9 =	vmul.f32 v9, v6;
	_ =	sdelay $0x1  }
0xf6: {  	v8 =	vadd.f32 v8, v9;
	_ =	sdelay $0x1  }
0xf7: {  	[tilespmem:s20+$0x280] =	vst v8  }
0xf8: {  	v5 =	vld.idx.msk [tilespmem:v5+s16+$0x0], $0xffff  }
0xf9: {  	v8 =	vld [tilespmem:s20+$0x300];
	_ =	sdelay $0x2  }
0xfa: {  	v4 =	vor.u32 $0x380, v4;
	_ =	sdelay $0x1  }
0xfb: {  	v5 =	vmul.f32 v5, v7;
	v8 =	vmul.f32 v8, v6;
	_ =	sdelay $0x1  }
0xfc: {  	v5 =	vadd.f32 v5, v8;
	_ =	sdelay $0x1  }
0xfd: {  	[tilespmem:s20+$0x300] =	vst v5;
	s20 =	sor.u32 s17, s15;
	s15 =	smov.u32 s19  }
0xfe: {  	s21 =	sor.u32 $0x380, s20;
	v8 =	vld.idx.msk [tilespmem:v4+s16+$0x0], $0xffff  }
0xff: {  	v9 =	vld [tilespmem:s21+$0x0]  }
.Ltmp3:
0x100: {  	(pc) =	sbr.rel @p0 .LBB2_5-.Ltmp3, $4  }
0x101: {  	v4 =	vmov s15;
	v5 =	vor.u32 s15, v1  }
0x102: {  	v5 =	vand.u32 $0x7F, v5;
	v4 =	vshll.u32 v4, $0x3  }
0x103: {  	v10 =	vand.u32 $0x1C00, v4;
	v4 =	vor.u32 v5, v4  }
0x104: {  	s17 =	sadd.s32 $0x80, s17;
	v5 =	vor.u32 v5, v10;
	v7 =	vmul.f32 v8, v7;
	v6 =	vmul.f32 v9, v6  }
0x105: {  	_ = 	snop  }
0x106: {  	v6 =	vadd.f32 v7, v6  }
0x107: {  	s16 =	sand.u32 $0x70, s15;
	s18 =	sand.u32 $0x1C00, s17  }
0x108: {  	s18 =	sor.u32 s18, s16;
	[tilespmem:s21+$0x0] =	vst v6  }
0x109: {  	v6 =	vld [tilespmem:s18+$0x2080]  }
0x10a: {  	s16 =	simm.s32 $0x0;
	v7 =	vld [tilespmem:s18+$0x6080]  }
0x10b: {  	v8 =	vld.idx.msk [tilespmem:v5+s16+$0x0], $0xffff  }
0x10c: {  	v9 =	vld [tilespmem:s18+$0x0];
	_ =	sdelay $0x4  }
0x10d: {  	v10 =	vor.u32 $0x80, v5;
	v9 =	vmul.f32 v9, v6;
	v8 =	vmul.f32 v8, v7;
	_ =	sdelay $0x1  }
0x10e: {  	v8 =	vadd.f32 v8, v9;
	_ =	sdelay $0x1  }
0x10f: {  	v55 =	vld [tilespmem:s18+$0x80];
	[tilespmem:s18+$0x0] =	vst v8  }
0x110: {  	v8 =	vld.idx.msk [tilespmem:v10+s16+$0x0], $0xffff;
	_ =	sdelay $0x4  }
0x111: {  	v56 =	vor.u32 $0x100, v5;
	v9 =	vmul.f32 v55, v6;
	v8 =	vmul.f32 v8, v7;
	_ =	sdelay $0x1  }
0x112: {  	v8 =	vadd.f32 v8, v9;
	_ =	sdelay $0x1  }
0x113: {  	v57 =	vld [tilespmem:s18+$0x100];
	[tilespmem:s18+$0x80] =	vst v8  }
0x114: {  	v8 =	vld.idx.msk [tilespmem:v56+s16+$0x0], $0xffff;
	_ =	sdelay $0x4  }
0x115: {  	v58 =	vor.u32 $0x180, v5;
	v9 =	vmul.f32 v57, v6;
	v8 =	vmul.f32 v8, v7;
	_ =	sdelay $0x1  }
0x116: {  	v8 =	vadd.f32 v8, v9;
	_ =	sdelay $0x1  }
0x117: {  	v59 =	vld [tilespmem:s18+$0x180];
	[tilespmem:s18+$0x100] =	vst v8  }
0x118: {  	v8 =	vld.idx.msk [tilespmem:v58+s16+$0x0], $0xffff;
	_ =	sdelay $0x4  }
0x119: {  	v60 =	vor.u32 $0x200, v5;
	v9 =	vmul.f32 v59, v6;
	v8 =	vmul.f32 v8, v7;
	_ =	sdelay $0x1  }
0x11a: {  	v8 =	vadd.f32 v8, v9;
	_ =	sdelay $0x1  }
0x11b: {  	v61 =	vld [tilespmem:s18+$0x200];
	[tilespmem:s18+$0x180] =	vst v8  }
0x11c: {  	v8 =	vld.idx.msk [tilespmem:v60+s16+$0x0], $0xffff;
	_ =	sdelay $0x4  }
0x11d: {  	v62 =	vor.u32 $0x280, v5;
	v9 =	vmul.f32 v61, v6;
	v8 =	vmul.f32 v8, v7;
	_ =	sdelay $0x1  }
0x11e: {  	v8 =	vadd.f32 v8, v9;
	_ =	sdelay $0x1  }
0x11f: {  	v63 =	vld [tilespmem:s18+$0x280];
	[tilespmem:s18+$0x200] =	vst v8  }
0x120: {  	v8 =	vld.idx.msk [tilespmem:v62+s16+$0x0], $0xffff;
	_ =	sdelay $0x4  }
0x121: {  	v5 =	vor.u32 $0x300, v5;
	v9 =	vmul.f32 v63, v6;
	v8 =	vmul.f32 v8, v7;
	_ =	sdelay $0x1  }
0x122: {  	v8 =	vadd.f32 v8, v9;
	_ =	sdelay $0x1  }
0x123: {  	[tilespmem:s18+$0x280] =	vst v8;
	v8 =	vld [tilespmem:s18+$0x300]  }
0x124: {  	v5 =	vld.idx.msk [tilespmem:v5+s16+$0x0], $0xffff;
	_ =	sdelay $0x4  }
0x125: {  	v4 =	vor.u32 $0x380, v4;
	v8 =	vmul.f32 v8, v6;
	v5 =	vmul.f32 v5, v7;
	_ =	sdelay $0x1  }
0x126: {  	v5 =	vadd.f32 v5, v8;
	_ =	sdelay $0x1  }
0x127: {  	s31 =	sor.u32 s17, s15;
	[tilespmem:s18+$0x300] =	vst v5  }
0x128: {  	s15 =	sor.u32 $0x380, s31;
	v4 =	vld.idx.msk [tilespmem:v4+s16+$0x0], $0xffff  }
0x129: {  	v5 =	vld [tilespmem:s15+$0x0];
	_ =	sdelay $0x3  }
0x12a: {  	p1 =	por $0x1, $0x1  }
.Ltmp4:
0x12b: {  	v5 =	vmul.f32 v5, v6;
	v4 =	vmul.f32 v4, v7;
	(pc) =	sbr.rel @!p1 .LBB2_7-.Ltmp4, $4  }
0x12c: {  	v6 =	vmov s16  }
0x12d: {  	v7 =	vadd.f32 v4, v5;
	v5 =	vor.u32 s16, v2;
	v4 =	vshll.u32 v6, $0x3  }
0x12e: {  	v8 =	vand.u32 $0x7F, v5;
	v5 =	vand.u32 $0x1C00, v4  }
0x12f: {  	p0 =	por $0x0, $0x0;
	[tilespmem:s15+$0x0] =	vst v7;
	s15 =	simm.s32 $0x10;
	v6 =	vor.u32 v8, v4;
	v7 =	vor.u32 v8, v5  }
0x130: {  	_ =	sdelay $0x2  }
0x131: {  	s17 =	sand.u32 $0x70, s16;
	s18 =	sand.u32 $0x1C00, s16  }
0x132: {  	v10 =	vld.idx.msk [tilespmem:v7+s16+$0x0], $0xffff;
	s17 =	sor.u32 s18, s17  }
0x133: {  	v8 =	vld [tilespmem:s17+$0x2100]  }
0x134: {  	v9 =	vld [tilespmem:s17+$0x6100]  }
0x135: {  	v11 =	vld [tilespmem:s17+$0x0];
	_ =	sdelay $0x4  }
0x136: {  	v12 =	vor.u32 $0x80, v7;
	v11 =	vmul.f32 v11, v8;
	v10 =	vmul.f32 v10, v9;
	_ =	sdelay $0x1  }
0x137: {  	v10 =	vadd.f32 v10, v11;
	_ =	sdelay $0x1  }
0x138: {  	v11 =	vld [tilespmem:s17+$0x80];
	[tilespmem:s17+$0x0] =	vst v10  }
0x139: {  	v10 =	vld.idx.msk [tilespmem:v12+s16+$0x0], $0xffff;
	_ =	sdelay $0x4  }
0x13a: {  	v59 =	vor.u32 $0x100, v7;
	v11 =	vmul.f32 v11, v8;
	v10 =	vmul.f32 v10, v9;
	_ =	sdelay $0x1  }
0x13b: {  	v10 =	vadd.f32 v10, v11;
	_ =	sdelay $0x1  }
0x13c: {  	v11 =	vld [tilespmem:s17+$0x100];
	[tilespmem:s17+$0x80] =	vst v10  }
0x13d: {  	v10 =	vld.idx.msk [tilespmem:v59+s16+$0x0], $0xffff;
	_ =	sdelay $0x4  }
0x13e: {  	v60 =	vor.u32 $0x180, v7;
	v11 =	vmul.f32 v11, v8;
	v10 =	vmul.f32 v10, v9;
	_ =	sdelay $0x1  }
0x13f: {  	v10 =	vadd.f32 v10, v11;
	_ =	sdelay $0x1  }
0x140: {  	v11 =	vld [tilespmem:s17+$0x180];
	[tilespmem:s17+$0x100] =	vst v10  }
0x141: {  	v10 =	vld.idx.msk [tilespmem:v60+s16+$0x0], $0xffff;
	_ =	sdelay $0x4  }
0x142: {  	v61 =	vor.u32 $0x200, v7;
	v11 =	vmul.f32 v11, v8;
	v10 =	vmul.f32 v10, v9;
	_ =	sdelay $0x1  }
0x143: {  	v10 =	vadd.f32 v10, v11;
	_ =	sdelay $0x1  }
0x144: {  	v11 =	vld [tilespmem:s17+$0x200];
	[tilespmem:s17+$0x180] =	vst v10  }
0x145: {  	v10 =	vld.idx.msk [tilespmem:v61+s16+$0x0], $0xffff;
	_ =	sdelay $0x4  }
0x146: {  	v62 =	vor.u32 $0x280, v7;
	v11 =	vmul.f32 v11, v8;
	v10 =	vmul.f32 v10, v9;
	_ =	sdelay $0x1  }
0x147: {  	v10 =	vadd.f32 v10, v11;
	_ =	sdelay $0x1  }
0x148: {  	v11 =	vld [tilespmem:s17+$0x280];
	[tilespmem:s17+$0x200] =	vst v10  }
0x149: {  	v10 =	vld.idx.msk [tilespmem:v62+s16+$0x0], $0xffff;
	_ =	sdelay $0x4  }
0x14a: {  	v7 =	vor.u32 $0x300, v7;
	v11 =	vmul.f32 v11, v8;
	v10 =	vmul.f32 v10, v9;
	_ =	sdelay $0x1  }
0x14b: {  	v10 =	vadd.f32 v10, v11;
	_ =	sdelay $0x1  }
0x14c: {  	[tilespmem:s17+$0x280] =	vst v10;
	v10 =	vld [tilespmem:s17+$0x300]  }
0x14d: {  	v7 =	vld.idx.msk [tilespmem:v7+s16+$0x0], $0xffff;
	_ =	sdelay $0x4  }
0x14e: {  	v6 =	vor.u32 $0x380, v6;
	v10 =	vmul.f32 v10, v8;
	v7 =	vmul.f32 v7, v9;
	_ =	sdelay $0x1  }
0x14f: {  	v7 =	vadd.f32 v7, v10;
	_ =	sdelay $0x1  }
0x150: {  	s31 =	sor.u32 s16, s16;
	[tilespmem:s17+$0x300] =	vst v7  }
0x151: {  	s22 =	sor.u32 $0x380, s31;
	v10 =	vld.idx.msk [tilespmem:v6+s16+$0x0], $0xffff  }
0x152: {  	p3 =	por $0x1, $0x1;
	v11 =	vld [tilespmem:s22+$0x0]  }
.Ltmp5:
0x153: {  	_ = 	snop;
	(pc) =	sbr.rel @!p3 .LBB2_9-.Ltmp5, $4  }
0x154: {  	v7 =	vor.u32 s15, v2;
	v6 =	vmov s15  }
0x155: {  	v7 =	vand.u32 $0x7F, v7;
	v6 =	vshll.u32 v6, $0x3  }
0x156: {  	s19 =	simm.s32 $0x20;
	v63 =	vand.u32 $0x1C00, v6;
	v6 =	vor.u32 v7, v6  }
0x157: {  	p2 =	por $0x1, $0x1;
	s18 =	simm.s32 $0x10;
	s17 =	simm.s32 $0x80;
	v7 =	vor.u32 v7, v63;
	v8 =	vmul.f32 v11, v8;
	v9 =	vmul.f32 v10, v9  }
.LBB2_10:
0x158: {  	_ = 	snop  }
0x159: {  	p3 =	sne.s32 s19, $0x3F0;
	s20 =	smov.u32 s19;
	s19 =	sadd.s32 $0x10, s19;
	v8 =	vadd.f32 v9, v8  }
0x15a: {  	s21 =	sand.u32 $0x70, s18;
	s23 =	sand.u32 $0x1C00, s17  }
0x15b: {  	s21 =	sor.u32 s23, s21;
	[tilespmem:s22+$0x0] =	vst v8  }
0x15c: {  	v8 =	vld [tilespmem:s21+$0x2100]  }
0x15d: {  	v9 =	vld [tilespmem:s21+$0x6100]  }
0x15e: {  	v10 =	vld.idx.msk [tilespmem:v7+s16+$0x0], $0xffff  }
0x15f: {  	v11 =	vld [tilespmem:s21+$0x0];
	_ =	sdelay $0x2  }
0x160: {  	v12 =	vor.u32 $0x80, v7;
	_ =	sdelay $0x1  }
0x161: {  	v10 =	vmul.f32 v10, v9;
	v11 =	vmul.f32 v11, v8;
	_ =	sdelay $0x1  }
0x162: {  	v10 =	vadd.f32 v10, v11;
	_ =	sdelay $0x1  }
0x163: {  	[tilespmem:s21+$0x0] =	vst v10  }
0x164: {  	v10 =	vld.idx.msk [tilespmem:v12+s16+$0x0], $0xffff  }
0x165: {  	v11 =	vld [tilespmem:s21+$0x80];
	_ =	sdelay $0x2  }
0x166: {  	v12 =	vor.u32 $0x100, v7;
	_ =	sdelay $0x1  }
0x167: {  	v10 =	vmul.f32 v10, v9;
	v11 =	vmul.f32 v11, v8;
	_ =	sdelay $0x1  }
0x168: {  	v10 =	vadd.f32 v10, v11;
	_ =	sdelay $0x1  }
0x169: {  	[tilespmem:s21+$0x80] =	vst v10  }
0x16a: {  	v10 =	vld.idx.msk [tilespmem:v12+s16+$0x0], $0xffff  }
0x16b: {  	v11 =	vld [tilespmem:s21+$0x100];
	_ =	sdelay $0x2  }
0x16c: {  	v12 =	vor.u32 $0x180, v7;
	_ =	sdelay $0x1  }
0x16d: {  	v10 =	vmul.f32 v10, v9;
	v11 =	vmul.f32 v11, v8;
	_ =	sdelay $0x1  }
0x16e: {  	v10 =	vadd.f32 v10, v11;
	_ =	sdelay $0x1  }
0x16f: {  	[tilespmem:s21+$0x100] =	vst v10  }
0x170: {  	v10 =	vld.idx.msk [tilespmem:v12+s16+$0x0], $0xffff  }
0x171: {  	v11 =	vld [tilespmem:s21+$0x180];
	_ =	sdelay $0x2  }
0x172: {  	v12 =	vor.u32 $0x200, v7;
	_ =	sdelay $0x1  }
0x173: {  	v10 =	vmul.f32 v10, v9;
	v11 =	vmul.f32 v11, v8;
	_ =	sdelay $0x1  }
0x174: {  	v10 =	vadd.f32 v10, v11;
	_ =	sdelay $0x1  }
0x175: {  	[tilespmem:s21+$0x180] =	vst v10  }
0x176: {  	v10 =	vld.idx.msk [tilespmem:v12+s16+$0x0], $0xffff  }
0x177: {  	v11 =	vld [tilespmem:s21+$0x200];
	_ =	sdelay $0x2  }
0x178: {  	v12 =	vor.u32 $0x280, v7;
	_ =	sdelay $0x1  }
0x179: {  	v10 =	vmul.f32 v10, v9;
	v11 =	vmul.f32 v11, v8;
	_ =	sdelay $0x1  }
0x17a: {  	v10 =	vadd.f32 v10, v11;
	_ =	sdelay $0x1  }
0x17b: {  	[tilespmem:s21+$0x200] =	vst v10  }
0x17c: {  	v10 =	vld.idx.msk [tilespmem:v12+s16+$0x0], $0xffff  }
0x17d: {  	v11 =	vld [tilespmem:s21+$0x280];
	_ =	sdelay $0x2  }
0x17e: {  	v7 =	vor.u32 $0x300, v7;
	_ =	sdelay $0x1  }
0x17f: {  	v10 =	vmul.f32 v10, v9;
	v11 =	vmul.f32 v11, v8;
	_ =	sdelay $0x1  }
0x180: {  	v10 =	vadd.f32 v10, v11;
	_ =	sdelay $0x1  }
0x181: {  	[tilespmem:s21+$0x280] =	vst v10  }
0x182: {  	v7 =	vld.idx.msk [tilespmem:v7+s16+$0x0], $0xffff  }
0x183: {  	v10 =	vld [tilespmem:s21+$0x300];
	_ =	sdelay $0x2  }
0x184: {  	v6 =	vor.u32 $0x380, v6;
	_ =	sdelay $0x1  }
0x185: {  	v7 =	vmul.f32 v7, v9;
	v10 =	vmul.f32 v10, v8;
	_ =	sdelay $0x1  }
0x186: {  	v7 =	vadd.f32 v7, v10;
	_ =	sdelay $0x1  }
0x187: {  	[tilespmem:s21+$0x300] =	vst v7;
	s21 =	sor.u32 s17, s18;
	s18 =	smov.u32 s20  }
0x188: {  	s22 =	sor.u32 $0x380, s21;
	v10 =	vld.idx.msk [tilespmem:v6+s16+$0x0], $0xffff  }
0x189: {  	v11 =	vld [tilespmem:s22+$0x0]  }
.Ltmp6:
0x18a: {  	(pc) =	sbr.rel @p3 .LBB2_10-.Ltmp6, $4  }
0x18b: {  	v6 =	vmov s18;
	v7 =	vor.u32 s18, v2  }
0x18c: {  	v7 =	vand.u32 $0x7F, v7;
	v6 =	vshll.u32 v6, $0x3  }
0x18d: {  	v12 =	vand.u32 $0x1C00, v6;
	v6 =	vor.u32 v7, v6  }
0x18e: {  	s17 =	sadd.s32 $0x80, s17;
	v7 =	vor.u32 v7, v12;
	v9 =	vmul.f32 v10, v9;
	v8 =	vmul.f32 v11, v8  }
.LBB2_11:
0x18f: {  	_ = 	snop  }
0x190: {  	v8 =	vadd.f32 @p2 v9, v8  }
0x191: {  	s19 =	sand.u32 $0x70, s18;
	s20 =	sand.u32 $0x1C00, s17  }
0x192: {  	s19 =	sor.u32 s20, s19;
	[tilespmem:s22+$0x0] =	vst @p2 v8  }
0x193: {  	v8 =	vld [tilespmem:s19+$0x2100]  }
0x194: {  	v53 =	vld [tilespmem:s19+$0x6100]  }
0x195: {  	v10 =	vld.idx.msk [tilespmem:v7+s16+$0x0], $0xffff  }
0x196: {  	v11 =	vld [tilespmem:s19+$0x0];
	_ =	sdelay $0x4  }
0x197: {  	v12 =	vor.u32 $0x80, v7;
	v11 =	vmul.f32 v11, v8;
	v10 =	vmul.f32 v10, v53;
	_ =	sdelay $0x1  }
0x198: {  	v10 =	vadd.f32 v10, v11;
	_ =	sdelay $0x1  }
0x199: {  	v54 =	vld [tilespmem:s19+$0x80];
	[tilespmem:s19+$0x0] =	vst v10  }
0x19a: {  	v10 =	vld.idx.msk [tilespmem:v12+s16+$0x0], $0xffff;
	_ =	sdelay $0x4  }
0x19b: {  	v55 =	vor.u32 $0x100, v7;
	v11 =	vmul.f32 v54, v8;
	v10 =	vmul.f32 v10, v53;
	_ =	sdelay $0x1  }
0x19c: {  	v10 =	vadd.f32 v10, v11;
	_ =	sdelay $0x1  }
0x19d: {  	v56 =	vld [tilespmem:s19+$0x100];
	[tilespmem:s19+$0x80] =	vst v10  }
0x19e: {  	v10 =	vld.idx.msk [tilespmem:v55+s16+$0x0], $0xffff;
	_ =	sdelay $0x4  }
0x19f: {  	v57 =	vor.u32 $0x180, v7;
	v11 =	vmul.f32 v56, v8;
	v10 =	vmul.f32 v10, v53;
	_ =	sdelay $0x1  }
0x1a0: {  	v10 =	vadd.f32 v10, v11;
	_ =	sdelay $0x1  }
0x1a1: {  	v58 =	vld [tilespmem:s19+$0x180];
	[tilespmem:s19+$0x100] =	vst v10  }
0x1a2: {  	v10 =	vld.idx.msk [tilespmem:v57+s16+$0x0], $0xffff;
	_ =	sdelay $0x4  }
0x1a3: {  	v59 =	vor.u32 $0x200, v7;
	v11 =	vmul.f32 v58, v8;
	v10 =	vmul.f32 v10, v53;
	_ =	sdelay $0x1  }
0x1a4: {  	v10 =	vadd.f32 v10, v11;
	_ =	sdelay $0x1  }
0x1a5: {  	v60 =	vld [tilespmem:s19+$0x200];
	[tilespmem:s19+$0x180] =	vst v10  }
0x1a6: {  	v10 =	vld.idx.msk [tilespmem:v59+s16+$0x0], $0xffff;
	_ =	sdelay $0x4  }
0x1a7: {  	v61 =	vor.u32 $0x280, v7;
	v11 =	vmul.f32 v60, v8;
	v10 =	vmul.f32 v10, v53;
	_ =	sdelay $0x1  }
0x1a8: {  	v10 =	vadd.f32 v10, v11;
	_ =	sdelay $0x1  }
0x1a9: {  	v62 =	vld [tilespmem:s19+$0x280];
	[tilespmem:s19+$0x200] =	vst v10  }
0x1aa: {  	v10 =	vld.idx.msk [tilespmem:v61+s16+$0x0], $0xffff;
	_ =	sdelay $0x4  }
0x1ab: {  	v7 =	vor.u32 $0x300, v7;
	v11 =	vmul.f32 v62, v8;
	v10 =	vmul.f32 v10, v53;
	_ =	sdelay $0x1  }
0x1ac: {  	v10 =	vadd.f32 v10, v11;
	_ =	sdelay $0x1  }
0x1ad: {  	v63 =	vld [tilespmem:s19+$0x300];
	[tilespmem:s19+$0x280] =	vst v10  }
0x1ae: {  	v7 =	vld.idx.msk [tilespmem:v7+s16+$0x0], $0xffff;
	_ =	sdelay $0x4  }
0x1af: {  	v6 =	vor.u32 $0x380, v6;
	v10 =	vmul.f32 v63, v8;
	v7 =	vmul.f32 v7, v53;
	_ =	sdelay $0x1  }
0x1b0: {  	v7 =	vadd.f32 v7, v10;
	_ =	sdelay $0x1  }
0x1b1: {  	s31 =	sor.u32 s17, s18;
	[tilespmem:s19+$0x300] =	vst v7  }
0x1b2: {  	s17 =	sor.u32 $0x380, s31;
	v6 =	vld.idx.msk [tilespmem:v6+s16+$0x0], $0xffff  }
0x1b3: {  	v7 =	vld [tilespmem:s17+$0x0];
	_ =	sdelay $0x4  }
.Ltmp7:
0x1b4: {  	v7 =	vmul.f32 v7, v8;
	v6 =	vmul.f32 v6, v53;
	(pc) =	sbr.rel @!p1 .LBB2_12-.Ltmp7, $4  }
0x1b5: {  	_ = 	snop  }
0x1b6: {  	v6 =	vadd.f32 v6, v7;
	v7 =	vor.u32 s16, v3  }
0x1b7: {  	v7 =	vand.u32 $0x7F, v7  }
0x1b8: {  	[tilespmem:s17+$0x0] =	vst v6;
	v4 =	vor.u32 v7, v4;
	v5 =	vor.u32 v7, v5  }
0x1b9: {  	s17 =	sand.u32 $0x70, s16;
	s18 =	sand.u32 $0x1C00, s16  }
0x1ba: {  	s18 =	sor.u32 s18, s17  }
0x1bb: {  	v6 =	vld [tilespmem:s18+$0x2180]  }
0x1bc: {  	s17 =	simm.s32 $0x0;
	v7 =	vld [tilespmem:s18+$0x6180]  }
0x1bd: {  	v8 =	vld.idx.msk [tilespmem:v5+s17+$0x0], $0xffff  }
0x1be: {  	v9 =	vld [tilespmem:s18+$0x0];
	_ =	sdelay $0x4  }
0x1bf: {  	v10 =	vor.u32 $0x80, v5;
	v9 =	vmul.f32 v9, v6;
	v8 =	vmul.f32 v8, v7;
	_ =	sdelay $0x1  }
0x1c0: {  	v8 =	vadd.f32 v8, v9;
	_ =	sdelay $0x1  }
0x1c1: {  	v53 =	vld [tilespmem:s18+$0x80];
	[tilespmem:s18+$0x0] =	vst v8  }
0x1c2: {  	v8 =	vld.idx.msk [tilespmem:v10+s17+$0x0], $0xffff;
	_ =	sdelay $0x4  }
0x1c3: {  	v54 =	vor.u32 $0x100, v5;
	v9 =	vmul.f32 v53, v6;
	v8 =	vmul.f32 v8, v7;
	_ =	sdelay $0x1  }
0x1c4: {  	v8 =	vadd.f32 v8, v9;
	_ =	sdelay $0x1  }
0x1c5: {  	v55 =	vld [tilespmem:s18+$0x100];
	[tilespmem:s18+$0x80] =	vst v8  }
0x1c6: {  	v8 =	vld.idx.msk [tilespmem:v54+s17+$0x0], $0xffff;
	_ =	sdelay $0x4  }
0x1c7: {  	v56 =	vor.u32 $0x180, v5;
	v9 =	vmul.f32 v55, v6;
	v8 =	vmul.f32 v8, v7;
	_ =	sdelay $0x1  }
0x1c8: {  	v8 =	vadd.f32 v8, v9;
	_ =	sdelay $0x1  }
0x1c9: {  	v57 =	vld [tilespmem:s18+$0x180];
	[tilespmem:s18+$0x100] =	vst v8  }
0x1ca: {  	v8 =	vld.idx.msk [tilespmem:v56+s17+$0x0], $0xffff;
	_ =	sdelay $0x4  }
0x1cb: {  	v58 =	vor.u32 $0x200, v5;
	v9 =	vmul.f32 v57, v6;
	v8 =	vmul.f32 v8, v7;
	_ =	sdelay $0x1  }
0x1cc: {  	v8 =	vadd.f32 v8, v9;
	_ =	sdelay $0x1  }
0x1cd: {  	v59 =	vld [tilespmem:s18+$0x200];
	[tilespmem:s18+$0x180] =	vst v8  }
0x1ce: {  	v8 =	vld.idx.msk [tilespmem:v58+s17+$0x0], $0xffff;
	_ =	sdelay $0x4  }
0x1cf: {  	v60 =	vor.u32 $0x280, v5;
	v9 =	vmul.f32 v59, v6;
	v8 =	vmul.f32 v8, v7;
	_ =	sdelay $0x1  }
0x1d0: {  	v8 =	vadd.f32 v8, v9;
	_ =	sdelay $0x1  }
0x1d1: {  	v61 =	vld [tilespmem:s18+$0x280];
	[tilespmem:s18+$0x200] =	vst v8  }
0x1d2: {  	v8 =	vld.idx.msk [tilespmem:v60+s17+$0x0], $0xffff;
	_ =	sdelay $0x4  }
0x1d3: {  	v5 =	vor.u32 $0x300, v5;
	v9 =	vmul.f32 v61, v6;
	v8 =	vmul.f32 v8, v7;
	_ =	sdelay $0x1  }
0x1d4: {  	v8 =	vadd.f32 v8, v9;
	_ =	sdelay $0x1  }
0x1d5: {  	[tilespmem:s18+$0x280] =	vst v8;
	v8 =	vld [tilespmem:s18+$0x300]  }
0x1d6: {  	v5 =	vld.idx.msk [tilespmem:v5+s17+$0x0], $0xffff;
	_ =	sdelay $0x4  }
0x1d7: {  	v4 =	vor.u32 $0x380, v4;
	v8 =	vmul.f32 v8, v6;
	v5 =	vmul.f32 v5, v7;
	_ =	sdelay $0x1  }
0x1d8: {  	v5 =	vadd.f32 v5, v8;
	_ =	sdelay $0x1  }
0x1d9: {  	s31 =	sor.u32 s16, s16;
	[tilespmem:s18+$0x300] =	vst v5  }
0x1da: {  	s21 =	sor.u32 $0x380, s31;
	v8 =	vld.idx.msk [tilespmem:v4+s17+$0x0], $0xffff  }
0x1db: {  	p1 =	por $0x1, $0x1;
	v62 =	vld [tilespmem:s21+$0x0]  }
.Ltmp8:
0x1dc: {  	_ = 	snop;
	(pc) =	sbr.rel @!p1 .LBB2_14-.Ltmp8, $4  }
0x1dd: {  	v5 =	vor.u32 s15, v3;
	v4 =	vmov s15  }
0x1de: {  	v5 =	vand.u32 $0x7F, v5;
	v4 =	vshll.u32 v4, $0x3  }
0x1df: {  	v63 =	vand.u32 $0x1C00, v4;
	v4 =	vor.u32 v5, v4  }
0x1e0: {  	s16 =	simm.s32 $0x20;
	p0 =	por $0x1, $0x1;
	s18 =	simm.s32 $0x80;
	v5 =	vor.u32 v5, v63;
	v6 =	vmul.f32 v62, v6;
	v7 =	vmul.f32 v8, v7  }
.LBB2_15:
0x1e1: {  	_ = 	snop  }
0x1e2: {  	p1 =	sne.s32 s16, $0x3F0;
	s19 =	smov.u32 s16;
	s16 =	sadd.s32 $0x10, s16;
	v6 =	vadd.f32 v7, v6  }
0x1e3: {  	s20 =	sand.u32 $0x70, s15;
	s22 =	sand.u32 $0x1C00, s18  }
0x1e4: {  	s20 =	sor.u32 s22, s20;
	[tilespmem:s21+$0x0] =	vst v6  }
0x1e5: {  	v6 =	vld [tilespmem:s20+$0x2180]  }
0x1e6: {  	v7 =	vld [tilespmem:s20+$0x6180]  }
0x1e7: {  	v8 =	vld.idx.msk [tilespmem:v5+s17+$0x0], $0xffff  }
0x1e8: {  	v9 =	vld [tilespmem:s20+$0x0];
	_ =	sdelay $0x2  }
0x1e9: {  	v10 =	vor.u32 $0x80, v5;
	_ =	sdelay $0x1  }
0x1ea: {  	v8 =	vmul.f32 v8, v7;
	v9 =	vmul.f32 v9, v6;
	_ =	sdelay $0x1  }
0x1eb: {  	v8 =	vadd.f32 v8, v9;
	_ =	sdelay $0x1  }
0x1ec: {  	[tilespmem:s20+$0x0] =	vst v8  }
0x1ed: {  	v8 =	vld.idx.msk [tilespmem:v10+s17+$0x0], $0xffff  }
0x1ee: {  	v9 =	vld [tilespmem:s20+$0x80];
	_ =	sdelay $0x2  }
0x1ef: {  	v10 =	vor.u32 $0x100, v5;
	_ =	sdelay $0x1  }
0x1f0: {  	v8 =	vmul.f32 v8, v7;
	v9 =	vmul.f32 v9, v6;
	_ =	sdelay $0x1  }
0x1f1: {  	v8 =	vadd.f32 v8, v9;
	_ =	sdelay $0x1  }
0x1f2: {  	[tilespmem:s20+$0x80] =	vst v8  }
0x1f3: {  	v8 =	vld.idx.msk [tilespmem:v10+s17+$0x0], $0xffff  }
0x1f4: {  	v9 =	vld [tilespmem:s20+$0x100];
	_ =	sdelay $0x2  }
0x1f5: {  	v10 =	vor.u32 $0x180, v5;
	_ =	sdelay $0x1  }
0x1f6: {  	v8 =	vmul.f32 v8, v7;
	v9 =	vmul.f32 v9, v6;
	_ =	sdelay $0x1  }
0x1f7: {  	v8 =	vadd.f32 v8, v9;
	_ =	sdelay $0x1  }
0x1f8: {  	[tilespmem:s20+$0x100] =	vst v8  }
0x1f9: {  	v8 =	vld.idx.msk [tilespmem:v10+s17+$0x0], $0xffff  }
0x1fa: {  	v9 =	vld [tilespmem:s20+$0x180];
	_ =	sdelay $0x2  }
0x1fb: {  	v10 =	vor.u32 $0x200, v5;
	_ =	sdelay $0x1  }
0x1fc: {  	v8 =	vmul.f32 v8, v7;
	v9 =	vmul.f32 v9, v6;
	_ =	sdelay $0x1  }
0x1fd: {  	v8 =	vadd.f32 v8, v9;
	_ =	sdelay $0x1  }
0x1fe: {  	[tilespmem:s20+$0x180] =	vst v8  }
0x1ff: {  	v8 =	vld.idx.msk [tilespmem:v10+s17+$0x0], $0xffff  }
0x200: {  	v9 =	vld [tilespmem:s20+$0x200];
	_ =	sdelay $0x2  }
0x201: {  	v10 =	vor.u32 $0x280, v5;
	_ =	sdelay $0x1  }
0x202: {  	v8 =	vmul.f32 v8, v7;
	v9 =	vmul.f32 v9, v6;
	_ =	sdelay $0x1  }
0x203: {  	v8 =	vadd.f32 v8, v9;
	_ =	sdelay $0x1  }
0x204: {  	[tilespmem:s20+$0x200] =	vst v8  }
0x205: {  	v8 =	vld.idx.msk [tilespmem:v10+s17+$0x0], $0xffff  }
0x206: {  	v9 =	vld [tilespmem:s20+$0x280];
	_ =	sdelay $0x2  }
0x207: {  	v5 =	vor.u32 $0x300, v5;
	_ =	sdelay $0x1  }
0x208: {  	v8 =	vmul.f32 v8, v7;
	v9 =	vmul.f32 v9, v6;
	_ =	sdelay $0x1  }
0x209: {  	v8 =	vadd.f32 v8, v9;
	_ =	sdelay $0x1  }
0x20a: {  	[tilespmem:s20+$0x280] =	vst v8  }
0x20b: {  	v5 =	vld.idx.msk [tilespmem:v5+s17+$0x0], $0xffff  }
0x20c: {  	v8 =	vld [tilespmem:s20+$0x300];
	_ =	sdelay $0x2  }
0x20d: {  	v4 =	vor.u32 $0x380, v4;
	_ =	sdelay $0x1  }
0x20e: {  	v5 =	vmul.f32 v5, v7;
	v8 =	vmul.f32 v8, v6;
	_ =	sdelay $0x1  }
0x20f: {  	v5 =	vadd.f32 v5, v8;
	_ =	sdelay $0x1  }
0x210: {  	[tilespmem:s20+$0x300] =	vst v5;
	s20 =	sor.u32 s18, s15;
	s15 =	smov.u32 s19  }
0x211: {  	s21 =	sor.u32 $0x380, s20;
	v8 =	vld.idx.msk [tilespmem:v4+s17+$0x0], $0xffff  }
0x212: {  	v9 =	vld [tilespmem:s21+$0x0]  }
.Ltmp9:
0x213: {  	(pc) =	sbr.rel @p1 .LBB2_15-.Ltmp9, $4  }
0x214: {  	v4 =	vmov s15;
	v5 =	vor.u32 s15, v3  }
0x215: {  	v5 =	vand.u32 $0x7F, v5;
	v4 =	vshll.u32 v4, $0x3  }
0x216: {  	v10 =	vand.u32 $0x1C00, v4;
	v4 =	vor.u32 v5, v4  }
0x217: {  	s18 =	sadd.s32 $0x80, s18;
	v5 =	vor.u32 v5, v10;
	v7 =	vmul.f32 v8, v7;
	v6 =	vmul.f32 v9, v6  }
0x218: {  	s16 =	smov.u32 s15  }
.LBB2_17:
0x219: {  	v6 =	vadd.f32 @p0 v7, v6  }
0x21a: {  	s15 =	sand.u32 $0x70, s16;
	s17 =	sand.u32 $0x1C00, s18  }
0x21b: {  	s15 =	sor.u32 s17, s15;
	[tilespmem:s21+$0x0] =	vst @p0 v6  }
0x21c: {  	v6 =	vld [tilespmem:s15+$0x2180]  }
0x21d: {  	s17 =	simm.s32 $0x0;
	v53 =	vld [tilespmem:s15+$0x6180]  }
0x21e: {  	v8 =	vld.idx.msk [tilespmem:v5+s17+$0x0], $0xffff  }
0x21f: {  	v9 =	vld [tilespmem:s15+$0x0];
	_ =	sdelay $0x4  }
0x220: {  	v10 =	vor.u32 $0x80, v5;
	v9 =	vmul.f32 v9, v6;
	v8 =	vmul.f32 v8, v53;
	_ =	sdelay $0x1  }
0x221: {  	v8 =	vadd.f32 v8, v9;
	_ =	sdelay $0x1  }
0x222: {  	v54 =	vld [tilespmem:s15+$0x80];
	[tilespmem:s15+$0x0] =	vst v8  }
0x223: {  	v8 =	vld.idx.msk [tilespmem:v10+s17+$0x0], $0xffff;
	_ =	sdelay $0x4  }
0x224: {  	v55 =	vor.u32 $0x100, v5;
	v9 =	vmul.f32 v54, v6;
	v8 =	vmul.f32 v8, v53;
	_ =	sdelay $0x1  }
0x225: {  	v8 =	vadd.f32 v8, v9;
	_ =	sdelay $0x1  }
0x226: {  	v56 =	vld [tilespmem:s15+$0x100];
	[tilespmem:s15+$0x80] =	vst v8  }
0x227: {  	v8 =	vld.idx.msk [tilespmem:v55+s17+$0x0], $0xffff;
	_ =	sdelay $0x4  }
0x228: {  	v57 =	vor.u32 $0x180, v5;
	v9 =	vmul.f32 v56, v6;
	v8 =	vmul.f32 v8, v53;
	_ =	sdelay $0x1  }
0x229: {  	v8 =	vadd.f32 v8, v9;
	_ =	sdelay $0x1  }
0x22a: {  	v58 =	vld [tilespmem:s15+$0x180];
	[tilespmem:s15+$0x100] =	vst v8  }
0x22b: {  	v8 =	vld.idx.msk [tilespmem:v57+s17+$0x0], $0xffff;
	_ =	sdelay $0x4  }
0x22c: {  	v59 =	vor.u32 $0x200, v5;
	v9 =	vmul.f32 v58, v6;
	v8 =	vmul.f32 v8, v53;
	_ =	sdelay $0x1  }
0x22d: {  	v8 =	vadd.f32 v8, v9;
	_ =	sdelay $0x1  }
0x22e: {  	v60 =	vld [tilespmem:s15+$0x200];
	[tilespmem:s15+$0x180] =	vst v8  }
0x22f: {  	v8 =	vld.idx.msk [tilespmem:v59+s17+$0x0], $0xffff;
	_ =	sdelay $0x4  }
0x230: {  	v61 =	vor.u32 $0x280, v5;
	v9 =	vmul.f32 v60, v6;
	v8 =	vmul.f32 v8, v53;
	_ =	sdelay $0x1  }
0x231: {  	v8 =	vadd.f32 v8, v9;
	_ =	sdelay $0x1  }
0x232: {  	v62 =	vld [tilespmem:s15+$0x280];
	[tilespmem:s15+$0x200] =	vst v8  }
0x233: {  	v8 =	vld.idx.msk [tilespmem:v61+s17+$0x0], $0xffff;
	_ =	sdelay $0x4  }
0x234: {  	v5 =	vor.u32 $0x300, v5;
	v9 =	vmul.f32 v62, v6;
	v8 =	vmul.f32 v8, v53;
	_ =	sdelay $0x1  }
0x235: {  	v8 =	vadd.f32 v8, v9;
	_ =	sdelay $0x1  }
0x236: {  	v63 =	vld [tilespmem:s15+$0x300];
	[tilespmem:s15+$0x280] =	vst v8  }
0x237: {  	v5 =	vld.idx.msk [tilespmem:v5+s17+$0x0], $0xffff;
	_ =	sdelay $0x4  }
0x238: {  	v4 =	vor.u32 $0x380, v4;
	v8 =	vmul.f32 v63, v6;
	v5 =	vmul.f32 v5, v53;
	_ =	sdelay $0x1  }
0x239: {  	v5 =	vadd.f32 v5, v8;
	_ =	sdelay $0x1  }
0x23a: {  	s31 =	sor.u32 s18, s16;
	[tilespmem:s15+$0x300] =	vst v5  }
0x23b: {  	s15 =	sor.u32 $0x380, s31;
	v4 =	vld.idx.msk [tilespmem:v4+s17+$0x0], $0xffff  }
0x23c: {  	v5 =	vld [tilespmem:s15+$0x0];
	_ =	sdelay $0x4  }
0x23d: {  	v5 =	vmul.f32 v5, v6;
	v4 =	vmul.f32 v4, v53;
	_ =	sdelay $0x1  }
0x23e: {  	v4 =	vadd.f32 v4, v5;
	_ =	sdelay $0x1  }
0x23f: {  	s16 =	simm.s32 $0x0;
	s18 =	simm.s32 $0x0;
	[tilespmem:s15+$0x0] =	vst v4;
	s15 =	simm.s32 $0x0  }
.LBB2_18:
0x240: {  	s19 =	sand.u32 $0x60, s18;
	s20 =	sand.u32 $0x1C00, s16  }
0x241: {  	s19 =	sor.u32 s19, s20  }
0x242: {  	v4 =	vld [tilespmem:s19+$0x2210]  }
0x243: {  	v5 =	vld [tilespmem:s19+$0x6210]  }
0x244: {  	v6 =	vld [tilespmem:s19+$0x0]  }
0x245: {  	v7 =	vld [tilespmem:s19+$0x10]  }
0x246: {  	v8 =	vld [tilespmem:s19+$0x80]  }
0x247: {  	v9 =	vld [tilespmem:s19+$0x90]  }
0x248: {  	v10 =	vld [tilespmem:s19+$0x100]  }
0x249: {  	v11 =	vld [tilespmem:s19+$0x110]  }
0x24a: {  	v14 =	vld [tilespmem:s19+$0x180];
	v12 =	vmul.f32 v6, v4;
	v13 =	vmul.f32 v7, v5  }
0x24b: {  	v15 =	vld [tilespmem:s19+$0x190];
	v7 =	vmul.f32 v7, v4;
	v6 =	vmul.f32 v6, v5  }
0x24c: {  	v17 =	vld [tilespmem:s19+$0x200];
	v27 =	vmul.f32 v8, v4;
	v16 =	vmul.f32 v9, v5;
	v12 =	vsub.f32 v12, v13  }
0x24d: {  	v29 =	vld [tilespmem:s19+$0x210];
	v28 =	vmul.f32 v9, v4;
	v8 =	vmul.f32 v8, v5;
	v6 =	vadd.f32 v7, v6  }
0x24e: {  	v18 =	vld [tilespmem:s19+$0x280];
	v31 =	vmul.f32 v10, v4;
	v32 =	vmul.f32 v11, v5;
	v30 =	vsub.f32 v27, v16;
	[tilespmem:s19+$0x0] =	vst v12  }
0x24f: {  	v36 =	vld [tilespmem:s19+$0x290];
	v34 =	vmul.f32 v11, v4;
	v35 =	vmul.f32 v10, v5;
	v33 =	vadd.f32 v28, v8;
	[tilespmem:s19+$0x10] =	vst v6  }
0x250: {  	v38 =	vmul.f32 v14, v4;
	v39 =	vmul.f32 v15, v5;
	v37 =	vsub.f32 v31, v32;
	[tilespmem:s19+$0x80] =	vst v30  }
0x251: {  	v41 =	vmul.f32 v15, v4;
	v42 =	vmul.f32 v14, v5;
	v40 =	vadd.f32 v34, v35;
	[tilespmem:s19+$0x90] =	vst v33  }
0x252: {  	v44 =	vmul.f32 v17, v4;
	v45 =	vmul.f32 v29, v5;
	v43 =	vsub.f32 v38, v39;
	[tilespmem:s19+$0x100] =	vst v37  }
0x253: {  	v47 =	vmul.f32 v29, v4;
	v48 =	vmul.f32 v17, v5;
	v46 =	vadd.f32 v41, v42;
	[tilespmem:s19+$0x110] =	vst v40  }
0x254: {  	v50 =	vmul.f32 v18, v4;
	v51 =	vmul.f32 v36, v5;
	v49 =	vsub.f32 v44, v45;
	[tilespmem:s19+$0x180] =	vst v43  }
0x255: {  	v53 =	vmul.f32 v36, v4;
	v54 =	vmul.f32 v18, v5;
	v52 =	vadd.f32 v47, v48;
	[tilespmem:s19+$0x190] =	vst v46  }
0x256: {  	s29 =	sand.u32 $0x3, s15;
	v55 =	vsub.f32 v50, v51;
	[tilespmem:s19+$0x200] =	vst v49  }
0x257: {  	s20 =	sshll.u32 s29, $0x5;
	v56 =	vadd.f32 v53, v54;
	[tilespmem:s19+$0x210] =	vst v52  }
0x258: {  	s20 =	sadd.s32 s20, s16;
	[tilespmem:s19+$0x280] =	vst v55  }
0x259: {  	s30 =	sor.u32 $0x300, s20;
	s20 =	sadd.s32 $0x10, s20;
	[tilespmem:s19+$0x290] =	vst v56  }
0x25a: {  	s21 =	sor.u32 $0x300, s20;
	v6 =	vld [tilespmem:s30+$0x0]  }
0x25b: {  	v57 =	vld [tilespmem:s21+$0x0];
	_ =	sdelay $0x4  }
0x25c: {  	v58 =	vmul.f32 v6, v4;
	v59 =	vmul.f32 v57, v5  }
0x25d: {  	v7 =	vmul.f32 v57, v4;
	v6 =	vmul.f32 v6, v5  }
0x25e: {  	v8 =	vsub.f32 v58, v59  }
0x25f: {  	v6 =	vadd.f32 v7, v6  }
0x260: {  	s31 =	sor.u32 s16, s18;
	[tilespmem:s30+$0x0] =	vst v8  }
0x261: {  	s19 =	sor.u32 $0x380, s31;
	[tilespmem:s21+$0x0] =	vst v6  }
0x262: {  	s20 =	sor.u32 $0x380, s20;
	v6 =	vld [tilespmem:s19+$0x0]  }
0x263: {  	v60 =	vld [tilespmem:s20+$0x0];
	_ =	sdelay $0x4  }
0x264: {  	p0 =	sne.s32 s18, $0x3E0;
	v61 =	vmul.f32 v6, v4;
	v62 =	vmul.f32 v60, v5  }
.Ltmp10:
0x265: {  	v4 =	vmul.f32 v60, v4;
	v5 =	vmul.f32 v6, v5;
	(pc) =	sbr.rel @p0 .LBB2_18-.Ltmp10, $4  }
0x266: {  	v63 =	vsub.f32 v61, v62  }
0x267: {  	v4 =	vadd.f32 v4, v5  }
0x268: {  	[tilespmem:s19+$0x0] =	vst v63  }
0x269: {  	s15 =	sadd.s32 $0x1, s15;
	s18 =	sadd.s32 $0x20, s18;
	s16 =	sadd.s32 $0x100, s16;
	[tilespmem:s20+$0x0] =	vst v4  }
0x26a: {  	p0 =	por $0x0, $0x0  }
0x26b: {  	s15 =	simm.s32 $0x1;
	s16 =	simm.s32 $0x0;
	s18 =	sand.u32 $0x3C, s17  }
0x26c: {  	s19 =	sand.u32 $0x1, s17;
	p1 =	por $0x1, $0x1;
	s20 =	sand.u32 $0x1C00, s17  }
.Ltmp11:
0x26d: {  	s15 =	simm.s32 @!p0 $0x0;
	s18 =	sor.u32 s19, s18;
	(pc) =	sbr.rel @!p1 .LBB2_21-.Ltmp11, $4  }
0x26e: {  	s16 =	sand.u32 $0x40, s16;
	s15 =	sshll.u32 s15, $0x4;
	s18 =	sshll.u32 s18, $0x4  }
0x26f: {  	s21 =	simm.s32 $0x1;
	s15 =	sor.u32 s15, s16;
	s31 =	sand.u32 $0x50, s18  }
0x270: {  	s22 =	simm.s32 $0x0;
	s19 =	sadd.s32 $0x0, s15;
	s20 =	sor.u32 s31, s20  }
0x271: {  	s18 =	sor.u32 s18, s17;
	s15 =	simm.s32 $0x0;
	s16 =	sadd.s32 $0x20, s19;
	v4 =	vld [tilespmem:s20+$0x62A0]  }
.LBB2_20:
0x272: {  	s17 =	sadd.s32 $0x100, s17;
	s22 =	sadd.s32 $0x2, s22  }
0x273: {  	v6 =	vld [tilespmem:s20+$0x80];
	p0 =	por !p0, !p0;
	s25 =	smov.u32 s21;
	s23 =	simm.s32 $0x1  }
0x274: {  	p1 =	sne.s32 s21, $0x1F;
	s21 =	sadd.s32 $0x1, s21;
	s23 =	simm.s32 @!p0 $0x0;
	v5 =	vld [tilespmem:s20+$0x22A0]  }
0x275: {  	s24 =	sshll.u32 s22, $0x4;
	v7 =	vld [tilespmem:s20+$0x0]  }
0x276: {  	s24 =	sand.u32 $0x40, s24;
	s23 =	sshll.u32 s23, $0x4;
	v8 =	vld [tilespmem:s20+$0x280]  }
0x277: {  	s23 =	sor.u32 s23, s24;
	v9 =	vld [tilespmem:s20+$0x120]  }
0x278: {  	s24 =	sadd.s32 s23, s17;
	v10 =	vmul.f32 v6, v4;
	v11 =	vld [tilespmem:s20+$0x180]  }
0x279: {  	s23 =	sadd.s32 $0x20, s24;
	v12 =	vld [tilespmem:s20+$0x2A0]  }
0x27a: {  	v13 =	vmul.f32 v7, v5;
	v7 =	vmul.f32 v7, v4;
	v14 =	vld [tilespmem:s20+$0xA0]  }
0x27b: {  	v15 =	vld [tilespmem:s20+$0x1A0];
	v16 =	vmul.f32 v8, v4  }
0x27c: {  	v6 =	vmul.f32 v6, v5;
	v17 =	vld [tilespmem:s20+$0x100];
	v18 =	vmul.f32 v9, v4  }
0x27d: {  	v8 =	vmul.f32 v8, v5;
	v19 =	vmul.f32 v11, v4  }
0x27e: {  	v20 =	vld [tilespmem:s20+$0x220];
	v21 =	vmul.f32 v12, v4;
	v12 =	vmul.f32 v12, v5  }
0x27f: {  	v22 =	vmul.f32 v14, v4;
	v14 =	vmul.f32 v14, v5;
	v23 =	vld [tilespmem:s20+$0x200]  }
0x280: {  	v24 =	vld [tilespmem:s20+$0x20];
	v25 =	vmul.f32 v15, v4;
	v15 =	vmul.f32 v15, v5;
	v12 =	vadd.f32 v12, v16  }
0x281: {  	v11 =	vmul.f32 v11, v5;
	v6 =	vsub.f32 v6, v22;
	v10 =	vadd.f32 v14, v10  }
0x282: {  	v9 =	vmul.f32 v9, v5;
	v14 =	vmul.f32 v17, v4;
	v15 =	vadd.f32 v15, v19;
	[tilespmem:s20+$0x2A0] =	vst v12  }
0x283: {  	s26 =	sand.u32 $0x3C, s22;
	s25 =	sand.u32 $0x1, s25;
	v11 =	vsub.f32 v11, v25;
	[tilespmem:s20+$0x80] =	vst v6;
	v6 =	vmul.f32 v17, v5;
	v12 =	vmul.f32 v20, v4  }
0x284: {  	s25 =	sor.u32 s25, s26;
	v9 =	vadd.f32 v9, v14;
	[tilespmem:s20+$0xA0] =	vst v10;
	v10 =	vmul.f32 v23, v5;
	v14 =	vmul.f32 v23, v4  }
0x285: {  	s25 =	sshll.u32 s25, $0x4;
	v8 =	vsub.f32 v8, v21;
	v6 =	vsub.f32 v6, v18;
	[tilespmem:s20+$0x180] =	vst v11;
	v11 =	vmul.f32 v20, v5  }
0x286: {  	s28 =	sand.u32 $0x1C00, s17;
	s26 =	sand.u32 $0x50, s25;
	s25 =	sor.u32 s25, s17;
	v16 =	vmul.f32 v24, v4;
	v17 =	vmul.f32 v24, v5;
	[tilespmem:s20+$0x120] =	vst v9;
	v9 =	vsub.f32 v10, v12  }
0x287: {  	s26 =	sor.u32 s26, s28;
	[tilespmem:s20+$0x100] =	vst v6;
	v6 =	vadd.f32 v11, v14  }
0x288: {  	v10 =	vsub.f32 v13, v16;
	v7 =	vadd.f32 v17, v7;
	[tilespmem:s20+$0x200] =	vst v9  }
0x289: {  	[tilespmem:s20+$0x280] =	vst v8  }
0x28a: {  	[tilespmem:s20+$0x1A0] =	vst v15  }
0x28b: {  	[tilespmem:s20+$0x0] =	vst v10  }
0x28c: {  	[tilespmem:s20+$0x220] =	vst v6  }
0x28d: {  	s28 =	sor.u32 $0x300, s19;
	s19 =	smov.u32 s24;
	[tilespmem:s20+$0x20] =	vst v7;
	s20 =	smov.u32 s26  }
0x28e: {  	s24 =	sor.u32 $0x300, s16;
	v6 =	vld [tilespmem:s28+$0x0]  }
0x28f: {  	v7 =	vld [tilespmem:s24+$0x0];
	_ =	sdelay $0x3  }
0x290: {  	v8 =	vmul.f32 v6, v5;
	v6 =	vmul.f32 v6, v4  }
0x291: {  	v9 =	vmul.f32 v7, v4;
	v7 =	vmul.f32 v7, v5;
	_ =	sdelay $0x1  }
0x292: {  	v8 =	vsub.f32 v8, v9  }
0x293: {  	v6 =	vadd.f32 v7, v6  }
0x294: {  	[tilespmem:s28+$0x0] =	vst v8  }
0x295: {  	[tilespmem:s24+$0x0] =	vst v6;
	s24 =	sor.u32 $0x380, s18;
	s18 =	smov.u32 s25  }
0x296: {  	s25 =	sor.u32 $0x380, s16;
	s16 =	smov.u32 s23;
	v6 =	vld [tilespmem:s24+$0x0]  }
0x297: {  	v7 =	vld [tilespmem:s25+$0x0];
	_ =	sdelay $0x3  }
0x298: {  	v8 =	vmul.f32 v6, v5;
	v6 =	vmul.f32 v6, v4  }
0x299: {  	v4 =	vmul.f32 v7, v4;
	v5 =	vmul.f32 v7, v5;
	_ =	sdelay $0x1  }
.Ltmp12:
0x29a: {  	v4 =	vsub.f32 v8, v4;
	(pc) =	sbr.rel @p1 .LBB2_20-.Ltmp12, $4  }
0x29b: {  	v5 =	vadd.f32 v5, v6  }
0x29c: {  	[tilespmem:s24+$0x0] =	vst v4  }
0x29d: {  	[tilespmem:s25+$0x0] =	vst v5  }
0x29e: {  	v4 =	vld [tilespmem:s20+$0x62A0]  }
.LBB2_21:
0x29f: {  	v5 =	vld [tilespmem:s20+$0x80]  }
0x2a0: {  	v6 =	vld [tilespmem:s20+$0x22A0]  }
0x2a1: {  	v7 =	vld [tilespmem:s20+$0x280]  }
0x2a2: {  	v9 =	vld [tilespmem:s20+$0x2A0]  }
0x2a3: {  	v10 =	vld [tilespmem:s20+$0xA0]  }
0x2a4: {  	v11 =	vld [tilespmem:s20+$0x180]  }
0x2a5: {  	v12 =	vld [tilespmem:s20+$0x1A0]  }
0x2a6: {  	v8 =	vld [tilespmem:s20+$0x120]  }
0x2a7: {  	v13 =	vld [tilespmem:s20+$0x100];
	v14 =	vmul.f32 v7, v4;
	v16 =	vmul.f32 v9, v6  }
0x2a8: {  	v15 =	vld [tilespmem:s20+$0x220];
	v17 =	vmul.f32 v5, v6;
	v18 =	vmul.f32 v10, v4  }
0x2a9: {  	v19 =	vld [tilespmem:s20+$0x200];
	v5 =	vmul.f32 v5, v4;
	v10 =	vmul.f32 v10, v6  }
0x2aa: {  	v21 =	vmul.f32 v12, v4;
	v58 =	vmul.f32 v11, v6;
	v14 =	vadd.f32 v16, v14  }
0x2ab: {  	v7 =	vmul.f32 v7, v6;
	v9 =	vmul.f32 v9, v4;
	v17 =	vsub.f32 v17, v18  }
0x2ac: {  	v20 =	vld [tilespmem:s20+$0x0];
	v22 =	vmul.f32 v13, v4;
	v5 =	vadd.f32 v10, v5;
	v10 =	vmul.f32 v8, v6;
	[tilespmem:s20+$0x2A0] =	vst v14  }
0x2ad: {  	v13 =	vmul.f32 v13, v6;
	v16 =	vld [tilespmem:s20+$0x20];
	v8 =	vmul.f32 v8, v4;
	v7 =	vsub.f32 v7, v9;
	[tilespmem:s20+$0x80] =	vst v17  }
0x2ae: {  	v17 =	vmul.f32 v15, v4;
	[tilespmem:s20+$0xA0] =	vst v5;
	v5 =	vadd.f32 v10, v22;
	v10 =	vmul.f32 v19, v6  }
0x2af: {  	v11 =	vmul.f32 v11, v4;
	v12 =	vmul.f32 v12, v6;
	v8 =	vsub.f32 v13, v8;
	[tilespmem:s20+$0x280] =	vst v7  }
0x2b0: {  	v14 =	vsub.f32 v58, v21;
	[tilespmem:s20+$0x120] =	vst v5;
	v5 =	vsub.f32 v10, v17  }
0x2b1: {  	[tilespmem:s20+$0x100] =	vst v8;
	v8 =	vadd.f32 v12, v11;
	v11 =	vmul.f32 v19, v4;
	v12 =	vmul.f32 v15, v6  }
0x2b2: {  	[tilespmem:s20+$0x180] =	vst v14;
	v10 =	vmul.f32 v20, v6;
	v9 =	vmul.f32 v16, v4  }
0x2b3: {  	v13 =	vmul.f32 v16, v6;
	[tilespmem:s20+$0x200] =	vst v5;
	v5 =	vmul.f32 v20, v4;
	v7 =	vadd.f32 v12, v11  }
0x2b4: {  	[tilespmem:s20+$0x1A0] =	vst v8;
	v9 =	vsub.f32 v10, v9  }
0x2b5: {  	v5 =	vadd.f32 v13, v5;
	[tilespmem:s20+$0x220] =	vst v7  }
0x2b6: {  	[tilespmem:s20+$0x0] =	vst v9  }
0x2b7: {  	s17 =	sor.u32 $0x300, s19;
	[tilespmem:s20+$0x20] =	vst v5  }
0x2b8: {  	s25 =	sor.u32 $0x300, s16;
	v5 =	vld [tilespmem:s17+$0x0]  }
0x2b9: {  	v7 =	vld [tilespmem:s25+$0x0];
	_ =	sdelay $0x4  }
0x2ba: {  	v8 =	vmul.f32 v5, v6;
	v9 =	vmul.f32 v7, v4  }
0x2bb: {  	v5 =	vmul.f32 v5, v4;
	v7 =	vmul.f32 v7, v6  }
0x2bc: {  	v8 =	vsub.f32 v8, v9  }
0x2bd: {  	v5 =	vadd.f32 v7, v5  }
0x2be: {  	[tilespmem:s17+$0x0] =	vst v8  }
0x2bf: {  	s26 =	sor.u32 $0x380, s18;
	[tilespmem:s25+$0x0] =	vst v5  }
0x2c0: {  	s28 =	sor.u32 $0x380, s16;
	v5 =	vld [tilespmem:s26+$0x0]  }
0x2c1: {  	v7 =	vld [tilespmem:s28+$0x0];
	_ =	sdelay $0x4  }
0x2c2: {  	v8 =	vmul.f32 v5, v6;
	v9 =	vmul.f32 v7, v4  }
0x2c3: {  	v4 =	vmul.f32 v5, v4;
	v5 =	vmul.f32 v7, v6  }
0x2c4: {  	s29 =	sand.u32 $0x3, s15;
	v6 =	vsub.f32 v8, v9  }
0x2c5: {  	s16 =	sshll.u32 s29, $0x4;
	v4 =	vadd.f32 v5, v4  }
0x2c6: {  	s30 =	sand.u32 $0x30, s15;
	s31 =	sand.u32 $0x1C00, s15;
	s16 =	sadd.s32 s16, s15;
	[tilespmem:s26+$0x0] =	vst v6  }
0x2c7: {  	s19 =	sor.u32 s30, s31;
	s17 =	sadd.s32 $0x40, s16;
	[tilespmem:s28+$0x0] =	vst v4  }
0x2c8: {  	s18 =	sor.u32 $0x300, s17;
	v6 =	vld [tilespmem:s19+$0x1C0]  }
0x2c9: {  	v4 =	vld [tilespmem:s18+$0x6000]  }
0x2ca: {  	v7 =	vld [tilespmem:s19+$0x180]  }
0x2cb: {  	v5 =	vld [tilespmem:s18+$0x2000]  }
0x2cc: {  	v8 =	vld [tilespmem:s19+$0x100]  }
0x2cd: {  	v9 =	vld [tilespmem:s19+$0xC0]  }
0x2ce: {  	v10 =	vld [tilespmem:s19+$0x140];
	_ =	sdelay $0x1  }
0x2cf: {  	v12 =	vld [tilespmem:s19+$0x80];
	v11 =	vmul.f32 v6, v4;
	v13 =	vmul.f32 v7, v4  }
0x2d0: {  	v15 =	vld [tilespmem:s19+$0x2C0];
	v7 =	vmul.f32 v7, v5;
	v14 =	vmul.f32 v8, v5  }
0x2d1: {  	v16 =	vld [tilespmem:s19+$0x280];
	v6 =	vmul.f32 v6, v5;
	v17 =	vmul.f32 v9, v4  }
0x2d2: {  	v61 =	vld [tilespmem:s19+$0x0];
	v60 =	vmul.f32 v9, v5;
	v9 =	vmul.f32 v10, v4;
	v7 =	vsub.f32 v7, v11  }
0x2d3: {  	v59 =	vld [tilespmem:s19+$0x40];
	v6 =	vadd.f32 v6, v13  }
0x2d4: {  	p0 =	sne.s32 s15, $0x1F0;
	v8 =	vmul.f32 v8, v4;
	v11 =	vmul.f32 v10, v5;
	[tilespmem:s19+$0x180] =	vst v7;
	v7 =	vsub.f32 v14, v9  }
.Ltmp13:
0x2d5: {  	v10 =	vmul.f32 v12, v5;
	v12 =	vmul.f32 v12, v4;
	[tilespmem:s19+$0x1C0] =	vst v6;
	v6 =	vld [tilespmem:s19+$0x240];
	(pc) =	sbr.rel @!p0 .LBB2_23-.Ltmp13, $4  }
0x2d6: {  	v62 =	vmul.f32 v15, v4;
	v63 =	vmul.f32 v16, v5;
	v8 =	vadd.f32 v11, v8;
	[tilespmem:s19+$0x100] =	vst v7;
	v7 =	vld [tilespmem:s19+$0x200]  }
0x2d7: {  	v13 =	vmul.f32 v61, v5;
	v9 =	vmul.f32 v15, v5;
	v15 =	vadd.f32 v60, v12  }
0x2d8: {  	v11 =	vmul.f32 v16, v4;
	v12 =	vmul.f32 v59, v5;
	[tilespmem:s19+$0x140] =	vst v8;
	v8 =	vsub.f32 v10, v17  }
0x2d9: {  	s21 =	smov.u32 s15;
	s22 =	smov.u32 s15;
	s20 =	sadd.s32 $0x10, s15;
	v14 =	vmul.f32 v61, v4;
	v10 =	vmul.f32 v59, v4;
	[tilespmem:s19+$0xC0] =	vst v15;
	v15 =	vsub.f32 v63, v62  }
.LBB2_22:
0x2da: {  	p0 =	sne.s32 s20, $0x1F0;
	[tilespmem:s19+$0x80] =	vst v8;
	v8 =	vmul.f32 v6, v5;
	v9 =	vadd.f32 v9, v11;
	s21 =	sadd.s32 $0x100, s21;
	s22 =	sadd.s32 $0x1, s22  }
0x2db: {  	s23 =	smov.u32 s20;
	s20 =	sadd.s32 $0x10, s20;
	v10 =	vsub.f32 v13, v10;
	v11 =	vadd.f32 v12, v14;
	v12 =	vmul.f32 v7, v4;
	[tilespmem:s19+$0x280] =	vst v15  }
0x2dc: {  	v6 =	vmul.f32 v6, v4;
	v7 =	vmul.f32 v7, v5;
	[tilespmem:s19+$0x2C0] =	vst v9  }
0x2dd: {  	[tilespmem:s19+$0x40] =	vst v11;
	v8 =	vadd.f32 v8, v12  }
0x2de: {  	v6 =	vsub.f32 v7, v6;
	[tilespmem:s19+$0x0] =	vst v10  }
0x2df: {  	[tilespmem:s19+$0x240] =	vst v8  }
0x2e0: {  	[tilespmem:s19+$0x200] =	vst v6;
	s19 =	sor.u32 $0x300, s16  }
0x2e1: {  	v6 =	vld [tilespmem:s19+$0x0]  }
0x2e2: {  	v7 =	vld [tilespmem:s18+$0x0];
	_ =	sdelay $0x4  }
0x2e3: {  	v8 =	vmul.f32 v6, v5;
	v9 =	vmul.f32 v7, v4  }
0x2e4: {  	s24 =	sand.u32 $0x3, s22;
	v6 =	vmul.f32 v6, v4;
	v7 =	vmul.f32 v7, v5  }
0x2e5: {  	s24 =	sshll.u32 s24, $0x4;
	v8 =	vsub.f32 v8, v9  }
0x2e6: {  	s24 =	sadd.s32 s24, s21;
	v6 =	vadd.f32 v7, v6  }
0x2e7: {  	s25 =	sadd.s32 $0x40, s24;
	[tilespmem:s19+$0x0] =	vst v8  }
0x2e8: {  	s19 =	sor.u32 $0x380, s16;
	s16 =	smov.u32 s24;
	[tilespmem:s18+$0x0] =	vst v6;
	s18 =	sor.u32 $0x300, s25  }
0x2e9: {  	s24 =	sor.u32 $0x380, s17;
	s17 =	smov.u32 s25;
	v6 =	vld [tilespmem:s19+$0x0]  }
0x2ea: {  	v7 =	vld [tilespmem:s24+$0x0];
	_ =	sdelay $0x3  }
0x2eb: {  	v8 =	vmul.f32 v6, v5;
	v6 =	vmul.f32 v6, v4  }
0x2ec: {  	v4 =	vmul.f32 v7, v4;
	v5 =	vmul.f32 v7, v5;
	_ =	sdelay $0x1  }
0x2ed: {  	v4 =	vsub.f32 v8, v4;
	v5 =	vadd.f32 v5, v6;
	_ =	sdelay $0x1  }
0x2ee: {  	s23 =	sand.u32 $0x30, s23;
	s25 =	sand.u32 $0x1C00, s21;
	[tilespmem:s19+$0x0] =	vst v4  }
0x2ef: {  	s19 =	sor.u32 s23, s25;
	[tilespmem:s24+$0x0] =	vst v5  }
0x2f0: {  	v6 =	vld [tilespmem:s19+$0x1C0]  }
0x2f1: {  	v4 =	vld [tilespmem:s18+$0x6000]  }
0x2f2: {  	v7 =	vld [tilespmem:s19+$0x180]  }
0x2f3: {  	v5 =	vld [tilespmem:s18+$0x2000]  }
0x2f4: {  	v8 =	vld [tilespmem:s19+$0x100]  }
0x2f5: {  	v9 =	vld [tilespmem:s19+$0xC0]  }
0x2f6: {  	v10 =	vld [tilespmem:s19+$0x140];
	v11 =	vmul.f32 v6, v4  }
0x2f7: {  	v12 =	vld [tilespmem:s19+$0x80];
	v13 =	vmul.f32 v7, v4  }
0x2f8: {  	v7 =	vmul.f32 v7, v5  }
0x2f9: {  	v14 =	vmul.f32 v8, v5;
	v8 =	vmul.f32 v8, v4  }
0x2fa: {  	v6 =	vmul.f32 v6, v5;
	v15 =	vmul.f32 v9, v4;
	v7 =	vsub.f32 v7, v11;
	v11 =	vld [tilespmem:s19+$0x2C0]  }
0x2fb: {  	v9 =	vmul.f32 v9, v5;
	v16 =	vmul.f32 v10, v5;
	v17 =	vld [tilespmem:s19+$0x280]  }
0x2fc: {  	v13 =	vadd.f32 v6, v13;
	v18 =	vld [tilespmem:s19+$0x40];
	v19 =	vmul.f32 v12, v5;
	v12 =	vmul.f32 v12, v4  }
0x2fd: {  	v10 =	vmul.f32 v10, v4;
	v20 =	vld [tilespmem:s19+$0x0];
	v16 =	vadd.f32 v16, v8  }
.Ltmp14:
0x2fe: {  	v8 =	vsub.f32 v19, v15;
	v15 =	vadd.f32 v9, v12;
	[tilespmem:s19+$0x180] =	vst v7;
	v6 =	vld [tilespmem:s19+$0x240];
	(pc) =	sbr.rel @p0 .LBB2_22-.Ltmp14, $4  }
0x2ff: {  	v14 =	vsub.f32 v14, v10;
	[tilespmem:s19+$0x1C0] =	vst v13;
	v7 =	vld [tilespmem:s19+$0x200];
	v19 =	vmul.f32 v11, v4;
	v9 =	vmul.f32 v11, v5  }
0x300: {  	[tilespmem:s19+$0x140] =	vst v16;
	v16 =	vmul.f32 v17, v5;
	v11 =	vmul.f32 v17, v4  }
0x301: {  	v10 =	vmul.f32 v18, v4;
	v12 =	vmul.f32 v18, v5;
	[tilespmem:s19+$0x100] =	vst v14  }
0x302: {  	v13 =	vmul.f32 v20, v5;
	v14 =	vmul.f32 v20, v4;
	[tilespmem:s19+$0xC0] =	vst v15;
	v15 =	vsub.f32 v16, v19  }
.LBB2_23:
0x303: {  	[tilespmem:s19+$0x80] =	vst v8;
	v8 =	vadd.f32 v9, v11  }
0x304: {  	v45 =	vmul.f32 v6, v5;
	v46 =	vadd.f32 v12, v14;
	v47 =	vmul.f32 v7, v4;
	[tilespmem:s19+$0x280] =	vst v15  }
0x305: {  	v6 =	vmul.f32 v6, v4;
	v10 =	vsub.f32 v13, v10;
	v7 =	vmul.f32 v7, v5;
	[tilespmem:s19+$0x2C0] =	vst v8  }
0x306: {  	[tilespmem:s19+$0x40] =	vst v46;
	v8 =	vadd.f32 v45, v47  }
0x307: {  	[tilespmem:s19+$0x0] =	vst v10;
	v6 =	vsub.f32 v7, v6  }
0x308: {  	[tilespmem:s19+$0x240] =	vst v8  }
0x309: {  	s26 =	sor.u32 $0x300, s16;
	[tilespmem:s19+$0x200] =	vst v6  }
0x30a: {  	v6 =	vld [tilespmem:s26+$0x0]  }
0x30b: {  	v7 =	vld [tilespmem:s18+$0x0];
	_ =	sdelay $0x4  }
0x30c: {  	v8 =	vmul.f32 v6, v5;
	v48 =	vmul.f32 v7, v4  }
0x30d: {  	v7 =	vmul.f32 v7, v5;
	v6 =	vmul.f32 v6, v4  }
0x30e: {  	v8 =	vsub.f32 v8, v48  }
0x30f: {  	v6 =	vadd.f32 v7, v6  }
0x310: {  	[tilespmem:s26+$0x0] =	vst v8  }
0x311: {  	s28 =	sor.u32 $0x380, s16;
	[tilespmem:s18+$0x0] =	vst v6  }
0x312: {  	s17 =	sor.u32 $0x380, s17;
	v6 =	vld [tilespmem:s28+$0x0]  }
0x313: {  	v7 =	vld [tilespmem:s17+$0x0];
	_ =	sdelay $0x4  }
0x314: {  	v8 =	vmul.f32 v6, v5;
	v49 =	vmul.f32 v7, v4  }
0x315: {  	s29 =	sand.u32 $0x30, s15;
	s30 =	sand.u32 $0x7, s15;
	v4 =	vmul.f32 v6, v4;
	v5 =	vmul.f32 v7, v5  }
0x316: {  	s19 =	sor.u32 s30, s29;
	v6 =	vsub.f32 v8, v49  }
0x317: {  	s19 =	sshll.u32 s19, $0x4;
	v4 =	vadd.f32 v5, v4  }
0x318: {  	s31 =	sor.u32 s15, s19;
	[tilespmem:s28+$0x0] =	vst v6  }
0x319: {  	s20 =	sand.u32 $0x1800, s15;
	s19 =	sand.u32 $0x70, s19;
	[tilespmem:s17+$0x0] =	vst v4;
	s17 =	sor.u32 $0x780, s31  }
0x31a: {  	s20 =	sor.u32 s19, s20;
	s18 =	sshll.u32 s29, $0x7;
	v4 =	vld [tilespmem:s17+$0x6000]  }
0x31b: {  	s18 =	sor.u32 s19, s18;
	v6 =	vld [tilespmem:s20+$0x400]  }
0x31c: {  	v7 =	vld [tilespmem:s18+$0x0]  }
0x31d: {  	v5 =	vld [tilespmem:s17+$0x2000];
	_ =	sdelay $0x4  }
0x31e: {  	v8 =	vmul.f32 v6, v4;
	v50 =	vmul.f32 v7, v5  }
0x31f: {  	v7 =	vmul.f32 v7, v4;
	v6 =	vmul.f32 v6, v5  }
0x320: {  	v8 =	vsub.f32 v50, v8  }
0x321: {  	v51 =	vld [tilespmem:s20+$0x500];
	v6 =	vadd.f32 v6, v7  }
0x322: {  	v7 =	vld [tilespmem:s20+$0x600];
	[tilespmem:s18+$0x0] =	vst v8  }
0x323: {  	[tilespmem:s20+$0x400] =	vst v6;
	v6 =	vld [tilespmem:s20+$0x580]  }
0x324: {  	v8 =	vld [tilespmem:s18+$0x200]  }
0x325: {  	v10 =	vld [tilespmem:s18+$0x180]  }
0x326: {  	v11 =	vld [tilespmem:s18+$0x100];
	_ =	sdelay $0x1  }
0x327: {  	v54 =	vld [tilespmem:s20+$0x480]  }
0x328: {  	v18 =	vld [tilespmem:s18+$0x80];
	v55 =	vmul.f32 v7, v5;
	v16 =	vmul.f32 v8, v4  }
0x329: {  	v52 =	vld [tilespmem:s20+$0x680];
	v17 =	vmul.f32 v6, v5;
	v19 =	vmul.f32 v10, v4  }
0x32a: {  	v20 =	vmul.f32 v51, v4;
	v53 =	vld [tilespmem:s18+$0x280];
	v21 =	vmul.f32 v11, v5;
	v15 =	vadd.f32 v55, v16  }
0x32b: {  	v6 =	vmul.f32 v6, v4;
	v10 =	vmul.f32 v10, v5;
	v56 =	vadd.f32 v17, v19  }
0x32c: {  	v7 =	vmul.f32 v7, v4;
	v8 =	vmul.f32 v8, v5;
	v58 =	vsub.f32 v21, v20;
	[tilespmem:s20+$0x600] =	vst v15  }
0x32d: {  	v60 =	vmul.f32 v54, v5;
	v61 =	vmul.f32 v18, v4;
	v6 =	vsub.f32 v10, v6;
	[tilespmem:s20+$0x580] =	vst v56  }
0x32e: {  	v9 =	vmul.f32 v51, v5;
	v11 =	vmul.f32 v11, v4;
	v7 =	vsub.f32 v8, v7;
	[tilespmem:s18+$0x100] =	vst v58  }
0x32f: {  	v57 =	vmul.f32 v52, v5;
	v59 =	vmul.f32 v53, v4;
	v10 =	vadd.f32 v60, v61;
	[tilespmem:s18+$0x180] =	vst v6  }
0x330: {  	v62 =	vmul.f32 v54, v4;
	v63 =	vmul.f32 v18, v5;
	v9 =	vadd.f32 v9, v11;
	[tilespmem:s18+$0x200] =	vst v7  }
0x331: {  	p0 =	sne.s32 s15, $0x1F;
	v8 =	vmul.f32 v52, v4;
	v15 =	vadd.f32 v57, v59;
	v6 =	vmul.f32 v53, v5;
	[tilespmem:s20+$0x480] =	vst v10  }
.Ltmp15:
0x332: {  	v7 =	vsub.f32 v63, v62;
	[tilespmem:s20+$0x500] =	vst v9;
	(pc) =	sbr.rel @!p0 .LBB2_25-.Ltmp15, $4  }
0x333: {  	[tilespmem:s20+$0x680] =	vst v15;
	v6 =	vsub.f32 v6, v8  }
0x334: {  	[tilespmem:s18+$0x80] =	vst v7  }
0x335: {  	s21 =	sor.u32 $0x700, s31;
	[tilespmem:s18+$0x280] =	vst v6;
	v6 =	vld [tilespmem:s18+$0x300]  }
0x336: {  	s16 =	simm.s32 $0x0;
	s19 =	sadd.s32 $0x1, s15;
	s20 =	smov.u32 s15;
	v7 =	vld [tilespmem:s21+$0x0]  }
.LBB2_24:
0x337: {  	p0 =	sne.s32 s19, $0x1F;
	s15 =	sadd.s32 $0x100, s15;
	s20 =	sadd.s32 $0x2, s20  }
0x338: {  	s22 =	smov.u32 s19;
	s19 =	sadd.s32 $0x1, s19;
	_ =	sdelay $0x1  }
0x339: {  	v8 =	vmul.f32 v6, v5;
	v6 =	vmul.f32 v6, v4  }
0x33a: {  	v9 =	vmul.f32 v7, v4;
	v7 =	vmul.f32 v7, v5;
	_ =	sdelay $0x1  }
0x33b: {  	v8 =	vsub.f32 v8, v9  }
0x33c: {  	v6 =	vadd.f32 v7, v6  }
0x33d: {  	s23 =	sand.u32 $0x30, s20;
	s22 =	sand.u32 $0x7, s22;
	[tilespmem:s18+$0x300] =	vst v8  }
0x33e: {  	s22 =	sor.u32 s22, s23;
	[tilespmem:s21+$0x0] =	vst v6  }
0x33f: {  	s21 =	sshll.u32 s22, $0x4;
	s22 =	sand.u32 $0x1800, s15;
	v6 =	vld [tilespmem:s18+$0x380]  }
0x340: {  	s23 =	sshll.u32 s23, $0x7;
	s24 =	sand.u32 $0x70, s21;
	s21 =	sor.u32 s15, s21;
	v7 =	vld [tilespmem:s17+$0x0]  }
0x341: {  	s25 =	sor.u32 $0x780, s21;
	s23 =	sor.u32 s24, s23;
	s22 =	sor.u32 s24, s22  }
0x342: {  	_ =	sdelay $0x1  }
0x343: {  	v8 =	vmul.f32 v6, v5;
	v6 =	vmul.f32 v6, v4  }
0x344: {  	v4 =	vmul.f32 v7, v4;
	v5 =	vmul.f32 v7, v5;
	_ =	sdelay $0x1  }
0x345: {  	v4 =	vsub.f32 v8, v4;
	v5 =	vadd.f32 v5, v6;
	_ =	sdelay $0x1  }
0x346: {  	[tilespmem:s18+$0x380] =	vst v4;
	s18 =	smov.u32 s23  }
0x347: {  	v4 =	vld [tilespmem:s25+$0x6000];
	[tilespmem:s17+$0x0] =	vst v5;
	s17 =	smov.u32 s25  }
0x348: {  	v6 =	vld [tilespmem:s22+$0x400]  }
0x349: {  	v7 =	vld [tilespmem:s18+$0x0]  }
0x34a: {  	v5 =	vld [tilespmem:s17+$0x2000]  }
0x34b: {  	v8 =	vld [tilespmem:s22+$0x500]  }
0x34c: {  	v9 =	vld [tilespmem:s22+$0x600];
	_ =	sdelay $0x1  }
0x34d: {  	v10 =	vmul.f32 v6, v4;
	v11 =	vmul.f32 v7, v4  }
0x34e: {  	v7 =	vmul.f32 v7, v5;
	v6 =	vmul.f32 v6, v5  }
0x34f: {  	v12 =	vmul.f32 v8, v4  }
0x350: {  	v8 =	vmul.f32 v8, v5;
	v7 =	vsub.f32 v7, v10;
	v10 =	vmul.f32 v9, v4  }
0x351: {  	v6 =	vadd.f32 v6, v11  }
0x352: {  	[tilespmem:s18+$0x0] =	vst v7;
	v7 =	vld [tilespmem:s22+$0x480]  }
0x353: {  	[tilespmem:s22+$0x400] =	vst v6;
	v6 =	vld [tilespmem:s22+$0x580]  }
0x354: {  	v11 =	vld [tilespmem:s18+$0x200]  }
0x355: {  	v9 =	vmul.f32 v9, v5;
	v13 =	vld [tilespmem:s18+$0x180]  }
0x356: {  	v14 =	vld [tilespmem:s18+$0x100]  }
0x357: {  	v15 =	vmul.f32 v7, v4;
	v7 =	vmul.f32 v7, v5;
	v16 =	vld [tilespmem:s22+$0x680]  }
0x358: {  	v17 =	vmul.f32 v6, v4;
	v6 =	vmul.f32 v6, v5;
	v18 =	vld [tilespmem:s18+$0x280]  }
0x359: {  	v19 =	vld [tilespmem:s18+$0x80];
	v20 =	vmul.f32 v11, v5;
	v11 =	vmul.f32 v11, v4  }
0x35a: {  	v21 =	vmul.f32 v13, v5;
	v13 =	vmul.f32 v13, v4  }
0x35b: {  	v22 =	vmul.f32 v14, v5;
	v14 =	vmul.f32 v14, v4;
	v9 =	vadd.f32 v9, v11  }
0x35c: {  	v11 =	vsub.f32 v21, v17;
	v6 =	vadd.f32 v6, v13;
	v13 =	vmul.f32 v16, v5  }
0x35d: {  	v10 =	vsub.f32 v20, v10;
	v12 =	vsub.f32 v22, v12;
	[tilespmem:s22+$0x600] =	vst v9;
	v9 =	vmul.f32 v18, v4  }
0x35e: {  	v8 =	vadd.f32 v8, v14;
	v17 =	vmul.f32 v19, v5;
	v19 =	vmul.f32 v19, v4;
	[tilespmem:s22+$0x580] =	vst v6  }
0x35f: {  	v6 =	vmul.f32 v18, v5;
	[tilespmem:s18+$0x100] =	vst v12;
	v12 =	vmul.f32 v16, v4;
	v9 =	vadd.f32 v13, v9  }
0x360: {  	v13 =	vsub.f32 v17, v15;
	v7 =	vadd.f32 v7, v19;
	[tilespmem:s18+$0x180] =	vst v11  }
0x361: {  	v6 =	vsub.f32 v6, v12;
	[tilespmem:s22+$0x680] =	vst v9  }
0x362: {  	[tilespmem:s18+$0x200] =	vst v10  }
.Ltmp16:
0x363: {  	[tilespmem:s22+$0x480] =	vst v7;
	(pc) =	sbr.rel @p0 .LBB2_24-.Ltmp16, $4  }
0x364: {  	[tilespmem:s22+$0x500] =	vst v8  }
0x365: {  	[tilespmem:s18+$0x280] =	vst v6  }
0x366: {  	s21 =	sor.u32 $0x700, s21;
	[tilespmem:s18+$0x80] =	vst v13;
	v6 =	vld [tilespmem:s18+$0x300]  }
0x367: {  	v7 =	vld [tilespmem:s21+$0x0]  }
.LBB2_25:
0x368: {  	_ =	sdelay $0x3  }
0x369: {  	v8 =	vmul.f32 v6, v5;
	v9 =	vmul.f32 v7, v4  }
0x36a: {  	v6 =	vmul.f32 v6, v4;
	v7 =	vmul.f32 v7, v5  }
0x36b: {  	v8 =	vsub.f32 v8, v9  }
0x36c: {  	v6 =	vadd.f32 v7, v6  }
0x36d: {  	[tilespmem:s18+$0x300] =	vst v8  }
0x36e: {  	[tilespmem:s21+$0x0] =	vst v6  }
0x36f: {  	v6 =	vld [tilespmem:s18+$0x380]  }
0x370: {  	v7 =	vld [tilespmem:s17+$0x0];
	_ =	sdelay $0x4  }
0x371: {  	v8 =	vmul.f32 v6, v5;
	v9 =	vmul.f32 v7, v4  }
0x372: {  	s15 =	sand.u32 $0x20, s16;
	s19 =	sand.u32 $0xF, s16;
	v4 =	vmul.f32 v6, v4;
	v5 =	vmul.f32 v7, v5  }
0x373: {  	s15 =	sor.u32 s19, s15;
	v6 =	vsub.f32 v8, v9  }
0x374: {  	s19 =	sshll.u32 s15, $0x4;
	s15 =	sshll.u32 s15, $0x7;
	v4 =	vadd.f32 v5, v4  }
0x375: {  	s15 =	sor.u32 s19, s15;
	[tilespmem:s18+$0x380] =	vst v6  }
0x376: {  	[tilespmem:s17+$0x0] =	vst v4;
	s17 =	sand.u32 $0x1470, s15  }
0x377: {  	v4 =	vld [tilespmem:s17+$0x4800]  }
0x378: {  	v8 =	vld [tilespmem:s17+$0xA80]  }
0x379: {  	p0 =	sne.s32 s16, $0x1F;
	v6 =	vld [tilespmem:s17+$0x0]  }
.Ltmp17:
0x37a: {  	v7 =	vld [tilespmem:s17+$0x180];
	(pc) =	sbr.rel @!p0 .LBB2_27-.Ltmp17, $4  }
0x37b: {  	v5 =	vld [tilespmem:s17+$0x8800]  }
0x37c: {  	v10 =	vld [tilespmem:s17+$0x280]  }
0x37d: {  	v9 =	vld [tilespmem:s17+$0x880]  }
0x37e: {  	s19 =	smov.u32 s16;
	s18 =	sadd.s32 $0x1, s16;
	v11 =	vld [tilespmem:s17+$0x80]  }
.LBB2_26:
0x37f: {  	p0 =	sne.s32 s18, $0x1F  }
0x380: {  	v12 =	vld [tilespmem:s17+$0x980];
	s19 =	sadd.s32 $0x2, s19;
	s20 =	smov.u32 s18;
	s18 =	sadd.s32 $0x1, s18  }
0x381: {  	v13 =	vmul.f32 v6, v4;
	v14 =	vld [tilespmem:s17+$0xA00];
	v15 =	vmul.f32 v8, v5  }
0x382: {  	v16 =	vmul.f32 v7, v4;
	v17 =	vld [tilespmem:s17+$0x200];
	v18 =	vmul.f32 v10, v5  }
0x383: {  	v10 =	vmul.f32 v10, v4;
	v19 =	vmul.f32 v9, v5;
	v20 =	vld [tilespmem:s17+$0x900]  }
0x384: {  	v21 =	vmul.f32 v11, v4;
	v11 =	vmul.f32 v11, v5  }
0x385: {  	v8 =	vmul.f32 v8, v4;
	v10 =	vsub.f32 v10, v15;
	v22 =	vld [tilespmem:s17+$0x100];
	v23 =	vmul.f32 v12, v5  }
0x386: {  	v12 =	vmul.f32 v12, v4;
	v15 =	vsub.f32 v21, v19;
	v19 =	vmul.f32 v14, v5  }
0x387: {  	v7 =	vmul.f32 v7, v5;
	v9 =	vmul.f32 v9, v4;
	v8 =	vadd.f32 v8, v18;
	v21 =	vld [tilespmem:s17+$0x800];
	[tilespmem:s17+$0x280] =	vst v10  }
0x388: {  	[tilespmem:s17+$0x80] =	vst v15;
	v10 =	vmul.f32 v20, v4;
	v15 =	vmul.f32 v17, v5;
	v18 =	vld [tilespmem:s17+$0xB00]  }
0x389: {  	v9 =	vadd.f32 v9, v11;
	v14 =	vmul.f32 v14, v4;
	v11 =	vsub.f32 v16, v23;
	[tilespmem:s17+$0xA80] =	vst v8;
	v8 =	vld [tilespmem:s17+$0x300]  }
0x38a: {  	v7 =	vadd.f32 v12, v7;
	v12 =	vmul.f32 v17, v4;
	v16 =	vmul.f32 v22, v5  }
0x38b: {  	v17 =	vmul.f32 v20, v5;
	v14 =	vadd.f32 v14, v15;
	[tilespmem:s17+$0x880] =	vst v9;
	v9 =	vmul.f32 v22, v4  }
0x38c: {  	v15 =	vmul.f32 v21, v5;
	v10 =	vadd.f32 v10, v16;
	[tilespmem:s17+$0x180] =	vst v11;
	v11 =	vsub.f32 v12, v19  }
0x38d: {  	v6 =	vmul.f32 v6, v5;
	v12 =	vmul.f32 v21, v4;
	v9 =	vsub.f32 v9, v17;
	[tilespmem:s17+$0xA00] =	vst v14  }
0x38e: {  	v14 =	vmul.f32 v18, v4;
	v13 =	vsub.f32 v13, v15;
	[tilespmem:s17+$0x900] =	vst v10;
	v10 =	vmul.f32 v18, v5  }
0x38f: {  	v6 =	vadd.f32 v12, v6;
	[tilespmem:s17+$0x100] =	vst v9;
	v9 =	vmul.f32 v8, v4;
	v8 =	vmul.f32 v8, v5  }
0x390: {  	[tilespmem:s17+$0x0] =	vst v13  }
0x391: {  	[tilespmem:s17+$0x800] =	vst v6;
	v6 =	vsub.f32 v9, v10;
	v8 =	vadd.f32 v14, v8  }
0x392: {  	s21 =	sand.u32 $0x20, s19;
	s20 =	sand.u32 $0xF, s20;
	[tilespmem:s17+$0x200] =	vst v11  }
0x393: {  	s20 =	sor.u32 s20, s21;
	[tilespmem:s17+$0xB00] =	vst v8  }
0x394: {  	s21 =	sshll.u32 s20, $0x4;
	s20 =	sshll.u32 s20, $0x7;
	[tilespmem:s17+$0x300] =	vst v6  }
0x395: {  	s20 =	sor.u32 s21, s20;
	s21 =	sor.u32 $0x380, s15;
	[tilespmem:s17+$0x980] =	vst v7  }
0x396: {  	s22 =	sor.u32 $0xB80, s15;
	s15 =	smov.u32 s20;
	s17 =	sand.u32 $0x1470, s20;
	v6 =	vld [tilespmem:s21+$0x0]  }
0x397: {  	v7 =	vld [tilespmem:s22+$0x0];
	_ =	sdelay $0x3  }
0x398: {  	v8 =	vmul.f32 v6, v4;
	v6 =	vmul.f32 v6, v5  }
0x399: {  	v5 =	vmul.f32 v7, v5;
	v4 =	vmul.f32 v7, v4;
	_ =	sdelay $0x1  }
0x39a: {  	v5 =	vsub.f32 v8, v5  }
0x39b: {  	v4 =	vadd.f32 v4, v6  }
0x39c: {  	[tilespmem:s21+$0x0] =	vst v5  }
0x39d: {  	[tilespmem:s22+$0x0] =	vst v4;
	_ =	sdelay $0x1  }
0x39e: {  	v4 =	vld [tilespmem:s17+$0x4800]  }
0x39f: {  	v8 =	vld [tilespmem:s17+$0xA80]  }
0x3a0: {  	v6 =	vld [tilespmem:s17+$0x0]  }
.Ltmp18:
0x3a1: {  	v7 =	vld [tilespmem:s17+$0x180];
	(pc) =	sbr.rel @p0 .LBB2_26-.Ltmp18, $4  }
0x3a2: {  	v5 =	vld [tilespmem:s17+$0x8800]  }
0x3a3: {  	v10 =	vld [tilespmem:s17+$0x280]  }
0x3a4: {  	v9 =	vld [tilespmem:s17+$0x880]  }
0x3a5: {  	v11 =	vld [tilespmem:s17+$0x80]  }
.LBB2_27:
0x3a6: {  	v12 =	vld [tilespmem:s17+$0x980]  }
0x3a7: {  	v13 =	vld [tilespmem:s17+$0xA00]  }
0x3a8: {  	v16 =	vld [tilespmem:s17+$0x900]  }
0x3a9: {  	v20 =	vld [tilespmem:s17+$0x100];
	v15 =	vmul.f32 v8, v5;
	v17 =	vmul.f32 v10, v4  }
0x3aa: {  	v14 =	vld [tilespmem:s17+$0x200];
	v8 =	vmul.f32 v8, v4;
	v10 =	vmul.f32 v10, v5  }
0x3ab: {  	v18 =	vmul.f32 v9, v5;
	v19 =	vmul.f32 v11, v4;
	v15 =	vsub.f32 v17, v15  }
0x3ac: {  	v55 =	vld [tilespmem:s17+$0x800];
	v9 =	vmul.f32 v9, v4;
	v11 =	vmul.f32 v11, v5;
	v8 =	vadd.f32 v8, v10  }
0x3ad: {  	v56 =	vmul.f32 v7, v4;
	v21 =	vmul.f32 v12, v5;
	v54 =	vsub.f32 v19, v18;
	[tilespmem:s17+$0x280] =	vst v15  }
0x3ae: {  	v57 =	vld [tilespmem:s17+$0xB00];
	v58 =	vmul.f32 v16, v4;
	v59 =	vmul.f32 v20, v5;
	v9 =	vadd.f32 v9, v11;
	[tilespmem:s17+$0xA80] =	vst v8  }
0x3af: {  	v10 =	vmul.f32 v14, v5;
	v11 =	vmul.f32 v13, v4;
	v8 =	vld [tilespmem:s17+$0x300];
	v19 =	vsub.f32 v56, v21;
	[tilespmem:s17+$0x80] =	vst v54  }
0x3b0: {  	v16 =	vmul.f32 v16, v5;
	v17 =	vadd.f32 v58, v59;
	[tilespmem:s17+$0x880] =	vst v9;
	v9 =	vmul.f32 v20, v4  }
0x3b1: {  	v60 =	vmul.f32 v55, v5;
	v10 =	vadd.f32 v11, v10;
	v11 =	vmul.f32 v6, v4;
	[tilespmem:s17+$0x180] =	vst v19  }
0x3b2: {  	v18 =	vmul.f32 v55, v4;
	v6 =	vmul.f32 v6, v5;
	[tilespmem:s17+$0x900] =	vst v17;
	v9 =	vsub.f32 v9, v16  }
0x3b3: {  	v61 =	vmul.f32 v14, v4;
	[tilespmem:s17+$0xA00] =	vst v10;
	v10 =	vmul.f32 v13, v5;
	v11 =	vsub.f32 v11, v60  }
0x3b4: {  	v62 =	vmul.f32 v57, v4;
	v6 =	vadd.f32 v18, v6;
	[tilespmem:s17+$0x100] =	vst v9;
	v9 =	vmul.f32 v8, v5  }
0x3b5: {  	v63 =	vmul.f32 v57, v5;
	v10 =	vsub.f32 v61, v10;
	v8 =	vmul.f32 v8, v4;
	[tilespmem:s17+$0x0] =	vst v11  }
0x3b6: {  	v7 =	vmul.f32 v7, v5;
	v11 =	vmul.f32 v12, v4;
	[tilespmem:s17+$0x800] =	vst v6;
	v6 =	vadd.f32 v62, v9  }
0x3b7: {  	v8 =	vsub.f32 v8, v63;
	[tilespmem:s17+$0x200] =	vst v10  }
0x3b8: {  	v7 =	vadd.f32 v11, v7;
	[tilespmem:s17+$0xB00] =	vst v6  }
0x3b9: {  	[tilespmem:s17+$0x300] =	vst v8  }
0x3ba: {  	s29 =	sor.u32 $0x380, s15;
	[tilespmem:s17+$0x980] =	vst v7  }
0x3bb: {  	s30 =	sor.u32 $0xB80, s15;
	v6 =	vld [tilespmem:s29+$0x0]  }
0x3bc: {  	v7 =	vld [tilespmem:s30+$0x0];
	_ =	sdelay $0x4  }
0x3bd: {  	v8 =	vmul.f32 v6, v4;
	v9 =	vmul.f32 v7, v5  }
0x3be: {  	v5 =	vmul.f32 v6, v5;
	v4 =	vmul.f32 v7, v4  }
0x3bf: {  	v6 =	vsub.f32 v8, v9  }
0x3c0: {  	v4 =	vadd.f32 v4, v5  }
0x3c1: {  	s31 =	sand.u32 $0x70, s16;
	s18 =	sand.u32 $0xC00, s16;
	[tilespmem:s29+$0x0] =	vst v6  }
0x3c2: {  	s15 =	sor.u32 s18, s31;
	[tilespmem:s30+$0x0] =	vst v4  }
0x3c3: {  	v8 =	vld [tilespmem:s15+$0x180]  }
0x3c4: {  	v10 =	vld [tilespmem:s15+$0x1200]  }
0x3c5: {  	p0 =	sne.s32 s16, $0x1F0;
	v4 =	vld [tilespmem:s15+$0x9080]  }
.Ltmp19:
0x3c6: {  	v6 =	vld [tilespmem:s15+$0x300];
	(pc) =	sbr.rel @!p0 .LBB2_29-.Ltmp19, $4  }
0x3c7: {  	v7 =	vld [tilespmem:s15+$0x1300]  }
0x3c8: {  	v5 =	vld [tilespmem:s15+$0x5080]  }
0x3c9: {  	v9 =	vld [tilespmem:s15+$0x200]  }
0x3ca: {  	s18 =	sadd.s32 $0x10, s16;
	s17 =	sor.u32 s16, s16;
	v11 =	vld [tilespmem:s15+$0x80]  }
.LBB2_28:
0x3cb: {  	p0 =	sne.s32 s18, $0x1F0  }
0x3cc: {  	v12 =	vld [tilespmem:s15+$0x280];
	s16 =	sadd.s32 $0x80, s16;
	s20 =	smov.u32 s18;
	s18 =	sadd.s32 $0x10, s18  }
0x3cd: {  	v14 =	vmul.f32 v8, v4;
	s19 =	sor.u32 s20, s16;
	v13 =	vld [tilespmem:s15+$0x1080];
	v15 =	vmul.f32 v7, v4  }
0x3ce: {  	v16 =	vmul.f32 v10, v4;
	v17 =	vld [tilespmem:s15+$0x1280];
	v18 =	vmul.f32 v6, v5  }
0x3cf: {  	v10 =	vmul.f32 v10, v5;
	v19 =	vld [tilespmem:s15+$0x1180];
	v20 =	vmul.f32 v9, v5  }
0x3d0: {  	v21 =	vmul.f32 v11, v5;
	v11 =	vmul.f32 v11, v4  }
0x3d1: {  	v8 =	vmul.f32 v8, v5;
	v22 =	vld [tilespmem:s15+$0x0];
	v16 =	vsub.f32 v20, v16;
	v20 =	vmul.f32 v12, v4  }
0x3d2: {  	v12 =	vmul.f32 v12, v5;
	v23 =	vmul.f32 v13, v4;
	v24 =	vld [tilespmem:s15+$0x100]  }
0x3d3: {  	v15 =	vsub.f32 v18, v15;
	v13 =	vmul.f32 v13, v5;
	v25 =	vld [tilespmem:s15+$0x1100];
	[tilespmem:s15+$0x200] =	vst v16;
	v16 =	vmul.f32 v17, v5  }
0x3d4: {  	v17 =	vmul.f32 v17, v4;
	v18 =	vld [tilespmem:s15+$0x1000];
	v21 =	vsub.f32 v21, v23;
	v23 =	vmul.f32 v19, v4  }
0x3d5: {  	v11 =	vadd.f32 v13, v11;
	v13 =	vmul.f32 v19, v5;
	v16 =	vadd.f32 v16, v20;
	[tilespmem:s15+$0x300] =	vst v15  }
0x3d6: {  	v9 =	vmul.f32 v9, v4;
	v12 =	vsub.f32 v12, v17;
	v15 =	vmul.f32 v22, v4;
	[tilespmem:s15+$0x80] =	vst v21  }
0x3d7: {  	v13 =	vadd.f32 v13, v14;
	v17 =	vmul.f32 v24, v5;
	v19 =	vmul.f32 v24, v4;
	[tilespmem:s15+$0x1280] =	vst v16  }
0x3d8: {  	v9 =	vadd.f32 v10, v9;
	v14 =	vmul.f32 v25, v4;
	v16 =	vmul.f32 v25, v5;
	[tilespmem:s15+$0x280] =	vst v12  }
0x3d9: {  	v10 =	vmul.f32 v22, v5;
	v8 =	vsub.f32 v8, v23;
	v12 =	vmul.f32 v18, v5;
	[tilespmem:s15+$0x1080] =	vst v11  }
0x3da: {  	v11 =	vmul.f32 v18, v4;
	v14 =	vsub.f32 v17, v14;
	v16 =	vadd.f32 v16, v19;
	[tilespmem:s15+$0x1200] =	vst v9  }
0x3db: {  	v7 =	vmul.f32 v7, v5;
	v6 =	vmul.f32 v6, v4;
	v9 =	vadd.f32 v12, v15;
	[tilespmem:s15+$0x180] =	vst v8  }
0x3dc: {  	v8 =	vsub.f32 v10, v11;
	[tilespmem:s15+$0x100] =	vst v14  }
0x3dd: {  	v6 =	vadd.f32 v7, v6;
	[tilespmem:s15+$0x1000] =	vst v9  }
0x3de: {  	[tilespmem:s15+$0x0] =	vst v8  }
0x3df: {  	[tilespmem:s15+$0x1300] =	vst v6  }
0x3e0: {  	s20 =	sand.u32 $0x70, s20;
	s21 =	sand.u32 $0xC00, s16;
	[tilespmem:s15+$0x1180] =	vst v13  }
0x3e1: {  	[tilespmem:s15+$0x1100] =	vst v16;
	s15 =	sor.u32 s21, s20;
	s20 =	sor.u32 $0x380, s17  }
0x3e2: {  	s21 =	sor.u32 $0x1380, s17;
	s17 =	smov.u32 s19;
	v6 =	vld [tilespmem:s20+$0x0]  }
0x3e3: {  	v7 =	vld [tilespmem:s21+$0x0];
	_ =	sdelay $0x3  }
0x3e4: {  	v8 =	vmul.f32 v6, v5;
	v6 =	vmul.f32 v6, v4  }
0x3e5: {  	v4 =	vmul.f32 v7, v4;
	v5 =	vmul.f32 v7, v5;
	_ =	sdelay $0x1  }
0x3e6: {  	v4 =	vsub.f32 v8, v4  }
0x3e7: {  	v5 =	vadd.f32 v5, v6  }
0x3e8: {  	[tilespmem:s20+$0x0] =	vst v4  }
0x3e9: {  	[tilespmem:s21+$0x0] =	vst v5  }
0x3ea: {  	v8 =	vld [tilespmem:s15+$0x180]  }
0x3eb: {  	v10 =	vld [tilespmem:s15+$0x1200]  }
0x3ec: {  	v4 =	vld [tilespmem:s15+$0x9080]  }
.Ltmp20:
0x3ed: {  	v6 =	vld [tilespmem:s15+$0x300];
	(pc) =	sbr.rel @p0 .LBB2_28-.Ltmp20, $4  }
0x3ee: {  	v7 =	vld [tilespmem:s15+$0x1300]  }
0x3ef: {  	v5 =	vld [tilespmem:s15+$0x5080]  }
0x3f0: {  	v9 =	vld [tilespmem:s15+$0x200]  }
0x3f1: {  	v11 =	vld [tilespmem:s15+$0x80]  }
.LBB2_29:
0x3f2: {  	v12 =	vld [tilespmem:s15+$0x280]  }
0x3f3: {  	v13 =	vld [tilespmem:s15+$0x1080]  }
0x3f4: {  	v14 =	vld [tilespmem:s15+$0x1280];
	v18 =	vmul.f32 v7, v4;
	v19 =	vmul.f32 v6, v5  }
0x3f5: {  	v17 =	vld [tilespmem:s15+$0x1180];
	v53 =	vmul.f32 v6, v4;
	v52 =	vmul.f32 v7, v5  }
0x3f6: {  	v15 =	vmul.f32 v10, v4;
	v20 =	vld [tilespmem:s15+$0x0];
	v16 =	vmul.f32 v9, v5;
	v18 =	vsub.f32 v19, v18  }
0x3f7: {  	v22 =	vld [tilespmem:s15+$0x100];
	v40 =	vmul.f32 v10, v5;
	v41 =	vmul.f32 v9, v4;
	v6 =	vadd.f32 v52, v53  }
0x3f8: {  	v24 =	vld [tilespmem:s15+$0x1100];
	v36 =	vmul.f32 v11, v5;
	v15 =	vsub.f32 v16, v15;
	v21 =	vmul.f32 v13, v4;
	[tilespmem:s15+$0x300] =	vst v18  }
0x3f9: {  	v38 =	vld [tilespmem:s15+$0x1000];
	v23 =	vmul.f32 v12, v4;
	v37 =	vmul.f32 v14, v5;
	v9 =	vadd.f32 v40, v41;
	[tilespmem:s15+$0x1300] =	vst v6  }
0x3fa: {  	v12 =	vmul.f32 v12, v5;
	v14 =	vmul.f32 v14, v4;
	[tilespmem:s15+$0x200] =	vst v15;
	v16 =	vsub.f32 v36, v21  }
0x3fb: {  	v39 =	vmul.f32 v11, v4;
	v13 =	vmul.f32 v13, v5;
	v15 =	vadd.f32 v37, v23;
	[tilespmem:s15+$0x1200] =	vst v9  }
0x3fc: {  	v42 =	vmul.f32 v8, v5;
	v43 =	vmul.f32 v17, v4;
	v12 =	vsub.f32 v12, v14;
	[tilespmem:s15+$0x80] =	vst v16  }
0x3fd: {  	v44 =	vmul.f32 v22, v5;
	v45 =	vmul.f32 v24, v4;
	v11 =	vadd.f32 v13, v39;
	[tilespmem:s15+$0x1280] =	vst v15  }
0x3fe: {  	v46 =	vmul.f32 v20, v4;
	v47 =	vmul.f32 v38, v5;
	v48 =	vsub.f32 v42, v43;
	[tilespmem:s15+$0x280] =	vst v12  }
0x3ff: {  	v49 =	vmul.f32 v20, v5;
	v50 =	vmul.f32 v38, v4;
	v13 =	vsub.f32 v44, v45;
	[tilespmem:s15+$0x1080] =	vst v11  }
0x400: {  	v54 =	vmul.f32 v8, v4;
	v55 =	vmul.f32 v17, v5;
	v51 =	vadd.f32 v47, v46;
	[tilespmem:s15+$0x180] =	vst v48  }
0x401: {  	v57 =	vmul.f32 v22, v4;
	v58 =	vmul.f32 v24, v5;
	v56 =	vsub.f32 v49, v50;
	[tilespmem:s15+$0x100] =	vst v13  }
0x402: {  	v59 =	vadd.f32 v55, v54;
	[tilespmem:s15+$0x1000] =	vst v51  }
0x403: {  	v60 =	vadd.f32 v58, v57;
	[tilespmem:s15+$0x0] =	vst v56  }
0x404: {  	[tilespmem:s15+$0x1180] =	vst v59  }
0x405: {  	s31 =	sor.u32 $0x380, s17;
	[tilespmem:s15+$0x1100] =	vst v60  }
0x406: {  	s16 =	sor.u32 $0x1380, s17;
	v6 =	vld [tilespmem:s31+$0x0]  }
0x407: {  	v7 =	vld [tilespmem:s16+$0x0];
	_ =	sdelay $0x4  }
0x408: {  	v61 =	vmul.f32 v6, v5;
	v62 =	vmul.f32 v7, v4  }
0x409: {  	v4 =	vmul.f32 v6, v4;
	v5 =	vmul.f32 v7, v5  }
0x40a: {  	v63 =	vsub.f32 v61, v62  }
0x40b: {  	v4 =	vadd.f32 v5, v4  }
0x40c: {  	s13 =	sadd.s32 $0x1, s13;
	[tilespmem:s31+$0x0] =	vst v63  }
0x40d: {  	s14 =	sadd.s32 s2, s14;
	p0 =	sne.s32 s13, $0x40;
	[tilespmem:s16+$0x0] =	vst v4  }
0x40e: {  	[hbm4b:s14+s3] =	stream.linear.scatter [tilespmem:s3], [sflag:$0x1], $0x2000, $0x38;
	[tilespmem:$0xA000] =	vst v63  }
.Ltmp21:
0x40f: {  	_ = 	snop;
	(pc) =	sbr.rel @p0 .LBB2_2-.Ltmp21, $4  }
.Ltmp22:
0x410: {  	_ = 	snop;
	(pc) =	sbr.rel @!p0 .LBB2_30-.Ltmp22, $4  }
0x411: {  	_ =	swait.ge [sflag:s10], $0x2000  }
0x412: {  	[sflag:s10] =	ssyncset.done $0x0  }
0x413: {  	[sflag:s10] =	ssyncadd.s32 $0xFFFFE000  }
0x414: {  	_ = 	snop  }
.LBB2_7:
.Ltmp23:
0x415: {  	(pc) =	sbr.rel .LBB2_11-.Ltmp23, $2  }
0x416: {  	_ =	sdelay $0x2  }
0x417: {  	s18 =	simm.s32 $0x0;
	s17 =	simm.s32 $0x0;
	p2 =	por $0x0, $0x0  }
.LBB2_12:
.Ltmp24:
0x418: {  	(pc) =	sbr.rel .LBB2_17-.Ltmp24, $2  }
0x419: {  	_ =	sdelay $0x2  }
0x41a: {  	s18 =	simm.s32 $0x0  }
.LBB2_9:
.Ltmp25:
0x41b: {  	(pc) =	sbr.rel .LBB2_11-.Ltmp25, $2  }
0x41c: {  	_ =	sdelay $0x2  }
0x41d: {  	s18 =	simm.s32 $0x10  }
.LBB2_14:
.Ltmp26:
0x41e: {  	(pc) =	sbr.rel .LBB2_17-.Ltmp26, $2  }
0x41f: {  	_ =	sdelay $0x2  }
0x420: {  	s16 =	simm.s32 $0x10  }
.LBB2_31:
0x421: {  	_ =	sfence.sel $0x180000  }
0x422: {  	[bflag:$0x0] =	sbarrier.arrive $0xFFFF  }
0x423: {  	p0 =	sne.s32 s5, $0x0;
	_ =	strace $0x90000047  }
0x424: {  	s0 =	sadd.s32 @!p0 $0x100000, s1;
	[bflag:$0x2] =	sbarrier.arrive $0xFFFF  }
0x425: {  	[sflag:s0] =	ssyncadd.tile.s32 @!p0 $0x1;
	_ =	shalt  }
.Lfunc_end2:
_tile_overlayer_lowered:
.L_overlay_start_2:
0x426: {  	(tag) =	ssettag $0x2  }
0x427: {  	s0 =	rddreg [dreg:$0x0];
	s2 =	stileid.u32  }
0x428: {  	s1 =	rddreg [dreg:$0x1];
	p0 =	sne.s32 s2, $0x0  }
0x429: {  	s3 =	rddreg [dreg:$0x2];
	[bflag:$0x3] =	sbarrier.arrive $0xFFFF;
	s2 =	simm.s32 @!p0 $0x1C01  }
0x42a: {  	[timem:s3], [sflag:s2] =	dma.local @!p0 [hbm:s0], s1  }
0x42b: {  	s0 =	simm.s32 @!p0 $0x1  }
0x42c: {  	_ =	swait.ge @!p0 [sflag:s0], s1  }
0x42d: {  	s1 =	ssub.s32 @!p0 $0x0, s1;
	[sflag:s0] =	ssyncset.done @!p0 $0x0  }
0x42e: {  	[sflag:s0] =	ssyncadd.s32 @!p0 s1  }
0x42f: {  	[bflag:$0x3] =	sbarrier.arrive $0xFFFF  }
0x430: {  	_ =	shalt  }

</sc_bundles>
